<compile_context>
chip_gen: v7x
topology: tpu7x:2x2x1
jax: 0.10.2.dev20260603
libtpu: 0.0.44.dev20260713+nightly
codegen_flags: <defaults>
</compile_context>

<pallas_src>
import functools

import jax
import jax.numpy as jnp
from jax import lax
from jax.experimental import pallas as pl
from jax.experimental.pallas import tpu as pltpu
from jax.experimental.pallas import tpu_sc as plsc


def _logits_body(x_ref, w1_ref, w2_ref, lg_ref):
    h = jax.lax.dot_general(
        x_ref[...], w1_ref[...],
        (((1,), (0,)), ((), ())),
        preferred_element_type=jnp.float32,
    )
    h = jnp.maximum(h, 0.0)
    lg_ref[...] = jax.lax.dot_general(
        h, w2_ref[...],
        (((1,), (0,)), ((), ())),
        preferred_element_type=jnp.float32,
    )


def _make_sc_top2(m, e, rows_per_w):
    mesh = plsc.VectorSubcoreMesh(core_axis_name="c", subcore_axis_name="s")
    groups = rows_per_w // 16

    @functools.partial(
        pl.kernel,
        mesh=mesh,
        compiler_params=pltpu.CompilerParams(needs_layout_passes=False),
        out_type=[
            jax.ShapeDtypeStruct((m * 2,), jnp.float32),
            jax.ShapeDtypeStruct((m * 2,), jnp.int32),
        ],
        scratch_types=[
            pltpu.VMEM((rows_per_w * e,), jnp.float32),
            pltpu.VMEM((rows_per_w * 2,), jnp.float32),
            pltpu.VMEM((rows_per_w * 2,), jnp.int32),
        ],
    )
    def sc_top2(lg_hbm, rw_hbm, idx_hbm, lg_v, rw_v, idx_v):
        wid = lax.axis_index("s") * 2 + lax.axis_index("c")
        base = wid * rows_per_w
        pltpu.sync_copy(lg_hbm.at[pl.ds(base * e, rows_per_w * e)], lg_v)

        lanes = lax.iota(jnp.int32, 16)

        def group_body(g, carry):
            row_ids = g * 16 + lanes
            flat0 = row_ids * e
            m1 = jnp.full((16,), -jnp.inf, jnp.float32)
            m2 = jnp.full((16,), -jnp.inf, jnp.float32)
            i1 = jnp.zeros((16,), jnp.int32)
            i2 = jnp.zeros((16,), jnp.int32)
            for ex in range(e):
                v = plsc.load_gather(lg_v, [flat0 + ex])
                new_top = v > m1
                better2 = v > m2
                i2 = jnp.where(new_top, i1, jnp.where(better2, ex, i2))
                m2 = jnp.where(new_top, m1, jnp.where(better2, v, m2))
                i1 = jnp.where(new_top, ex, i1)
                m1 = jnp.where(new_top, v, m1)
            e2v = jnp.exp(m2 - m1)
            den = 1.0 + e2v
            w_hi = 1.0 / den
            w_lo = e2v / den
            pair0 = row_ids * 2
            plsc.store_scatter(rw_v, [pair0], w_hi)
            plsc.store_scatter(rw_v, [pair0 + 1], w_lo)
            plsc.store_scatter(idx_v, [pair0], i1)
            plsc.store_scatter(idx_v, [pair0 + 1], i2)
            return carry

        lax.fori_loop(0, groups, group_body, 0)

        pltpu.sync_copy(rw_v, rw_hbm.at[pl.ds(base * 2, rows_per_w * 2)])
        pltpu.sync_copy(idx_v, idx_hbm.at[pl.ds(base * 2, rows_per_w * 2)])

    return sc_top2


@functools.partial(jax.jit, static_argnames=())
def kernel(x, W1, b1, W2, b2):
    m, k = x.shape
    n = W1.shape[1]
    e = W2.shape[1]
    bm = 1024

    logits = pl.pallas_call(
        _logits_body,
        grid=(m // bm,),
        in_specs=[
            pl.BlockSpec((bm, k), lambda i: (i, 0)),
            pl.BlockSpec((k, n), lambda i: (0, 0)),
            pl.BlockSpec((n, e), lambda i: (0, 0)),
        ],
        out_specs=pl.BlockSpec((bm, e), lambda i: (i, 0)),
        out_shape=jax.ShapeDtypeStruct((m, e), jnp.float32),
    )(x, W1, W2)

    rw_flat, idx_flat = _make_sc_top2(m, e, m // 32)(logits.reshape(m * e))
    return (rw_flat.reshape(m, 2), idx_flat.reshape(m, 2))

# --- scband reference (transcript-rebuilt; emitter-appended) ---
"""Pipeline reference for scband-gating-network-1769526526369 (READ-ONLY COPY).

The authoritative reference and input builder live on the scoring server;
editing this copy changes nothing except your own understanding.
"""

import jax, jax.numpy as jnp
import numpy as np


def setup_inputs(seed: int = 0) -> dict:
    key = jax.random.key(seed)
    k1, k2, k3 = jax.random.split(key, 3)
    x = jax.random.normal(k1, (8192, 2048), dtype=jnp.float32)
    W1 = jax.random.normal(k2, (2048, 2048), dtype=jnp.float32) * 0.02
    b1 = jnp.zeros((2048,), dtype=jnp.float32)
    W2 = jax.random.normal(k3, (2048, 64), dtype=jnp.float32) * 0.02
    b2 = jnp.zeros((64,), dtype=jnp.float32)
    return {"x": x, "W1": W1, "b1": b1, "W2": W2, "b2": b2}


def reference(x, W1, b1, W2, b2):
    # gate = Linear -> ReLU -> (Dropout, identity in eval) -> Linear
    h = jnp.maximum(x @ W1 + b1, 0.0)
    gate_logits = h @ W2 + b2
    # eval mode: noisy_gating noise only applied in training, so skipped
    probs = jax.nn.softmax(gate_logits, axis=-1)
    routing_weights, expert_indices = jax.lax.top_k(probs, 2)
    routing_weights = routing_weights / jnp.sum(routing_weights, axis=-1, keepdims=True)
    return (routing_weights, expert_indices)

if __name__ == "__main__":
    import jax
    _d = setup_inputs()
    print(jax.jit(kernel)(*tuple(_d.values())))

</pallas_src>

<mosaic_0001>
#map = affine_map<(d0, d1) -> (0)>
module attributes {stable_mosaic.version = 14 : i64} {
  func.func @sc_top2(%arg0: i32, %arg1: i32, %arg2: memref<524288xf32, #tpu.memory_space<hbm>>, %arg3: memref<16384xf32, #tpu.memory_space<hbm>>, %arg4: memref<16384xi32, #tpu.memory_space<hbm>>, %arg5: memref<16384xf32, #tpu.memory_space<vmem>>, %arg6: memref<512xf32, #tpu.memory_space<vmem>>, %arg7: memref<512xi32, #tpu.memory_space<vmem>>) attributes {dimension_semantics = [#tpu.dimension_semantics<core_parallel>, #tpu.dimension_semantics<subcore_parallel>], iteration_bounds = array<i64: 2, 16>, scalar_prefetch = 0 : i64, scratch_operands = 3 : i64, tpu.core_type = #tpu.core_type<sc_vector_subcore>, window_params = [{transform_indices = #map}, {transform_indices = #map}, {transform_indices = #map}]} {
    %mul3A = arith.constant 2 : i32
    %mul3A_0 = arith.muli %arg1, %mul3A : i32
    %add3A = arith.addi %mul3A_0, %arg0 : i32
    %mul3A_1 = arith.constant 256 : i32
    %mul3A_2 = arith.muli %add3A, %mul3A_1 : i32
    %mul3A_3 = arith.constant 64 : i32
    %mul3A_4 = arith.muli %mul3A_2, %mul3A_3 : i32
    "tpu.region"() ({
      %run_scoped3A = tpu.sem_alloc : memref<!tpu.dma_semaphore, #tpu.memory_space<semaphore_mem>>
      %dma_start3A = tpu.memref_slice %arg2[%mul3A_4] : memref<524288xf32, #tpu.memory_space<hbm>> -> memref<16384xf32, #tpu.memory_space<hbm>>
      %dma_start3A_14 = tpu.memref_slice %arg2[%mul3A_4] : memref<524288xf32, #tpu.memory_space<hbm>> -> memref<16384xf32, #tpu.memory_space<hbm>>
      tpu.enqueue_dma source(%dma_start3A_14 : memref<16384xf32, #tpu.memory_space<hbm>>) target(%arg5 : memref<16384xf32, #tpu.memory_space<vmem>>) target_semaphore(%run_scoped3A : memref<!tpu.dma_semaphore, #tpu.memory_space<semaphore_mem>>)
      %dma_wait3A = tpu.memref_slice %arg2[%mul3A_4] : memref<524288xf32, #tpu.memory_space<hbm>> -> memref<16384xf32, #tpu.memory_space<hbm>>
      %dma_wait3A_15 = tpu.memref_slice %arg2[%mul3A_4] : memref<524288xf32, #tpu.memory_space<hbm>> -> memref<16384xf32, #tpu.memory_space<hbm>>
      tpu.wait_dma2 semaphore(%run_scoped3A : memref<!tpu.dma_semaphore, #tpu.memory_space<semaphore_mem>>) src(%dma_wait3A_15 : memref<16384xf32, #tpu.memory_space<hbm>>) dst(%arg5 : memref<16384xf32, #tpu.memory_space<vmem>>)
      tpu.yield
    }) : () -> ()
    %iota3A = tpu.iota {dimensions = array<i32: 0>} : vector<16xi32>
    %scan3A = arith.constant 0 : i32
    %scan3A_5 = arith.constant 0 : i32
    %scan3A_6 = arith.constant 16 : i32
    %scan3A_7 = arith.addi %scan3A_5, %scan3A_6 : i32
    %scan3A_8 = arith.constant 1 : i32
    scf.for %scan3A_14 = %scan3A_5 to %scan3A_7 step %scan3A_8  : i32 {
      %mul3A_15 = arith.constant 16 : i32
      %mul3A_16 = arith.muli %scan3A_14, %mul3A_15 : i32
      %add3A_17 = vector.broadcast %mul3A_16 : i32 to vector<16xi32>
      %add3A_18 = arith.addi %add3A_17, %iota3A : vector<16xi32>
      %mul3A_19 = arith.constant 64 : i32
      %mul3A_20 = vector.broadcast %mul3A_19 : i32 to vector<16xi32>
      %mul3A_21 = arith.muli %add3A_18, %mul3A_20 : vector<16xi32>
      %broadcast_in_dim3A = arith.constant 0xFF800000 : f32
      %broadcast_in_dim3A_22 = vector.broadcast %broadcast_in_dim3A : f32 to vector<16xf32>
      %broadcast_in_dim3A_23 = arith.constant 0xFF800000 : f32
      %broadcast_in_dim3A_24 = vector.broadcast %broadcast_in_dim3A_23 : f32 to vector<16xf32>
      %broadcast_in_dim3A_25 = arith.constant 0 : i32
      %broadcast_in_dim3A_26 = vector.broadcast %broadcast_in_dim3A_25 : i32 to vector<16xi32>
      %broadcast_in_dim3A_27 = arith.constant 0 : i32
      %broadcast_in_dim3A_28 = vector.broadcast %broadcast_in_dim3A_27 : i32 to vector<16xi32>
      %add3A_29 = arith.constant 0 : i32
      %add3A_30 = vector.broadcast %add3A_29 : i32 to vector<16xi32>
      %add3A_31 = arith.addi %mul3A_21, %add3A_30 : vector<16xi32>
      %gather3A = tpu.vector_load_idx %arg5[%add3A_31] : memref<16384xf32, #tpu.memory_space<vmem>>[vector<16xi32>], vector<16xf32>,
      %gt3A = arith.cmpf ogt, %gather3A, %broadcast_in_dim3A_22 : vector<16xf32>
      %gt3A_32 = arith.cmpf ogt, %gather3A, %broadcast_in_dim3A_24 : vector<16xf32>
      %jit3A = arith.constant 0 : i32
      %broadcast_in_dim3A_33 = vector.broadcast %jit3A : i32 to vector<16xi32>
      %select_n3A = arith.select %gt3A_32, %broadcast_in_dim3A_33, %broadcast_in_dim3A_28 : vector<16xi1>, vector<16xi32>
      %select_n3A_34 = arith.select %gt3A, %broadcast_in_dim3A_26, %select_n3A : vector<16xi1>, vector<16xi32>
      %select_n3A_35 = arith.select %gt3A_32, %gather3A, %broadcast_in_dim3A_24 : vector<16xi1>, vector<16xf32>
      %select_n3A_36 = arith.select %gt3A, %broadcast_in_dim3A_22, %select_n3A_35 : vector<16xi1>, vector<16xf32>
      %jit3A_37 = arith.constant 0 : i32
      %broadcast_in_dim3A_38 = vector.broadcast %jit3A_37 : i32 to vector<16xi32>
      %select_n3A_39 = arith.select %gt3A, %broadcast_in_dim3A_38, %broadcast_in_dim3A_26 : vector<16xi1>, vector<16xi32>
      %select_n3A_40 = arith.select %gt3A, %gather3A, %broadcast_in_dim3A_22 : vector<16xi1>, vector<16xf32>
      %add3A_41 = arith.constant 1 : i32
      %add3A_42 = vector.broadcast %add3A_41 : i32 to vector<16xi32>
      %add3A_43 = arith.addi %mul3A_21, %add3A_42 : vector<16xi32>
      %gather3A_44 = tpu.vector_load_idx %arg5[%add3A_43] : memref<16384xf32, #tpu.memory_space<vmem>>[vector<16xi32>], vector<16xf32>,
      %gt3A_45 = arith.cmpf ogt, %gather3A_44, %select_n3A_40 : vector<16xf32>
      %gt3A_46 = arith.cmpf ogt, %gather3A_44, %select_n3A_36 : vector<16xf32>
      %jit3A_47 = arith.constant 1 : i32
      %broadcast_in_dim3A_48 = vector.broadcast %jit3A_47 : i32 to vector<16xi32>
      %select_n3A_49 = arith.select %gt3A_46, %broadcast_in_dim3A_48, %select_n3A_34 : vector<16xi1>, vector<16xi32>
      %select_n3A_50 = arith.select %gt3A_45, %select_n3A_39, %select_n3A_49 : vector<16xi1>, vector<16xi32>
      %select_n3A_51 = arith.select %gt3A_46, %gather3A_44, %select_n3A_36 : vector<16xi1>, vector<16xf32>
      %select_n3A_52 = arith.select %gt3A_45, %select_n3A_40, %select_n3A_51 : vector<16xi1>, vector<16xf32>
      %jit3A_53 = arith.constant 1 : i32
      %broadcast_in_dim3A_54 = vector.broadcast %jit3A_53 : i32 to vector<16xi32>
      %select_n3A_55 = arith.select %gt3A_45, %broadcast_in_dim3A_54, %select_n3A_39 : vector<16xi1>, vector<16xi32>
      %select_n3A_56 = arith.select %gt3A_45, %gather3A_44, %select_n3A_40 : vector<16xi1>, vector<16xf32>
      %add3A_57 = arith.constant 2 : i32
      %add3A_58 = vector.broadcast %add3A_57 : i32 to vector<16xi32>
      %add3A_59 = arith.addi %mul3A_21, %add3A_58 : vector<16xi32>
      %gather3A_60 = tpu.vector_load_idx %arg5[%add3A_59] : memref<16384xf32, #tpu.memory_space<vmem>>[vector<16xi32>], vector<16xf32>,
      %gt3A_61 = arith.cmpf ogt, %gather3A_60, %select_n3A_56 : vector<16xf32>
      %gt3A_62 = arith.cmpf ogt, %gather3A_60, %select_n3A_52 : vector<16xf32>
      %jit3A_63 = arith.constant 2 : i32
      %broadcast_in_dim3A_64 = vector.broadcast %jit3A_63 : i32 to vector<16xi32>
      %select_n3A_65 = arith.select %gt3A_62, %broadcast_in_dim3A_64, %select_n3A_50 : vector<16xi1>, vector<16xi32>
      %select_n3A_66 = arith.select %gt3A_61, %select_n3A_55, %select_n3A_65 : vector<16xi1>, vector<16xi32>
      %select_n3A_67 = arith.select %gt3A_62, %gather3A_60, %select_n3A_52 : vector<16xi1>, vector<16xf32>
      %select_n3A_68 = arith.select %gt3A_61, %select_n3A_56, %select_n3A_67 : vector<16xi1>, vector<16xf32>
      %jit3A_69 = arith.constant 2 : i32
      %broadcast_in_dim3A_70 = vector.broadcast %jit3A_69 : i32 to vector<16xi32>
      %select_n3A_71 = arith.select %gt3A_61, %broadcast_in_dim3A_70, %select_n3A_55 : vector<16xi1>, vector<16xi32>
      %select_n3A_72 = arith.select %gt3A_61, %gather3A_60, %select_n3A_56 : vector<16xi1>, vector<16xf32>
      %add3A_73 = arith.constant 3 : i32
      %add3A_74 = vector.broadcast %add3A_73 : i32 to vector<16xi32>
      %add3A_75 = arith.addi %mul3A_21, %add3A_74 : vector<16xi32>
      %gather3A_76 = tpu.vector_load_idx %arg5[%add3A_75] : memref<16384xf32, #tpu.memory_space<vmem>>[vector<16xi32>], vector<16xf32>,
      %gt3A_77 = arith.cmpf ogt, %gather3A_76, %select_n3A_72 : vector<16xf32>
      %gt3A_78 = arith.cmpf ogt, %gather3A_76, %select_n3A_68 : vector<16xf32>
      %jit3A_79 = arith.constant 3 : i32
      %broadcast_in_dim3A_80 = vector.broadcast %jit3A_79 : i32 to vector<16xi32>
      %select_n3A_81 = arith.select %gt3A_78, %broadcast_in_dim3A_80, %select_n3A_66 : vector<16xi1>, vector<16xi32>
      %select_n3A_82 = arith.select %gt3A_77, %select_n3A_71, %select_n3A_81 : vector<16xi1>, vector<16xi32>
      %select_n3A_83 = arith.select %gt3A_78, %gather3A_76, %select_n3A_68 : vector<16xi1>, vector<16xf32>
      %select_n3A_84 = arith.select %gt3A_77, %select_n3A_72, %select_n3A_83 : vector<16xi1>, vector<16xf32>
      %jit3A_85 = arith.constant 3 : i32
      %broadcast_in_dim3A_86 = vector.broadcast %jit3A_85 : i32 to vector<16xi32>
      %select_n3A_87 = arith.select %gt3A_77, %broadcast_in_dim3A_86, %select_n3A_71 : vector<16xi1>, vector<16xi32>
      %select_n3A_88 = arith.select %gt3A_77, %gather3A_76, %select_n3A_72 : vector<16xi1>, vector<16xf32>
      %add3A_89 = arith.constant 4 : i32
      %add3A_90 = vector.broadcast %add3A_89 : i32 to vector<16xi32>
      %add3A_91 = arith.addi %mul3A_21, %add3A_90 : vector<16xi32>
      %gather3A_92 = tpu.vector_load_idx %arg5[%add3A_91] : memref<16384xf32, #tpu.memory_space<vmem>>[vector<16xi32>], vector<16xf32>,
      %gt3A_93 = arith.cmpf ogt, %gather3A_92, %select_n3A_88 : vector<16xf32>
      %gt3A_94 = arith.cmpf ogt, %gather3A_92, %select_n3A_84 : vector<16xf32>
      %jit3A_95 = arith.constant 4 : i32
      %broadcast_in_dim3A_96 = vector.broadcast %jit3A_95 : i32 to vector<16xi32>
      %select_n3A_97 = arith.select %gt3A_94, %broadcast_in_dim3A_96, %select_n3A_82 : vector<16xi1>, vector<16xi32>
      %select_n3A_98 = arith.select %gt3A_93, %select_n3A_87, %select_n3A_97 : vector<16xi1>, vector<16xi32>
      %select_n3A_99 = arith.select %gt3A_94, %gather3A_92, %select_n3A_84 : vector<16xi1>, vector<16xf32>
      %select_n3A_100 = arith.select %gt3A_93, %select_n3A_88, %select_n3A_99 : vector<16xi1>, vector<16xf32>
      %jit3A_101 = arith.constant 4 : i32
      %broadcast_in_dim3A_102 = vector.broadcast %jit3A_101 : i32 to vector<16xi32>
      %select_n3A_103 = arith.select %gt3A_93, %broadcast_in_dim3A_102, %select_n3A_87 : vector<16xi1>, vector<16xi32>
      %select_n3A_104 = arith.select %gt3A_93, %gather3A_92, %select_n3A_88 : vector<16xi1>, vector<16xf32>
      %add3A_105 = arith.constant 5 : i32
      %add3A_106 = vector.broadcast %add3A_105 : i32 to vector<16xi32>
      %add3A_107 = arith.addi %mul3A_21, %add3A_106 : vector<16xi32>
      %gather3A_108 = tpu.vector_load_idx %arg5[%add3A_107] : memref<16384xf32, #tpu.memory_space<vmem>>[vector<16xi32>], vector<16xf32>,
      %gt3A_109 = arith.cmpf ogt, %gather3A_108, %select_n3A_104 : vector<16xf32>
      %gt3A_110 = arith.cmpf ogt, %gather3A_108, %select_n3A_100 : vector<16xf32>
      %jit3A_111 = arith.constant 5 : i32
      %broadcast_in_dim3A_112 = vector.broadcast %jit3A_111 : i32 to vector<16xi32>
      %select_n3A_113 = arith.select %gt3A_110, %broadcast_in_dim3A_112, %select_n3A_98 : vector<16xi1>, vector<16xi32>
      %select_n3A_114 = arith.select %gt3A_109, %select_n3A_103, %select_n3A_113 : vector<16xi1>, vector<16xi32>
      %select_n3A_115 = arith.select %gt3A_110, %gather3A_108, %select_n3A_100 : vector<16xi1>, vector<16xf32>
      %select_n3A_116 = arith.select %gt3A_109, %select_n3A_104, %select_n3A_115 : vector<16xi1>, vector<16xf32>
      %jit3A_117 = arith.constant 5 : i32
      %broadcast_in_dim3A_118 = vector.broadcast %jit3A_117 : i32 to vector<16xi32>
      %select_n3A_119 = arith.select %gt3A_109, %broadcast_in_dim3A_118, %select_n3A_103 : vector<16xi1>, vector<16xi32>
      %select_n3A_120 = arith.select %gt3A_109, %gather3A_108, %select_n3A_104 : vector<16xi1>, vector<16xf32>
      %add3A_121 = arith.constant 6 : i32
      %add3A_122 = vector.broadcast %add3A_121 : i32 to vector<16xi32>
      %add3A_123 = arith.addi %mul3A_21, %add3A_122 : vector<16xi32>
      %gather3A_124 = tpu.vector_load_idx %arg5[%add3A_123] : memref<16384xf32, #tpu.memory_space<vmem>>[vector<16xi32>], vector<16xf32>,
      %gt3A_125 = arith.cmpf ogt, %gather3A_124, %select_n3A_120 : vector<16xf32>
      %gt3A_126 = arith.cmpf ogt, %gather3A_124, %select_n3A_116 : vector<16xf32>
      %jit3A_127 = arith.constant 6 : i32
      %broadcast_in_dim3A_128 = vector.broadcast %jit3A_127 : i32 to vector<16xi32>
      %select_n3A_129 = arith.select %gt3A_126, %broadcast_in_dim3A_128, %select_n3A_114 : vector<16xi1>, vector<16xi32>
      %select_n3A_130 = arith.select %gt3A_125, %select_n3A_119, %select_n3A_129 : vector<16xi1>, vector<16xi32>
      %select_n3A_131 = arith.select %gt3A_126, %gather3A_124, %select_n3A_116 : vector<16xi1>, vector<16xf32>
      %select_n3A_132 = arith.select %gt3A_125, %select_n3A_120, %select_n3A_131 : vector<16xi1>, vector<16xf32>
      %jit3A_133 = arith.constant 6 : i32
      %broadcast_in_dim3A_134 = vector.broadcast %jit3A_133 : i32 to vector<16xi32>
      %select_n3A_135 = arith.select %gt3A_125, %broadcast_in_dim3A_134, %select_n3A_119 : vector<16xi1>, vector<16xi32>
      %select_n3A_136 = arith.select %gt3A_125, %gather3A_124, %select_n3A_120 : vector<16xi1>, vector<16xf32>
      %add3A_137 = arith.constant 7 : i32
      %add3A_138 = vector.broadcast %add3A_137 : i32 to vector<16xi32>
      %add3A_139 = arith.addi %mul3A_21, %add3A_138 : vector<16xi32>
      %gather3A_140 = tpu.vector_load_idx %arg5[%add3A_139] : memref<16384xf32, #tpu.memory_space<vmem>>[vector<16xi32>], vector<16xf32>,
      %gt3A_141 = arith.cmpf ogt, %gather3A_140, %select_n3A_136 : vector<16xf32>
      %gt3A_142 = arith.cmpf ogt, %gather3A_140, %select_n3A_132 : vector<16xf32>
      %jit3A_143 = arith.constant 7 : i32
      %broadcast_in_dim3A_144 = vector.broadcast %jit3A_143 : i32 to vector<16xi32>
      %select_n3A_145 = arith.select %gt3A_142, %broadcast_in_dim3A_144, %select_n3A_130 : vector<16xi1>, vector<16xi32>
      %select_n3A_146 = arith.select %gt3A_141, %select_n3A_135, %select_n3A_145 : vector<16xi1>, vector<16xi32>
      %select_n3A_147 = arith.select %gt3A_142, %gather3A_140, %select_n3A_132 : vector<16xi1>, vector<16xf32>
      %select_n3A_148 = arith.select %gt3A_141, %select_n3A_136, %select_n3A_147 : vector<16xi1>, vector<16xf32>
      %jit3A_149 = arith.constant 7 : i32
      %broadcast_in_dim3A_150 = vector.broadcast %jit3A_149 : i32 to vector<16xi32>
      %select_n3A_151 = arith.select %gt3A_141, %broadcast_in_dim3A_150, %select_n3A_135 : vector<16xi1>, vector<16xi32>
      %select_n3A_152 = arith.select %gt3A_141, %gather3A_140, %select_n3A_136 : vector<16xi1>, vector<16xf32>
      %add3A_153 = arith.constant 8 : i32
      %add3A_154 = vector.broadcast %add3A_153 : i32 to vector<16xi32>
      %add3A_155 = arith.addi %mul3A_21, %add3A_154 : vector<16xi32>
      %gather3A_156 = tpu.vector_load_idx %arg5[%add3A_155] : memref<16384xf32, #tpu.memory_space<vmem>>[vector<16xi32>], vector<16xf32>,
      %gt3A_157 = arith.cmpf ogt, %gather3A_156, %select_n3A_152 : vector<16xf32>
      %gt3A_158 = arith.cmpf ogt, %gather3A_156, %select_n3A_148 : vector<16xf32>
      %jit3A_159 = arith.constant 8 : i32
      %broadcast_in_dim3A_160 = vector.broadcast %jit3A_159 : i32 to vector<16xi32>
      %select_n3A_161 = arith.select %gt3A_158, %broadcast_in_dim3A_160, %select_n3A_146 : vector<16xi1>, vector<16xi32>
      %select_n3A_162 = arith.select %gt3A_157, %select_n3A_151, %select_n3A_161 : vector<16xi1>, vector<16xi32>
      %select_n3A_163 = arith.select %gt3A_158, %gather3A_156, %select_n3A_148 : vector<16xi1>, vector<16xf32>
      %select_n3A_164 = arith.select %gt3A_157, %select_n3A_152, %select_n3A_163 : vector<16xi1>, vector<16xf32>
      %jit3A_165 = arith.constant 8 : i32
      %broadcast_in_dim3A_166 = vector.broadcast %jit3A_165 : i32 to vector<16xi32>
      %select_n3A_167 = arith.select %gt3A_157, %broadcast_in_dim3A_166, %select_n3A_151 : vector<16xi1>, vector<16xi32>
      %select_n3A_168 = arith.select %gt3A_157, %gather3A_156, %select_n3A_152 : vector<16xi1>, vector<16xf32>
      %add3A_169 = arith.constant 9 : i32
      %add3A_170 = vector.broadcast %add3A_169 : i32 to vector<16xi32>
      %add3A_171 = arith.addi %mul3A_21, %add3A_170 : vector<16xi32>
      %gather3A_172 = tpu.vector_load_idx %arg5[%add3A_171] : memref<16384xf32, #tpu.memory_space<vmem>>[vector<16xi32>], vector<16xf32>,
      %gt3A_173 = arith.cmpf ogt, %gather3A_172, %select_n3A_168 : vector<16xf32>
      %gt3A_174 = arith.cmpf ogt, %gather3A_172, %select_n3A_164 : vector<16xf32>
      %jit3A_175 = arith.constant 9 : i32
      %broadcast_in_dim3A_176 = vector.broadcast %jit3A_175 : i32 to vector<16xi32>
      %select_n3A_177 = arith.select %gt3A_174, %broadcast_in_dim3A_176, %select_n3A_162 : vector<16xi1>, vector<16xi32>
      %select_n3A_178 = arith.select %gt3A_173, %select_n3A_167, %select_n3A_177 : vector<16xi1>, vector<16xi32>
      %select_n3A_179 = arith.select %gt3A_174, %gather3A_172, %select_n3A_164 : vector<16xi1>, vector<16xf32>
      %select_n3A_180 = arith.select %gt3A_173, %select_n3A_168, %select_n3A_179 : vector<16xi1>, vector<16xf32>
      %jit3A_181 = arith.constant 9 : i32
      %broadcast_in_dim3A_182 = vector.broadcast %jit3A_181 : i32 to vector<16xi32>
      %select_n3A_183 = arith.select %gt3A_173, %broadcast_in_dim3A_182, %select_n3A_167 : vector<16xi1>, vector<16xi32>
      %select_n3A_184 = arith.select %gt3A_173, %gather3A_172, %select_n3A_168 : vector<16xi1>, vector<16xf32>
      %add3A_185 = arith.constant 10 : i32
      %add3A_186 = vector.broadcast %add3A_185 : i32 to vector<16xi32>
      %add3A_187 = arith.addi %mul3A_21, %add3A_186 : vector<16xi32>
      %gather3A_188 = tpu.vector_load_idx %arg5[%add3A_187] : memref<16384xf32, #tpu.memory_space<vmem>>[vector<16xi32>], vector<16xf32>,
      %gt3A_189 = arith.cmpf ogt, %gather3A_188, %select_n3A_184 : vector<16xf32>
      %gt3A_190 = arith.cmpf ogt, %gather3A_188, %select_n3A_180 : vector<16xf32>
      %jit3A_191 = arith.constant 10 : i32
      %broadcast_in_dim3A_192 = vector.broadcast %jit3A_191 : i32 to vector<16xi32>
      %select_n3A_193 = arith.select %gt3A_190, %broadcast_in_dim3A_192, %select_n3A_178 : vector<16xi1>, vector<16xi32>
      %select_n3A_194 = arith.select %gt3A_189, %select_n3A_183, %select_n3A_193 : vector<16xi1>, vector<16xi32>
      %select_n3A_195 = arith.select %gt3A_190, %gather3A_188, %select_n3A_180 : vector<16xi1>, vector<16xf32>
      %select_n3A_196 = arith.select %gt3A_189, %select_n3A_184, %select_n3A_195 : vector<16xi1>, vector<16xf32>
      %jit3A_197 = arith.constant 10 : i32
      %broadcast_in_dim3A_198 = vector.broadcast %jit3A_197 : i32 to vector<16xi32>
      %select_n3A_199 = arith.select %gt3A_189, %broadcast_in_dim3A_198, %select_n3A_183 : vector<16xi1>, vector<16xi32>
      %select_n3A_200 = arith.select %gt3A_189, %gather3A_188, %select_n3A_184 : vector<16xi1>, vector<16xf32>
      %add3A_201 = arith.constant 11 : i32
      %add3A_202 = vector.broadcast %add3A_201 : i32 to vector<16xi32>
      %add3A_203 = arith.addi %mul3A_21, %add3A_202 : vector<16xi32>
      %gather3A_204 = tpu.vector_load_idx %arg5[%add3A_203] : memref<16384xf32, #tpu.memory_space<vmem>>[vector<16xi32>], vector<16xf32>,
      %gt3A_205 = arith.cmpf ogt, %gather3A_204, %select_n3A_200 : vector<16xf32>
      %gt3A_206 = arith.cmpf ogt, %gather3A_204, %select_n3A_196 : vector<16xf32>
      %jit3A_207 = arith.constant 11 : i32
      %broadcast_in_dim3A_208 = vector.broadcast %jit3A_207 : i32 to vector<16xi32>
      %select_n3A_209 = arith.select %gt3A_206, %broadcast_in_dim3A_208, %select_n3A_194 : vector<16xi1>, vector<16xi32>
      %select_n3A_210 = arith.select %gt3A_205, %select_n3A_199, %select_n3A_209 : vector<16xi1>, vector<16xi32>
      %select_n3A_211 = arith.select %gt3A_206, %gather3A_204, %select_n3A_196 : vector<16xi1>, vector<16xf32>
      %select_n3A_212 = arith.select %gt3A_205, %select_n3A_200, %select_n3A_211 : vector<16xi1>, vector<16xf32>
      %jit3A_213 = arith.constant 11 : i32
      %broadcast_in_dim3A_214 = vector.broadcast %jit3A_213 : i32 to vector<16xi32>
      %select_n3A_215 = arith.select %gt3A_205, %broadcast_in_dim3A_214, %select_n3A_199 : vector<16xi1>, vector<16xi32>
      %select_n3A_216 = arith.select %gt3A_205, %gather3A_204, %select_n3A_200 : vector<16xi1>, vector<16xf32>
      %add3A_217 = arith.constant 12 : i32
      %add3A_218 = vector.broadcast %add3A_217 : i32 to vector<16xi32>
      %add3A_219 = arith.addi %mul3A_21, %add3A_218 : vector<16xi32>
      %gather3A_220 = tpu.vector_load_idx %arg5[%add3A_219] : memref<16384xf32, #tpu.memory_space<vmem>>[vector<16xi32>], vector<16xf32>,
      %gt3A_221 = arith.cmpf ogt, %gather3A_220, %select_n3A_216 : vector<16xf32>
      %gt3A_222 = arith.cmpf ogt, %gather3A_220, %select_n3A_212 : vector<16xf32>
      %jit3A_223 = arith.constant 12 : i32
      %broadcast_in_dim3A_224 = vector.broadcast %jit3A_223 : i32 to vector<16xi32>
      %select_n3A_225 = arith.select %gt3A_222, %broadcast_in_dim3A_224, %select_n3A_210 : vector<16xi1>, vector<16xi32>
      %select_n3A_226 = arith.select %gt3A_221, %select_n3A_215, %select_n3A_225 : vector<16xi1>, vector<16xi32>
      %select_n3A_227 = arith.select %gt3A_222, %gather3A_220, %select_n3A_212 : vector<16xi1>, vector<16xf32>
      %select_n3A_228 = arith.select %gt3A_221, %select_n3A_216, %select_n3A_227 : vector<16xi1>, vector<16xf32>
      %jit3A_229 = arith.constant 12 : i32
      %broadcast_in_dim3A_230 = vector.broadcast %jit3A_229 : i32 to vector<16xi32>
      %select_n3A_231 = arith.select %gt3A_221, %broadcast_in_dim3A_230, %select_n3A_215 : vector<16xi1>, vector<16xi32>
      %select_n3A_232 = arith.select %gt3A_221, %gather3A_220, %select_n3A_216 : vector<16xi1>, vector<16xf32>
      %add3A_233 = arith.constant 13 : i32
      %add3A_234 = vector.broadcast %add3A_233 : i32 to vector<16xi32>
      %add3A_235 = arith.addi %mul3A_21, %add3A_234 : vector<16xi32>
      %gather3A_236 = tpu.vector_load_idx %arg5[%add3A_235] : memref<16384xf32, #tpu.memory_space<vmem>>[vector<16xi32>], vector<16xf32>,
      %gt3A_237 = arith.cmpf ogt, %gather3A_236, %select_n3A_232 : vector<16xf32>
      %gt3A_238 = arith.cmpf ogt, %gather3A_236, %select_n3A_228 : vector<16xf32>
      %jit3A_239 = arith.constant 13 : i32
      %broadcast_in_dim3A_240 = vector.broadcast %jit3A_239 : i32 to vector<16xi32>
      %select_n3A_241 = arith.select %gt3A_238, %broadcast_in_dim3A_240, %select_n3A_226 : vector<16xi1>, vector<16xi32>
      %select_n3A_242 = arith.select %gt3A_237, %select_n3A_231, %select_n3A_241 : vector<16xi1>, vector<16xi32>
      %select_n3A_243 = arith.select %gt3A_238, %gather3A_236, %select_n3A_228 : vector<16xi1>, vector<16xf32>
      %select_n3A_244 = arith.select %gt3A_237, %select_n3A_232, %select_n3A_243 : vector<16xi1>, vector<16xf32>
      %jit3A_245 = arith.constant 13 : i32
      %broadcast_in_dim3A_246 = vector.broadcast %jit3A_245 : i32 to vector<16xi32>
      %select_n3A_247 = arith.select %gt3A_237, %broadcast_in_dim3A_246, %select_n3A_231 : vector<16xi1>, vector<16xi32>
      %select_n3A_248 = arith.select %gt3A_237, %gather3A_236, %select_n3A_232 : vector<16xi1>, vector<16xf32>
      %add3A_249 = arith.constant 14 : i32
      %add3A_250 = vector.broadcast %add3A_249 : i32 to vector<16xi32>
      %add3A_251 = arith.addi %mul3A_21, %add3A_250 : vector<16xi32>
      %gather3A_252 = tpu.vector_load_idx %arg5[%add3A_251] : memref<16384xf32, #tpu.memory_space<vmem>>[vector<16xi32>], vector<16xf32>,
      %gt3A_253 = arith.cmpf ogt, %gather3A_252, %select_n3A_248 : vector<16xf32>
      %gt3A_254 = arith.cmpf ogt, %gather3A_252, %select_n3A_244 : vector<16xf32>
      %jit3A_255 = arith.constant 14 : i32
      %broadcast_in_dim3A_256 = vector.broadcast %jit3A_255 : i32 to vector<16xi32>
      %select_n3A_257 = arith.select %gt3A_254, %broadcast_in_dim3A_256, %select_n3A_242 : vector<16xi1>, vector<16xi32>
      %select_n3A_258 = arith.select %gt3A_253, %select_n3A_247, %select_n3A_257 : vector<16xi1>, vector<16xi32>
      %select_n3A_259 = arith.select %gt3A_254, %gather3A_252, %select_n3A_244 : vector<16xi1>, vector<16xf32>
      %select_n3A_260 = arith.select %gt3A_253, %select_n3A_248, %select_n3A_259 : vector<16xi1>, vector<16xf32>
      %jit3A_261 = arith.constant 14 : i32
      %broadcast_in_dim3A_262 = vector.broadcast %jit3A_261 : i32 to vector<16xi32>
      %select_n3A_263 = arith.select %gt3A_253, %broadcast_in_dim3A_262, %select_n3A_247 : vector<16xi1>, vector<16xi32>
      %select_n3A_264 = arith.select %gt3A_253, %gather3A_252, %select_n3A_248 : vector<16xi1>, vector<16xf32>
      %add3A_265 = arith.constant 15 : i32
      %add3A_266 = vector.broadcast %add3A_265 : i32 to vector<16xi32>
      %add3A_267 = arith.addi %mul3A_21, %add3A_266 : vector<16xi32>
      %gather3A_268 = tpu.vector_load_idx %arg5[%add3A_267] : memref<16384xf32, #tpu.memory_space<vmem>>[vector<16xi32>], vector<16xf32>,
      %gt3A_269 = arith.cmpf ogt, %gather3A_268, %select_n3A_264 : vector<16xf32>
      %gt3A_270 = arith.cmpf ogt, %gather3A_268, %select_n3A_260 : vector<16xf32>
      %jit3A_271 = arith.constant 15 : i32
      %broadcast_in_dim3A_272 = vector.broadcast %jit3A_271 : i32 to vector<16xi32>
      %select_n3A_273 = arith.select %gt3A_270, %broadcast_in_dim3A_272, %select_n3A_258 : vector<16xi1>, vector<16xi32>
      %select_n3A_274 = arith.select %gt3A_269, %select_n3A_263, %select_n3A_273 : vector<16xi1>, vector<16xi32>
      %select_n3A_275 = arith.select %gt3A_270, %gather3A_268, %select_n3A_260 : vector<16xi1>, vector<16xf32>
      %select_n3A_276 = arith.select %gt3A_269, %select_n3A_264, %select_n3A_275 : vector<16xi1>, vector<16xf32>
      %jit3A_277 = arith.constant 15 : i32
      %broadcast_in_dim3A_278 = vector.broadcast %jit3A_277 : i32 to vector<16xi32>
      %select_n3A_279 = arith.select %gt3A_269, %broadcast_in_dim3A_278, %select_n3A_263 : vector<16xi1>, vector<16xi32>
      %select_n3A_280 = arith.select %gt3A_269, %gather3A_268, %select_n3A_264 : vector<16xi1>, vector<16xf32>
      %add3A_281 = arith.constant 16 : i32
      %add3A_282 = vector.broadcast %add3A_281 : i32 to vector<16xi32>
      %add3A_283 = arith.addi %mul3A_21, %add3A_282 : vector<16xi32>
      %gather3A_284 = tpu.vector_load_idx %arg5[%add3A_283] : memref<16384xf32, #tpu.memory_space<vmem>>[vector<16xi32>], vector<16xf32>,
      %gt3A_285 = arith.cmpf ogt, %gather3A_284, %select_n3A_280 : vector<16xf32>
      %gt3A_286 = arith.cmpf ogt, %gather3A_284, %select_n3A_276 : vector<16xf32>
      %jit3A_287 = arith.constant 16 : i32
      %broadcast_in_dim3A_288 = vector.broadcast %jit3A_287 : i32 to vector<16xi32>
      %select_n3A_289 = arith.select %gt3A_286, %broadcast_in_dim3A_288, %select_n3A_274 : vector<16xi1>, vector<16xi32>
      %select_n3A_290 = arith.select %gt3A_285, %select_n3A_279, %select_n3A_289 : vector<16xi1>, vector<16xi32>
      %select_n3A_291 = arith.select %gt3A_286, %gather3A_284, %select_n3A_276 : vector<16xi1>, vector<16xf32>
      %select_n3A_292 = arith.select %gt3A_285, %select_n3A_280, %select_n3A_291 : vector<16xi1>, vector<16xf32>
      %jit3A_293 = arith.constant 16 : i32
      %broadcast_in_dim3A_294 = vector.broadcast %jit3A_293 : i32 to vector<16xi32>
      %select_n3A_295 = arith.select %gt3A_285, %broadcast_in_dim3A_294, %select_n3A_279 : vector<16xi1>, vector<16xi32>
      %select_n3A_296 = arith.select %gt3A_285, %gather3A_284, %select_n3A_280 : vector<16xi1>, vector<16xf32>
      %add3A_297 = arith.constant 17 : i32
      %add3A_298 = vector.broadcast %add3A_297 : i32 to vector<16xi32>
      %add3A_299 = arith.addi %mul3A_21, %add3A_298 : vector<16xi32>
      %gather3A_300 = tpu.vector_load_idx %arg5[%add3A_299] : memref<16384xf32, #tpu.memory_space<vmem>>[vector<16xi32>], vector<16xf32>,
      %gt3A_301 = arith.cmpf ogt, %gather3A_300, %select_n3A_296 : vector<16xf32>
      %gt3A_302 = arith.cmpf ogt, %gather3A_300, %select_n3A_292 : vector<16xf32>
      %jit3A_303 = arith.constant 17 : i32
      %broadcast_in_dim3A_304 = vector.broadcast %jit3A_303 : i32 to vector<16xi32>
      %select_n3A_305 = arith.select %gt3A_302, %broadcast_in_dim3A_304, %select_n3A_290 : vector<16xi1>, vector<16xi32>
      %select_n3A_306 = arith.select %gt3A_301, %select_n3A_295, %select_n3A_305 : vector<16xi1>, vector<16xi32>
      %select_n3A_307 = arith.select %gt3A_302, %gather3A_300, %select_n3A_292 : vector<16xi1>, vector<16xf32>
      %select_n3A_308 = arith.select %gt3A_301, %select_n3A_296, %select_n3A_307 : vector<16xi1>, vector<16xf32>
      %jit3A_309 = arith.constant 17 : i32
      %broadcast_in_dim3A_310 = vector.broadcast %jit3A_309 : i32 to vector<16xi32>
      %select_n3A_311 = arith.select %gt3A_301, %broadcast_in_dim3A_310, %select_n3A_295 : vector<16xi1>, vector<16xi32>
      %select_n3A_312 = arith.select %gt3A_301, %gather3A_300, %select_n3A_296 : vector<16xi1>, vector<16xf32>
      %add3A_313 = arith.constant 18 : i32
      %add3A_314 = vector.broadcast %add3A_313 : i32 to vector<16xi32>
      %add3A_315 = arith.addi %mul3A_21, %add3A_314 : vector<16xi32>
      %gather3A_316 = tpu.vector_load_idx %arg5[%add3A_315] : memref<16384xf32, #tpu.memory_space<vmem>>[vector<16xi32>], vector<16xf32>,
      %gt3A_317 = arith.cmpf ogt, %gather3A_316, %select_n3A_312 : vector<16xf32>
      %gt3A_318 = arith.cmpf ogt, %gather3A_316, %select_n3A_308 : vector<16xf32>
      %jit3A_319 = arith.constant 18 : i32
      %broadcast_in_dim3A_320 = vector.broadcast %jit3A_319 : i32 to vector<16xi32>
      %select_n3A_321 = arith.select %gt3A_318, %broadcast_in_dim3A_320, %select_n3A_306 : vector<16xi1>, vector<16xi32>
      %select_n3A_322 = arith.select %gt3A_317, %select_n3A_311, %select_n3A_321 : vector<16xi1>, vector<16xi32>
      %select_n3A_323 = arith.select %gt3A_318, %gather3A_316, %select_n3A_308 : vector<16xi1>, vector<16xf32>
      %select_n3A_324 = arith.select %gt3A_317, %select_n3A_312, %select_n3A_323 : vector<16xi1>, vector<16xf32>
      %jit3A_325 = arith.constant 18 : i32
      %broadcast_in_dim3A_326 = vector.broadcast %jit3A_325 : i32 to vector<16xi32>
      %select_n3A_327 = arith.select %gt3A_317, %broadcast_in_dim3A_326, %select_n3A_311 : vector<16xi1>, vector<16xi32>
      %select_n3A_328 = arith.select %gt3A_317, %gather3A_316, %select_n3A_312 : vector<16xi1>, vector<16xf32>
      %add3A_329 = arith.constant 19 : i32
      %add3A_330 = vector.broadcast %add3A_329 : i32 to vector<16xi32>
      %add3A_331 = arith.addi %mul3A_21, %add3A_330 : vector<16xi32>
      %gather3A_332 = tpu.vector_load_idx %arg5[%add3A_331] : memref<16384xf32, #tpu.memory_space<vmem>>[vector<16xi32>], vector<16xf32>,
      %gt3A_333 = arith.cmpf ogt, %gather3A_332, %select_n3A_328 : vector<16xf32>
      %gt3A_334 = arith.cmpf ogt, %gather3A_332, %select_n3A_324 : vector<16xf32>
      %jit3A_335 = arith.constant 19 : i32
      %broadcast_in_dim3A_336 = vector.broadcast %jit3A_335 : i32 to vector<16xi32>
      %select_n3A_337 = arith.select %gt3A_334, %broadcast_in_dim3A_336, %select_n3A_322 : vector<16xi1>, vector<16xi32>
      %select_n3A_338 = arith.select %gt3A_333, %select_n3A_327, %select_n3A_337 : vector<16xi1>, vector<16xi32>
      %select_n3A_339 = arith.select %gt3A_334, %gather3A_332, %select_n3A_324 : vector<16xi1>, vector<16xf32>
      %select_n3A_340 = arith.select %gt3A_333, %select_n3A_328, %select_n3A_339 : vector<16xi1>, vector<16xf32>
      %jit3A_341 = arith.constant 19 : i32
      %broadcast_in_dim3A_342 = vector.broadcast %jit3A_341 : i32 to vector<16xi32>
      %select_n3A_343 = arith.select %gt3A_333, %broadcast_in_dim3A_342, %select_n3A_327 : vector<16xi1>, vector<16xi32>
      %select_n3A_344 = arith.select %gt3A_333, %gather3A_332, %select_n3A_328 : vector<16xi1>, vector<16xf32>
      %add3A_345 = arith.constant 20 : i32
      %add3A_346 = vector.broadcast %add3A_345 : i32 to vector<16xi32>
      %add3A_347 = arith.addi %mul3A_21, %add3A_346 : vector<16xi32>
      %gather3A_348 = tpu.vector_load_idx %arg5[%add3A_347] : memref<16384xf32, #tpu.memory_space<vmem>>[vector<16xi32>], vector<16xf32>,
      %gt3A_349 = arith.cmpf ogt, %gather3A_348, %select_n3A_344 : vector<16xf32>
      %gt3A_350 = arith.cmpf ogt, %gather3A_348, %select_n3A_340 : vector<16xf32>
      %jit3A_351 = arith.constant 20 : i32
      %broadcast_in_dim3A_352 = vector.broadcast %jit3A_351 : i32 to vector<16xi32>
      %select_n3A_353 = arith.select %gt3A_350, %broadcast_in_dim3A_352, %select_n3A_338 : vector<16xi1>, vector<16xi32>
      %select_n3A_354 = arith.select %gt3A_349, %select_n3A_343, %select_n3A_353 : vector<16xi1>, vector<16xi32>
      %select_n3A_355 = arith.select %gt3A_350, %gather3A_348, %select_n3A_340 : vector<16xi1>, vector<16xf32>
      %select_n3A_356 = arith.select %gt3A_349, %select_n3A_344, %select_n3A_355 : vector<16xi1>, vector<16xf32>
      %jit3A_357 = arith.constant 20 : i32
      %broadcast_in_dim3A_358 = vector.broadcast %jit3A_357 : i32 to vector<16xi32>
      %select_n3A_359 = arith.select %gt3A_349, %broadcast_in_dim3A_358, %select_n3A_343 : vector<16xi1>, vector<16xi32>
      %select_n3A_360 = arith.select %gt3A_349, %gather3A_348, %select_n3A_344 : vector<16xi1>, vector<16xf32>
      %add3A_361 = arith.constant 21 : i32
      %add3A_362 = vector.broadcast %add3A_361 : i32 to vector<16xi32>
      %add3A_363 = arith.addi %mul3A_21, %add3A_362 : vector<16xi32>
      %gather3A_364 = tpu.vector_load_idx %arg5[%add3A_363] : memref<16384xf32, #tpu.memory_space<vmem>>[vector<16xi32>], vector<16xf32>,
      %gt3A_365 = arith.cmpf ogt, %gather3A_364, %select_n3A_360 : vector<16xf32>
      %gt3A_366 = arith.cmpf ogt, %gather3A_364, %select_n3A_356 : vector<16xf32>
      %jit3A_367 = arith.constant 21 : i32
      %broadcast_in_dim3A_368 = vector.broadcast %jit3A_367 : i32 to vector<16xi32>
      %select_n3A_369 = arith.select %gt3A_366, %broadcast_in_dim3A_368, %select_n3A_354 : vector<16xi1>, vector<16xi32>
      %select_n3A_370 = arith.select %gt3A_365, %select_n3A_359, %select_n3A_369 : vector<16xi1>, vector<16xi32>
      %select_n3A_371 = arith.select %gt3A_366, %gather3A_364, %select_n3A_356 : vector<16xi1>, vector<16xf32>
      %select_n3A_372 = arith.select %gt3A_365, %select_n3A_360, %select_n3A_371 : vector<16xi1>, vector<16xf32>
      %jit3A_373 = arith.constant 21 : i32
      %broadcast_in_dim3A_374 = vector.broadcast %jit3A_373 : i32 to vector<16xi32>
      %select_n3A_375 = arith.select %gt3A_365, %broadcast_in_dim3A_374, %select_n3A_359 : vector<16xi1>, vector<16xi32>
      %select_n3A_376 = arith.select %gt3A_365, %gather3A_364, %select_n3A_360 : vector<16xi1>, vector<16xf32>
      %add3A_377 = arith.constant 22 : i32
      %add3A_378 = vector.broadcast %add3A_377 : i32 to vector<16xi32>
      %add3A_379 = arith.addi %mul3A_21, %add3A_378 : vector<16xi32>
      %gather3A_380 = tpu.vector_load_idx %arg5[%add3A_379] : memref<16384xf32, #tpu.memory_space<vmem>>[vector<16xi32>], vector<16xf32>,
      %gt3A_381 = arith.cmpf ogt, %gather3A_380, %select_n3A_376 : vector<16xf32>
      %gt3A_382 = arith.cmpf ogt, %gather3A_380, %select_n3A_372 : vector<16xf32>
      %jit3A_383 = arith.constant 22 : i32
      %broadcast_in_dim3A_384 = vector.broadcast %jit3A_383 : i32 to vector<16xi32>
      %select_n3A_385 = arith.select %gt3A_382, %broadcast_in_dim3A_384, %select_n3A_370 : vector<16xi1>, vector<16xi32>
      %select_n3A_386 = arith.select %gt3A_381, %select_n3A_375, %select_n3A_385 : vector<16xi1>, vector<16xi32>
      %select_n3A_387 = arith.select %gt3A_382, %gather3A_380, %select_n3A_372 : vector<16xi1>, vector<16xf32>
      %select_n3A_388 = arith.select %gt3A_381, %select_n3A_376, %select_n3A_387 : vector<16xi1>, vector<16xf32>
      %jit3A_389 = arith.constant 22 : i32
      %broadcast_in_dim3A_390 = vector.broadcast %jit3A_389 : i32 to vector<16xi32>
      %select_n3A_391 = arith.select %gt3A_381, %broadcast_in_dim3A_390, %select_n3A_375 : vector<16xi1>, vector<16xi32>
      %select_n3A_392 = arith.select %gt3A_381, %gather3A_380, %select_n3A_376 : vector<16xi1>, vector<16xf32>
      %add3A_393 = arith.constant 23 : i32
      %add3A_394 = vector.broadcast %add3A_393 : i32 to vector<16xi32>
      %add3A_395 = arith.addi %mul3A_21, %add3A_394 : vector<16xi32>
      %gather3A_396 = tpu.vector_load_idx %arg5[%add3A_395] : memref<16384xf32, #tpu.memory_space<vmem>>[vector<16xi32>], vector<16xf32>,
      %gt3A_397 = arith.cmpf ogt, %gather3A_396, %select_n3A_392 : vector<16xf32>
      %gt3A_398 = arith.cmpf ogt, %gather3A_396, %select_n3A_388 : vector<16xf32>
      %jit3A_399 = arith.constant 23 : i32
      %broadcast_in_dim3A_400 = vector.broadcast %jit3A_399 : i32 to vector<16xi32>
      %select_n3A_401 = arith.select %gt3A_398, %broadcast_in_dim3A_400, %select_n3A_386 : vector<16xi1>, vector<16xi32>
      %select_n3A_402 = arith.select %gt3A_397, %select_n3A_391, %select_n3A_401 : vector<16xi1>, vector<16xi32>
      %select_n3A_403 = arith.select %gt3A_398, %gather3A_396, %select_n3A_388 : vector<16xi1>, vector<16xf32>
      %select_n3A_404 = arith.select %gt3A_397, %select_n3A_392, %select_n3A_403 : vector<16xi1>, vector<16xf32>
      %jit3A_405 = arith.constant 23 : i32
      %broadcast_in_dim3A_406 = vector.broadcast %jit3A_405 : i32 to vector<16xi32>
      %select_n3A_407 = arith.select %gt3A_397, %broadcast_in_dim3A_406, %select_n3A_391 : vector<16xi1>, vector<16xi32>
      %select_n3A_408 = arith.select %gt3A_397, %gather3A_396, %select_n3A_392 : vector<16xi1>, vector<16xf32>
      %add3A_409 = arith.constant 24 : i32
      %add3A_410 = vector.broadcast %add3A_409 : i32 to vector<16xi32>
      %add3A_411 = arith.addi %mul3A_21, %add3A_410 : vector<16xi32>
      %gather3A_412 = tpu.vector_load_idx %arg5[%add3A_411] : memref<16384xf32, #tpu.memory_space<vmem>>[vector<16xi32>], vector<16xf32>,
      %gt3A_413 = arith.cmpf ogt, %gather3A_412, %select_n3A_408 : vector<16xf32>
      %gt3A_414 = arith.cmpf ogt, %gather3A_412, %select_n3A_404 : vector<16xf32>
      %jit3A_415 = arith.constant 24 : i32
      %broadcast_in_dim3A_416 = vector.broadcast %jit3A_415 : i32 to vector<16xi32>
      %select_n3A_417 = arith.select %gt3A_414, %broadcast_in_dim3A_416, %select_n3A_402 : vector<16xi1>, vector<16xi32>
      %select_n3A_418 = arith.select %gt3A_413, %select_n3A_407, %select_n3A_417 : vector<16xi1>, vector<16xi32>
      %select_n3A_419 = arith.select %gt3A_414, %gather3A_412, %select_n3A_404 : vector<16xi1>, vector<16xf32>
      %select_n3A_420 = arith.select %gt3A_413, %select_n3A_408, %select_n3A_419 : vector<16xi1>, vector<16xf32>
      %jit3A_421 = arith.constant 24 : i32
      %broadcast_in_dim3A_422 = vector.broadcast %jit3A_421 : i32 to vector<16xi32>
      %select_n3A_423 = arith.select %gt3A_413, %broadcast_in_dim3A_422, %select_n3A_407 : vector<16xi1>, vector<16xi32>
      %select_n3A_424 = arith.select %gt3A_413, %gather3A_412, %select_n3A_408 : vector<16xi1>, vector<16xf32>
      %add3A_425 = arith.constant 25 : i32
      %add3A_426 = vector.broadcast %add3A_425 : i32 to vector<16xi32>
      %add3A_427 = arith.addi %mul3A_21, %add3A_426 : vector<16xi32>
      %gather3A_428 = tpu.vector_load_idx %arg5[%add3A_427] : memref<16384xf32, #tpu.memory_space<vmem>>[vector<16xi32>], vector<16xf32>,
      %gt3A_429 = arith.cmpf ogt, %gather3A_428, %select_n3A_424 : vector<16xf32>
      %gt3A_430 = arith.cmpf ogt, %gather3A_428, %select_n3A_420 : vector<16xf32>
      %jit3A_431 = arith.constant 25 : i32
      %broadcast_in_dim3A_432 = vector.broadcast %jit3A_431 : i32 to vector<16xi32>
      %select_n3A_433 = arith.select %gt3A_430, %broadcast_in_dim3A_432, %select_n3A_418 : vector<16xi1>, vector<16xi32>
      %select_n3A_434 = arith.select %gt3A_429, %select_n3A_423, %select_n3A_433 : vector<16xi1>, vector<16xi32>
      %select_n3A_435 = arith.select %gt3A_430, %gather3A_428, %select_n3A_420 : vector<16xi1>, vector<16xf32>
      %select_n3A_436 = arith.select %gt3A_429, %select_n3A_424, %select_n3A_435 : vector<16xi1>, vector<16xf32>
      %jit3A_437 = arith.constant 25 : i32
      %broadcast_in_dim3A_438 = vector.broadcast %jit3A_437 : i32 to vector<16xi32>
      %select_n3A_439 = arith.select %gt3A_429, %broadcast_in_dim3A_438, %select_n3A_423 : vector<16xi1>, vector<16xi32>
      %select_n3A_440 = arith.select %gt3A_429, %gather3A_428, %select_n3A_424 : vector<16xi1>, vector<16xf32>
      %add3A_441 = arith.constant 26 : i32
      %add3A_442 = vector.broadcast %add3A_441 : i32 to vector<16xi32>
      %add3A_443 = arith.addi %mul3A_21, %add3A_442 : vector<16xi32>
      %gather3A_444 = tpu.vector_load_idx %arg5[%add3A_443] : memref<16384xf32, #tpu.memory_space<vmem>>[vector<16xi32>], vector<16xf32>,
      %gt3A_445 = arith.cmpf ogt, %gather3A_444, %select_n3A_440 : vector<16xf32>
      %gt3A_446 = arith.cmpf ogt, %gather3A_444, %select_n3A_436 : vector<16xf32>
      %jit3A_447 = arith.constant 26 : i32
      %broadcast_in_dim3A_448 = vector.broadcast %jit3A_447 : i32 to vector<16xi32>
      %select_n3A_449 = arith.select %gt3A_446, %broadcast_in_dim3A_448, %select_n3A_434 : vector<16xi1>, vector<16xi32>
      %select_n3A_450 = arith.select %gt3A_445, %select_n3A_439, %select_n3A_449 : vector<16xi1>, vector<16xi32>
      %select_n3A_451 = arith.select %gt3A_446, %gather3A_444, %select_n3A_436 : vector<16xi1>, vector<16xf32>
      %select_n3A_452 = arith.select %gt3A_445, %select_n3A_440, %select_n3A_451 : vector<16xi1>, vector<16xf32>
      %jit3A_453 = arith.constant 26 : i32
      %broadcast_in_dim3A_454 = vector.broadcast %jit3A_453 : i32 to vector<16xi32>
      %select_n3A_455 = arith.select %gt3A_445, %broadcast_in_dim3A_454, %select_n3A_439 : vector<16xi1>, vector<16xi32>
      %select_n3A_456 = arith.select %gt3A_445, %gather3A_444, %select_n3A_440 : vector<16xi1>, vector<16xf32>
      %add3A_457 = arith.constant 27 : i32
      %add3A_458 = vector.broadcast %add3A_457 : i32 to vector<16xi32>
      %add3A_459 = arith.addi %mul3A_21, %add3A_458 : vector<16xi32>
      %gather3A_460 = tpu.vector_load_idx %arg5[%add3A_459] : memref<16384xf32, #tpu.memory_space<vmem>>[vector<16xi32>], vector<16xf32>,
      %gt3A_461 = arith.cmpf ogt, %gather3A_460, %select_n3A_456 : vector<16xf32>
      %gt3A_462 = arith.cmpf ogt, %gather3A_460, %select_n3A_452 : vector<16xf32>
      %jit3A_463 = arith.constant 27 : i32
      %broadcast_in_dim3A_464 = vector.broadcast %jit3A_463 : i32 to vector<16xi32>
      %select_n3A_465 = arith.select %gt3A_462, %broadcast_in_dim3A_464, %select_n3A_450 : vector<16xi1>, vector<16xi32>
      %select_n3A_466 = arith.select %gt3A_461, %select_n3A_455, %select_n3A_465 : vector<16xi1>, vector<16xi32>
      %select_n3A_467 = arith.select %gt3A_462, %gather3A_460, %select_n3A_452 : vector<16xi1>, vector<16xf32>
      %select_n3A_468 = arith.select %gt3A_461, %select_n3A_456, %select_n3A_467 : vector<16xi1>, vector<16xf32>
      %jit3A_469 = arith.constant 27 : i32
      %broadcast_in_dim3A_470 = vector.broadcast %jit3A_469 : i32 to vector<16xi32>
      %select_n3A_471 = arith.select %gt3A_461, %broadcast_in_dim3A_470, %select_n3A_455 : vector<16xi1>, vector<16xi32>
      %select_n3A_472 = arith.select %gt3A_461, %gather3A_460, %select_n3A_456 : vector<16xi1>, vector<16xf32>
      %add3A_473 = arith.constant 28 : i32
      %add3A_474 = vector.broadcast %add3A_473 : i32 to vector<16xi32>
      %add3A_475 = arith.addi %mul3A_21, %add3A_474 : vector<16xi32>
      %gather3A_476 = tpu.vector_load_idx %arg5[%add3A_475] : memref<16384xf32, #tpu.memory_space<vmem>>[vector<16xi32>], vector<16xf32>,
      %gt3A_477 = arith.cmpf ogt, %gather3A_476, %select_n3A_472 : vector<16xf32>
      %gt3A_478 = arith.cmpf ogt, %gather3A_476, %select_n3A_468 : vector<16xf32>
      %jit3A_479 = arith.constant 28 : i32
      %broadcast_in_dim3A_480 = vector.broadcast %jit3A_479 : i32 to vector<16xi32>
      %select_n3A_481 = arith.select %gt3A_478, %broadcast_in_dim3A_480, %select_n3A_466 : vector<16xi1>, vector<16xi32>
      %select_n3A_482 = arith.select %gt3A_477, %select_n3A_471, %select_n3A_481 : vector<16xi1>, vector<16xi32>
      %select_n3A_483 = arith.select %gt3A_478, %gather3A_476, %select_n3A_468 : vector<16xi1>, vector<16xf32>
      %select_n3A_484 = arith.select %gt3A_477, %select_n3A_472, %select_n3A_483 : vector<16xi1>, vector<16xf32>
      %jit3A_485 = arith.constant 28 : i32
      %broadcast_in_dim3A_486 = vector.broadcast %jit3A_485 : i32 to vector<16xi32>
      %select_n3A_487 = arith.select %gt3A_477, %broadcast_in_dim3A_486, %select_n3A_471 : vector<16xi1>, vector<16xi32>
      %select_n3A_488 = arith.select %gt3A_477, %gather3A_476, %select_n3A_472 : vector<16xi1>, vector<16xf32>
      %add3A_489 = arith.constant 29 : i32
      %add3A_490 = vector.broadcast %add3A_489 : i32 to vector<16xi32>
      %add3A_491 = arith.addi %mul3A_21, %add3A_490 : vector<16xi32>
      %gather3A_492 = tpu.vector_load_idx %arg5[%add3A_491] : memref<16384xf32, #tpu.memory_space<vmem>>[vector<16xi32>], vector<16xf32>,
      %gt3A_493 = arith.cmpf ogt, %gather3A_492, %select_n3A_488 : vector<16xf32>
      %gt3A_494 = arith.cmpf ogt, %gather3A_492, %select_n3A_484 : vector<16xf32>
      %jit3A_495 = arith.constant 29 : i32
      %broadcast_in_dim3A_496 = vector.broadcast %jit3A_495 : i32 to vector<16xi32>
      %select_n3A_497 = arith.select %gt3A_494, %broadcast_in_dim3A_496, %select_n3A_482 : vector<16xi1>, vector<16xi32>
      %select_n3A_498 = arith.select %gt3A_493, %select_n3A_487, %select_n3A_497 : vector<16xi1>, vector<16xi32>
      %select_n3A_499 = arith.select %gt3A_494, %gather3A_492, %select_n3A_484 : vector<16xi1>, vector<16xf32>
      %select_n3A_500 = arith.select %gt3A_493, %select_n3A_488, %select_n3A_499 : vector<16xi1>, vector<16xf32>
      %jit3A_501 = arith.constant 29 : i32
      %broadcast_in_dim3A_502 = vector.broadcast %jit3A_501 : i32 to vector<16xi32>
      %select_n3A_503 = arith.select %gt3A_493, %broadcast_in_dim3A_502, %select_n3A_487 : vector<16xi1>, vector<16xi32>
      %select_n3A_504 = arith.select %gt3A_493, %gather3A_492, %select_n3A_488 : vector<16xi1>, vector<16xf32>
      %add3A_505 = arith.constant 30 : i32
      %add3A_506 = vector.broadcast %add3A_505 : i32 to vector<16xi32>
      %add3A_507 = arith.addi %mul3A_21, %add3A_506 : vector<16xi32>
      %gather3A_508 = tpu.vector_load_idx %arg5[%add3A_507] : memref<16384xf32, #tpu.memory_space<vmem>>[vector<16xi32>], vector<16xf32>,
      %gt3A_509 = arith.cmpf ogt, %gather3A_508, %select_n3A_504 : vector<16xf32>
      %gt3A_510 = arith.cmpf ogt, %gather3A_508, %select_n3A_500 : vector<16xf32>
      %jit3A_511 = arith.constant 30 : i32
      %broadcast_in_dim3A_512 = vector.broadcast %jit3A_511 : i32 to vector<16xi32>
      %select_n3A_513 = arith.select %gt3A_510, %broadcast_in_dim3A_512, %select_n3A_498 : vector<16xi1>, vector<16xi32>
      %select_n3A_514 = arith.select %gt3A_509, %select_n3A_503, %select_n3A_513 : vector<16xi1>, vector<16xi32>
      %select_n3A_515 = arith.select %gt3A_510, %gather3A_508, %select_n3A_500 : vector<16xi1>, vector<16xf32>
      %select_n3A_516 = arith.select %gt3A_509, %select_n3A_504, %select_n3A_515 : vector<16xi1>, vector<16xf32>
      %jit3A_517 = arith.constant 30 : i32
      %broadcast_in_dim3A_518 = vector.broadcast %jit3A_517 : i32 to vector<16xi32>
      %select_n3A_519 = arith.select %gt3A_509, %broadcast_in_dim3A_518, %select_n3A_503 : vector<16xi1>, vector<16xi32>
      %select_n3A_520 = arith.select %gt3A_509, %gather3A_508, %select_n3A_504 : vector<16xi1>, vector<16xf32>
      %add3A_521 = arith.constant 31 : i32
      %add3A_522 = vector.broadcast %add3A_521 : i32 to vector<16xi32>
      %add3A_523 = arith.addi %mul3A_21, %add3A_522 : vector<16xi32>
      %gather3A_524 = tpu.vector_load_idx %arg5[%add3A_523] : memref<16384xf32, #tpu.memory_space<vmem>>[vector<16xi32>], vector<16xf32>,
      %gt3A_525 = arith.cmpf ogt, %gather3A_524, %select_n3A_520 : vector<16xf32>
      %gt3A_526 = arith.cmpf ogt, %gather3A_524, %select_n3A_516 : vector<16xf32>
      %jit3A_527 = arith.constant 31 : i32
      %broadcast_in_dim3A_528 = vector.broadcast %jit3A_527 : i32 to vector<16xi32>
      %select_n3A_529 = arith.select %gt3A_526, %broadcast_in_dim3A_528, %select_n3A_514 : vector<16xi1>, vector<16xi32>
      %select_n3A_530 = arith.select %gt3A_525, %select_n3A_519, %select_n3A_529 : vector<16xi1>, vector<16xi32>
      %select_n3A_531 = arith.select %gt3A_526, %gather3A_524, %select_n3A_516 : vector<16xi1>, vector<16xf32>
      %select_n3A_532 = arith.select %gt3A_525, %select_n3A_520, %select_n3A_531 : vector<16xi1>, vector<16xf32>
      %jit3A_533 = arith.constant 31 : i32
      %broadcast_in_dim3A_534 = vector.broadcast %jit3A_533 : i32 to vector<16xi32>
      %select_n3A_535 = arith.select %gt3A_525, %broadcast_in_dim3A_534, %select_n3A_519 : vector<16xi1>, vector<16xi32>
      %select_n3A_536 = arith.select %gt3A_525, %gather3A_524, %select_n3A_520 : vector<16xi1>, vector<16xf32>
      %add3A_537 = arith.constant 32 : i32
      %add3A_538 = vector.broadcast %add3A_537 : i32 to vector<16xi32>
      %add3A_539 = arith.addi %mul3A_21, %add3A_538 : vector<16xi32>
      %gather3A_540 = tpu.vector_load_idx %arg5[%add3A_539] : memref<16384xf32, #tpu.memory_space<vmem>>[vector<16xi32>], vector<16xf32>,
      %gt3A_541 = arith.cmpf ogt, %gather3A_540, %select_n3A_536 : vector<16xf32>
      %gt3A_542 = arith.cmpf ogt, %gather3A_540, %select_n3A_532 : vector<16xf32>
      %jit3A_543 = arith.constant 32 : i32
      %broadcast_in_dim3A_544 = vector.broadcast %jit3A_543 : i32 to vector<16xi32>
      %select_n3A_545 = arith.select %gt3A_542, %broadcast_in_dim3A_544, %select_n3A_530 : vector<16xi1>, vector<16xi32>
      %select_n3A_546 = arith.select %gt3A_541, %select_n3A_535, %select_n3A_545 : vector<16xi1>, vector<16xi32>
      %select_n3A_547 = arith.select %gt3A_542, %gather3A_540, %select_n3A_532 : vector<16xi1>, vector<16xf32>
      %select_n3A_548 = arith.select %gt3A_541, %select_n3A_536, %select_n3A_547 : vector<16xi1>, vector<16xf32>
      %jit3A_549 = arith.constant 32 : i32
      %broadcast_in_dim3A_550 = vector.broadcast %jit3A_549 : i32 to vector<16xi32>
      %select_n3A_551 = arith.select %gt3A_541, %broadcast_in_dim3A_550, %select_n3A_535 : vector<16xi1>, vector<16xi32>
      %select_n3A_552 = arith.select %gt3A_541, %gather3A_540, %select_n3A_536 : vector<16xi1>, vector<16xf32>
      %add3A_553 = arith.constant 33 : i32
      %add3A_554 = vector.broadcast %add3A_553 : i32 to vector<16xi32>
      %add3A_555 = arith.addi %mul3A_21, %add3A_554 : vector<16xi32>
      %gather3A_556 = tpu.vector_load_idx %arg5[%add3A_555] : memref<16384xf32, #tpu.memory_space<vmem>>[vector<16xi32>], vector<16xf32>,
      %gt3A_557 = arith.cmpf ogt, %gather3A_556, %select_n3A_552 : vector<16xf32>
      %gt3A_558 = arith.cmpf ogt, %gather3A_556, %select_n3A_548 : vector<16xf32>
      %jit3A_559 = arith.constant 33 : i32
      %broadcast_in_dim3A_560 = vector.broadcast %jit3A_559 : i32 to vector<16xi32>
      %select_n3A_561 = arith.select %gt3A_558, %broadcast_in_dim3A_560, %select_n3A_546 : vector<16xi1>, vector<16xi32>
      %select_n3A_562 = arith.select %gt3A_557, %select_n3A_551, %select_n3A_561 : vector<16xi1>, vector<16xi32>
      %select_n3A_563 = arith.select %gt3A_558, %gather3A_556, %select_n3A_548 : vector<16xi1>, vector<16xf32>
      %select_n3A_564 = arith.select %gt3A_557, %select_n3A_552, %select_n3A_563 : vector<16xi1>, vector<16xf32>
      %jit3A_565 = arith.constant 33 : i32
      %broadcast_in_dim3A_566 = vector.broadcast %jit3A_565 : i32 to vector<16xi32>
      %select_n3A_567 = arith.select %gt3A_557, %broadcast_in_dim3A_566, %select_n3A_551 : vector<16xi1>, vector<16xi32>
      %select_n3A_568 = arith.select %gt3A_557, %gather3A_556, %select_n3A_552 : vector<16xi1>, vector<16xf32>
      %add3A_569 = arith.constant 34 : i32
      %add3A_570 = vector.broadcast %add3A_569 : i32 to vector<16xi32>
      %add3A_571 = arith.addi %mul3A_21, %add3A_570 : vector<16xi32>
      %gather3A_572 = tpu.vector_load_idx %arg5[%add3A_571] : memref<16384xf32, #tpu.memory_space<vmem>>[vector<16xi32>], vector<16xf32>,
      %gt3A_573 = arith.cmpf ogt, %gather3A_572, %select_n3A_568 : vector<16xf32>
      %gt3A_574 = arith.cmpf ogt, %gather3A_572, %select_n3A_564 : vector<16xf32>
      %jit3A_575 = arith.constant 34 : i32
      %broadcast_in_dim3A_576 = vector.broadcast %jit3A_575 : i32 to vector<16xi32>
      %select_n3A_577 = arith.select %gt3A_574, %broadcast_in_dim3A_576, %select_n3A_562 : vector<16xi1>, vector<16xi32>
      %select_n3A_578 = arith.select %gt3A_573, %select_n3A_567, %select_n3A_577 : vector<16xi1>, vector<16xi32>
      %select_n3A_579 = arith.select %gt3A_574, %gather3A_572, %select_n3A_564 : vector<16xi1>, vector<16xf32>
      %select_n3A_580 = arith.select %gt3A_573, %select_n3A_568, %select_n3A_579 : vector<16xi1>, vector<16xf32>
      %jit3A_581 = arith.constant 34 : i32
      %broadcast_in_dim3A_582 = vector.broadcast %jit3A_581 : i32 to vector<16xi32>
      %select_n3A_583 = arith.select %gt3A_573, %broadcast_in_dim3A_582, %select_n3A_567 : vector<16xi1>, vector<16xi32>
      %select_n3A_584 = arith.select %gt3A_573, %gather3A_572, %select_n3A_568 : vector<16xi1>, vector<16xf32>
      %add3A_585 = arith.constant 35 : i32
      %add3A_586 = vector.broadcast %add3A_585 : i32 to vector<16xi32>
      %add3A_587 = arith.addi %mul3A_21, %add3A_586 : vector<16xi32>
      %gather3A_588 = tpu.vector_load_idx %arg5[%add3A_587] : memref<16384xf32, #tpu.memory_space<vmem>>[vector<16xi32>], vector<16xf32>,
      %gt3A_589 = arith.cmpf ogt, %gather3A_588, %select_n3A_584 : vector<16xf32>
      %gt3A_590 = arith.cmpf ogt, %gather3A_588, %select_n3A_580 : vector<16xf32>
      %jit3A_591 = arith.constant 35 : i32
      %broadcast_in_dim3A_592 = vector.broadcast %jit3A_591 : i32 to vector<16xi32>
      %select_n3A_593 = arith.select %gt3A_590, %broadcast_in_dim3A_592, %select_n3A_578 : vector<16xi1>, vector<16xi32>
      %select_n3A_594 = arith.select %gt3A_589, %select_n3A_583, %select_n3A_593 : vector<16xi1>, vector<16xi32>
      %select_n3A_595 = arith.select %gt3A_590, %gather3A_588, %select_n3A_580 : vector<16xi1>, vector<16xf32>
      %select_n3A_596 = arith.select %gt3A_589, %select_n3A_584, %select_n3A_595 : vector<16xi1>, vector<16xf32>
      %jit3A_597 = arith.constant 35 : i32
      %broadcast_in_dim3A_598 = vector.broadcast %jit3A_597 : i32 to vector<16xi32>
      %select_n3A_599 = arith.select %gt3A_589, %broadcast_in_dim3A_598, %select_n3A_583 : vector<16xi1>, vector<16xi32>
      %select_n3A_600 = arith.select %gt3A_589, %gather3A_588, %select_n3A_584 : vector<16xi1>, vector<16xf32>
      %add3A_601 = arith.constant 36 : i32
      %add3A_602 = vector.broadcast %add3A_601 : i32 to vector<16xi32>
      %add3A_603 = arith.addi %mul3A_21, %add3A_602 : vector<16xi32>
      %gather3A_604 = tpu.vector_load_idx %arg5[%add3A_603] : memref<16384xf32, #tpu.memory_space<vmem>>[vector<16xi32>], vector<16xf32>,
      %gt3A_605 = arith.cmpf ogt, %gather3A_604, %select_n3A_600 : vector<16xf32>
      %gt3A_606 = arith.cmpf ogt, %gather3A_604, %select_n3A_596 : vector<16xf32>
      %jit3A_607 = arith.constant 36 : i32
      %broadcast_in_dim3A_608 = vector.broadcast %jit3A_607 : i32 to vector<16xi32>
      %select_n3A_609 = arith.select %gt3A_606, %broadcast_in_dim3A_608, %select_n3A_594 : vector<16xi1>, vector<16xi32>
      %select_n3A_610 = arith.select %gt3A_605, %select_n3A_599, %select_n3A_609 : vector<16xi1>, vector<16xi32>
      %select_n3A_611 = arith.select %gt3A_606, %gather3A_604, %select_n3A_596 : vector<16xi1>, vector<16xf32>
      %select_n3A_612 = arith.select %gt3A_605, %select_n3A_600, %select_n3A_611 : vector<16xi1>, vector<16xf32>
      %jit3A_613 = arith.constant 36 : i32
      %broadcast_in_dim3A_614 = vector.broadcast %jit3A_613 : i32 to vector<16xi32>
      %select_n3A_615 = arith.select %gt3A_605, %broadcast_in_dim3A_614, %select_n3A_599 : vector<16xi1>, vector<16xi32>
      %select_n3A_616 = arith.select %gt3A_605, %gather3A_604, %select_n3A_600 : vector<16xi1>, vector<16xf32>
      %add3A_617 = arith.constant 37 : i32
      %add3A_618 = vector.broadcast %add3A_617 : i32 to vector<16xi32>
      %add3A_619 = arith.addi %mul3A_21, %add3A_618 : vector<16xi32>
      %gather3A_620 = tpu.vector_load_idx %arg5[%add3A_619] : memref<16384xf32, #tpu.memory_space<vmem>>[vector<16xi32>], vector<16xf32>,
      %gt3A_621 = arith.cmpf ogt, %gather3A_620, %select_n3A_616 : vector<16xf32>
      %gt3A_622 = arith.cmpf ogt, %gather3A_620, %select_n3A_612 : vector<16xf32>
      %jit3A_623 = arith.constant 37 : i32
      %broadcast_in_dim3A_624 = vector.broadcast %jit3A_623 : i32 to vector<16xi32>
      %select_n3A_625 = arith.select %gt3A_622, %broadcast_in_dim3A_624, %select_n3A_610 : vector<16xi1>, vector<16xi32>
      %select_n3A_626 = arith.select %gt3A_621, %select_n3A_615, %select_n3A_625 : vector<16xi1>, vector<16xi32>
      %select_n3A_627 = arith.select %gt3A_622, %gather3A_620, %select_n3A_612 : vector<16xi1>, vector<16xf32>
      %select_n3A_628 = arith.select %gt3A_621, %select_n3A_616, %select_n3A_627 : vector<16xi1>, vector<16xf32>
      %jit3A_629 = arith.constant 37 : i32
      %broadcast_in_dim3A_630 = vector.broadcast %jit3A_629 : i32 to vector<16xi32>
      %select_n3A_631 = arith.select %gt3A_621, %broadcast_in_dim3A_630, %select_n3A_615 : vector<16xi1>, vector<16xi32>
      %select_n3A_632 = arith.select %gt3A_621, %gather3A_620, %select_n3A_616 : vector<16xi1>, vector<16xf32>
      %add3A_633 = arith.constant 38 : i32
      %add3A_634 = vector.broadcast %add3A_633 : i32 to vector<16xi32>
      %add3A_635 = arith.addi %mul3A_21, %add3A_634 : vector<16xi32>
      %gather3A_636 = tpu.vector_load_idx %arg5[%add3A_635] : memref<16384xf32, #tpu.memory_space<vmem>>[vector<16xi32>], vector<16xf32>,
      %gt3A_637 = arith.cmpf ogt, %gather3A_636, %select_n3A_632 : vector<16xf32>
      %gt3A_638 = arith.cmpf ogt, %gather3A_636, %select_n3A_628 : vector<16xf32>
      %jit3A_639 = arith.constant 38 : i32
      %broadcast_in_dim3A_640 = vector.broadcast %jit3A_639 : i32 to vector<16xi32>
      %select_n3A_641 = arith.select %gt3A_638, %broadcast_in_dim3A_640, %select_n3A_626 : vector<16xi1>, vector<16xi32>
      %select_n3A_642 = arith.select %gt3A_637, %select_n3A_631, %select_n3A_641 : vector<16xi1>, vector<16xi32>
      %select_n3A_643 = arith.select %gt3A_638, %gather3A_636, %select_n3A_628 : vector<16xi1>, vector<16xf32>
      %select_n3A_644 = arith.select %gt3A_637, %select_n3A_632, %select_n3A_643 : vector<16xi1>, vector<16xf32>
      %jit3A_645 = arith.constant 38 : i32
      %broadcast_in_dim3A_646 = vector.broadcast %jit3A_645 : i32 to vector<16xi32>
      %select_n3A_647 = arith.select %gt3A_637, %broadcast_in_dim3A_646, %select_n3A_631 : vector<16xi1>, vector<16xi32>
      %select_n3A_648 = arith.select %gt3A_637, %gather3A_636, %select_n3A_632 : vector<16xi1>, vector<16xf32>
      %add3A_649 = arith.constant 39 : i32
      %add3A_650 = vector.broadcast %add3A_649 : i32 to vector<16xi32>
      %add3A_651 = arith.addi %mul3A_21, %add3A_650 : vector<16xi32>
      %gather3A_652 = tpu.vector_load_idx %arg5[%add3A_651] : memref<16384xf32, #tpu.memory_space<vmem>>[vector<16xi32>], vector<16xf32>,
      %gt3A_653 = arith.cmpf ogt, %gather3A_652, %select_n3A_648 : vector<16xf32>
      %gt3A_654 = arith.cmpf ogt, %gather3A_652, %select_n3A_644 : vector<16xf32>
      %jit3A_655 = arith.constant 39 : i32
      %broadcast_in_dim3A_656 = vector.broadcast %jit3A_655 : i32 to vector<16xi32>
      %select_n3A_657 = arith.select %gt3A_654, %broadcast_in_dim3A_656, %select_n3A_642 : vector<16xi1>, vector<16xi32>
      %select_n3A_658 = arith.select %gt3A_653, %select_n3A_647, %select_n3A_657 : vector<16xi1>, vector<16xi32>
      %select_n3A_659 = arith.select %gt3A_654, %gather3A_652, %select_n3A_644 : vector<16xi1>, vector<16xf32>
      %select_n3A_660 = arith.select %gt3A_653, %select_n3A_648, %select_n3A_659 : vector<16xi1>, vector<16xf32>
      %jit3A_661 = arith.constant 39 : i32
      %broadcast_in_dim3A_662 = vector.broadcast %jit3A_661 : i32 to vector<16xi32>
      %select_n3A_663 = arith.select %gt3A_653, %broadcast_in_dim3A_662, %select_n3A_647 : vector<16xi1>, vector<16xi32>
      %select_n3A_664 = arith.select %gt3A_653, %gather3A_652, %select_n3A_648 : vector<16xi1>, vector<16xf32>
      %add3A_665 = arith.constant 40 : i32
      %add3A_666 = vector.broadcast %add3A_665 : i32 to vector<16xi32>
      %add3A_667 = arith.addi %mul3A_21, %add3A_666 : vector<16xi32>
      %gather3A_668 = tpu.vector_load_idx %arg5[%add3A_667] : memref<16384xf32, #tpu.memory_space<vmem>>[vector<16xi32>], vector<16xf32>,
      %gt3A_669 = arith.cmpf ogt, %gather3A_668, %select_n3A_664 : vector<16xf32>
      %gt3A_670 = arith.cmpf ogt, %gather3A_668, %select_n3A_660 : vector<16xf32>
      %jit3A_671 = arith.constant 40 : i32
      %broadcast_in_dim3A_672 = vector.broadcast %jit3A_671 : i32 to vector<16xi32>
      %select_n3A_673 = arith.select %gt3A_670, %broadcast_in_dim3A_672, %select_n3A_658 : vector<16xi1>, vector<16xi32>
      %select_n3A_674 = arith.select %gt3A_669, %select_n3A_663, %select_n3A_673 : vector<16xi1>, vector<16xi32>
      %select_n3A_675 = arith.select %gt3A_670, %gather3A_668, %select_n3A_660 : vector<16xi1>, vector<16xf32>
      %select_n3A_676 = arith.select %gt3A_669, %select_n3A_664, %select_n3A_675 : vector<16xi1>, vector<16xf32>
      %jit3A_677 = arith.constant 40 : i32
      %broadcast_in_dim3A_678 = vector.broadcast %jit3A_677 : i32 to vector<16xi32>
      %select_n3A_679 = arith.select %gt3A_669, %broadcast_in_dim3A_678, %select_n3A_663 : vector<16xi1>, vector<16xi32>
      %select_n3A_680 = arith.select %gt3A_669, %gather3A_668, %select_n3A_664 : vector<16xi1>, vector<16xf32>
      %add3A_681 = arith.constant 41 : i32
      %add3A_682 = vector.broadcast %add3A_681 : i32 to vector<16xi32>
      %add3A_683 = arith.addi %mul3A_21, %add3A_682 : vector<16xi32>
      %gather3A_684 = tpu.vector_load_idx %arg5[%add3A_683] : memref<16384xf32, #tpu.memory_space<vmem>>[vector<16xi32>], vector<16xf32>,
      %gt3A_685 = arith.cmpf ogt, %gather3A_684, %select_n3A_680 : vector<16xf32>
      %gt3A_686 = arith.cmpf ogt, %gather3A_684, %select_n3A_676 : vector<16xf32>
      %jit3A_687 = arith.constant 41 : i32
      %broadcast_in_dim3A_688 = vector.broadcast %jit3A_687 : i32 to vector<16xi32>
      %select_n3A_689 = arith.select %gt3A_686, %broadcast_in_dim3A_688, %select_n3A_674 : vector<16xi1>, vector<16xi32>
      %select_n3A_690 = arith.select %gt3A_685, %select_n3A_679, %select_n3A_689 : vector<16xi1>, vector<16xi32>
      %select_n3A_691 = arith.select %gt3A_686, %gather3A_684, %select_n3A_676 : vector<16xi1>, vector<16xf32>
      %select_n3A_692 = arith.select %gt3A_685, %select_n3A_680, %select_n3A_691 : vector<16xi1>, vector<16xf32>
      %jit3A_693 = arith.constant 41 : i32
      %broadcast_in_dim3A_694 = vector.broadcast %jit3A_693 : i32 to vector<16xi32>
      %select_n3A_695 = arith.select %gt3A_685, %broadcast_in_dim3A_694, %select_n3A_679 : vector<16xi1>, vector<16xi32>
      %select_n3A_696 = arith.select %gt3A_685, %gather3A_684, %select_n3A_680 : vector<16xi1>, vector<16xf32>
      %add3A_697 = arith.constant 42 : i32
      %add3A_698 = vector.broadcast %add3A_697 : i32 to vector<16xi32>
      %add3A_699 = arith.addi %mul3A_21, %add3A_698 : vector<16xi32>
      %gather3A_700 = tpu.vector_load_idx %arg5[%add3A_699] : memref<16384xf32, #tpu.memory_space<vmem>>[vector<16xi32>], vector<16xf32>,
      %gt3A_701 = arith.cmpf ogt, %gather3A_700, %select_n3A_696 : vector<16xf32>
      %gt3A_702 = arith.cmpf ogt, %gather3A_700, %select_n3A_692 : vector<16xf32>
      %jit3A_703 = arith.constant 42 : i32
      %broadcast_in_dim3A_704 = vector.broadcast %jit3A_703 : i32 to vector<16xi32>
      %select_n3A_705 = arith.select %gt3A_702, %broadcast_in_dim3A_704, %select_n3A_690 : vector<16xi1>, vector<16xi32>
      %select_n3A_706 = arith.select %gt3A_701, %select_n3A_695, %select_n3A_705 : vector<16xi1>, vector<16xi32>
      %select_n3A_707 = arith.select %gt3A_702, %gather3A_700, %select_n3A_692 : vector<16xi1>, vector<16xf32>
      %select_n3A_708 = arith.select %gt3A_701, %select_n3A_696, %select_n3A_707 : vector<16xi1>, vector<16xf32>
      %jit3A_709 = arith.constant 42 : i32
      %broadcast_in_dim3A_710 = vector.broadcast %jit3A_709 : i32 to vector<16xi32>
      %select_n3A_711 = arith.select %gt3A_701, %broadcast_in_dim3A_710, %select_n3A_695 : vector<16xi1>, vector<16xi32>
      %select_n3A_712 = arith.select %gt3A_701, %gather3A_700, %select_n3A_696 : vector<16xi1>, vector<16xf32>
      %add3A_713 = arith.constant 43 : i32
      %add3A_714 = vector.broadcast %add3A_713 : i32 to vector<16xi32>
      %add3A_715 = arith.addi %mul3A_21, %add3A_714 : vector<16xi32>
      %gather3A_716 = tpu.vector_load_idx %arg5[%add3A_715] : memref<16384xf32, #tpu.memory_space<vmem>>[vector<16xi32>], vector<16xf32>,
      %gt3A_717 = arith.cmpf ogt, %gather3A_716, %select_n3A_712 : vector<16xf32>
      %gt3A_718 = arith.cmpf ogt, %gather3A_716, %select_n3A_708 : vector<16xf32>
      %jit3A_719 = arith.constant 43 : i32
      %broadcast_in_dim3A_720 = vector.broadcast %jit3A_719 : i32 to vector<16xi32>
      %select_n3A_721 = arith.select %gt3A_718, %broadcast_in_dim3A_720, %select_n3A_706 : vector<16xi1>, vector<16xi32>
      %select_n3A_722 = arith.select %gt3A_717, %select_n3A_711, %select_n3A_721 : vector<16xi1>, vector<16xi32>
      %select_n3A_723 = arith.select %gt3A_718, %gather3A_716, %select_n3A_708 : vector<16xi1>, vector<16xf32>
      %select_n3A_724 = arith.select %gt3A_717, %select_n3A_712, %select_n3A_723 : vector<16xi1>, vector<16xf32>
      %jit3A_725 = arith.constant 43 : i32
      %broadcast_in_dim3A_726 = vector.broadcast %jit3A_725 : i32 to vector<16xi32>
      %select_n3A_727 = arith.select %gt3A_717, %broadcast_in_dim3A_726, %select_n3A_711 : vector<16xi1>, vector<16xi32>
      %select_n3A_728 = arith.select %gt3A_717, %gather3A_716, %select_n3A_712 : vector<16xi1>, vector<16xf32>
      %add3A_729 = arith.constant 44 : i32
      %add3A_730 = vector.broadcast %add3A_729 : i32 to vector<16xi32>
      %add3A_731 = arith.addi %mul3A_21, %add3A_730 : vector<16xi32>
      %gather3A_732 = tpu.vector_load_idx %arg5[%add3A_731] : memref<16384xf32, #tpu.memory_space<vmem>>[vector<16xi32>], vector<16xf32>,
      %gt3A_733 = arith.cmpf ogt, %gather3A_732, %select_n3A_728 : vector<16xf32>
      %gt3A_734 = arith.cmpf ogt, %gather3A_732, %select_n3A_724 : vector<16xf32>
      %jit3A_735 = arith.constant 44 : i32
      %broadcast_in_dim3A_736 = vector.broadcast %jit3A_735 : i32 to vector<16xi32>
      %select_n3A_737 = arith.select %gt3A_734, %broadcast_in_dim3A_736, %select_n3A_722 : vector<16xi1>, vector<16xi32>
      %select_n3A_738 = arith.select %gt3A_733, %select_n3A_727, %select_n3A_737 : vector<16xi1>, vector<16xi32>
      %select_n3A_739 = arith.select %gt3A_734, %gather3A_732, %select_n3A_724 : vector<16xi1>, vector<16xf32>
      %select_n3A_740 = arith.select %gt3A_733, %select_n3A_728, %select_n3A_739 : vector<16xi1>, vector<16xf32>
      %jit3A_741 = arith.constant 44 : i32
      %broadcast_in_dim3A_742 = vector.broadcast %jit3A_741 : i32 to vector<16xi32>
      %select_n3A_743 = arith.select %gt3A_733, %broadcast_in_dim3A_742, %select_n3A_727 : vector<16xi1>, vector<16xi32>
      %select_n3A_744 = arith.select %gt3A_733, %gather3A_732, %select_n3A_728 : vector<16xi1>, vector<16xf32>
      %add3A_745 = arith.constant 45 : i32
      %add3A_746 = vector.broadcast %add3A_745 : i32 to vector<16xi32>
      %add3A_747 = arith.addi %mul3A_21, %add3A_746 : vector<16xi32>
      %gather3A_748 = tpu.vector_load_idx %arg5[%add3A_747] : memref<16384xf32, #tpu.memory_space<vmem>>[vector<16xi32>], vector<16xf32>,
      %gt3A_749 = arith.cmpf ogt, %gather3A_748, %select_n3A_744 : vector<16xf32>
      %gt3A_750 = arith.cmpf ogt, %gather3A_748, %select_n3A_740 : vector<16xf32>
      %jit3A_751 = arith.constant 45 : i32
      %broadcast_in_dim3A_752 = vector.broadcast %jit3A_751 : i32 to vector<16xi32>
      %select_n3A_753 = arith.select %gt3A_750, %broadcast_in_dim3A_752, %select_n3A_738 : vector<16xi1>, vector<16xi32>
      %select_n3A_754 = arith.select %gt3A_749, %select_n3A_743, %select_n3A_753 : vector<16xi1>, vector<16xi32>
      %select_n3A_755 = arith.select %gt3A_750, %gather3A_748, %select_n3A_740 : vector<16xi1>, vector<16xf32>
      %select_n3A_756 = arith.select %gt3A_749, %select_n3A_744, %select_n3A_755 : vector<16xi1>, vector<16xf32>
      %jit3A_757 = arith.constant 45 : i32
      %broadcast_in_dim3A_758 = vector.broadcast %jit3A_757 : i32 to vector<16xi32>
      %select_n3A_759 = arith.select %gt3A_749, %broadcast_in_dim3A_758, %select_n3A_743 : vector<16xi1>, vector<16xi32>
      %select_n3A_760 = arith.select %gt3A_749, %gather3A_748, %select_n3A_744 : vector<16xi1>, vector<16xf32>
      %add3A_761 = arith.constant 46 : i32
      %add3A_762 = vector.broadcast %add3A_761 : i32 to vector<16xi32>
      %add3A_763 = arith.addi %mul3A_21, %add3A_762 : vector<16xi32>
      %gather3A_764 = tpu.vector_load_idx %arg5[%add3A_763] : memref<16384xf32, #tpu.memory_space<vmem>>[vector<16xi32>], vector<16xf32>,
      %gt3A_765 = arith.cmpf ogt, %gather3A_764, %select_n3A_760 : vector<16xf32>
      %gt3A_766 = arith.cmpf ogt, %gather3A_764, %select_n3A_756 : vector<16xf32>
      %jit3A_767 = arith.constant 46 : i32
      %broadcast_in_dim3A_768 = vector.broadcast %jit3A_767 : i32 to vector<16xi32>
      %select_n3A_769 = arith.select %gt3A_766, %broadcast_in_dim3A_768, %select_n3A_754 : vector<16xi1>, vector<16xi32>
      %select_n3A_770 = arith.select %gt3A_765, %select_n3A_759, %select_n3A_769 : vector<16xi1>, vector<16xi32>
      %select_n3A_771 = arith.select %gt3A_766, %gather3A_764, %select_n3A_756 : vector<16xi1>, vector<16xf32>
      %select_n3A_772 = arith.select %gt3A_765, %select_n3A_760, %select_n3A_771 : vector<16xi1>, vector<16xf32>
      %jit3A_773 = arith.constant 46 : i32
      %broadcast_in_dim3A_774 = vector.broadcast %jit3A_773 : i32 to vector<16xi32>
      %select_n3A_775 = arith.select %gt3A_765, %broadcast_in_dim3A_774, %select_n3A_759 : vector<16xi1>, vector<16xi32>
      %select_n3A_776 = arith.select %gt3A_765, %gather3A_764, %select_n3A_760 : vector<16xi1>, vector<16xf32>
      %add3A_777 = arith.constant 47 : i32
      %add3A_778 = vector.broadcast %add3A_777 : i32 to vector<16xi32>
      %add3A_779 = arith.addi %mul3A_21, %add3A_778 : vector<16xi32>
      %gather3A_780 = tpu.vector_load_idx %arg5[%add3A_779] : memref<16384xf32, #tpu.memory_space<vmem>>[vector<16xi32>], vector<16xf32>,
      %gt3A_781 = arith.cmpf ogt, %gather3A_780, %select_n3A_776 : vector<16xf32>
      %gt3A_782 = arith.cmpf ogt, %gather3A_780, %select_n3A_772 : vector<16xf32>
      %jit3A_783 = arith.constant 47 : i32
      %broadcast_in_dim3A_784 = vector.broadcast %jit3A_783 : i32 to vector<16xi32>
      %select_n3A_785 = arith.select %gt3A_782, %broadcast_in_dim3A_784, %select_n3A_770 : vector<16xi1>, vector<16xi32>
      %select_n3A_786 = arith.select %gt3A_781, %select_n3A_775, %select_n3A_785 : vector<16xi1>, vector<16xi32>
      %select_n3A_787 = arith.select %gt3A_782, %gather3A_780, %select_n3A_772 : vector<16xi1>, vector<16xf32>
      %select_n3A_788 = arith.select %gt3A_781, %select_n3A_776, %select_n3A_787 : vector<16xi1>, vector<16xf32>
      %jit3A_789 = arith.constant 47 : i32
      %broadcast_in_dim3A_790 = vector.broadcast %jit3A_789 : i32 to vector<16xi32>
      %select_n3A_791 = arith.select %gt3A_781, %broadcast_in_dim3A_790, %select_n3A_775 : vector<16xi1>, vector<16xi32>
      %select_n3A_792 = arith.select %gt3A_781, %gather3A_780, %select_n3A_776 : vector<16xi1>, vector<16xf32>
      %add3A_793 = arith.constant 48 : i32
      %add3A_794 = vector.broadcast %add3A_793 : i32 to vector<16xi32>
      %add3A_795 = arith.addi %mul3A_21, %add3A_794 : vector<16xi32>
      %gather3A_796 = tpu.vector_load_idx %arg5[%add3A_795] : memref<16384xf32, #tpu.memory_space<vmem>>[vector<16xi32>], vector<16xf32>,
      %gt3A_797 = arith.cmpf ogt, %gather3A_796, %select_n3A_792 : vector<16xf32>
      %gt3A_798 = arith.cmpf ogt, %gather3A_796, %select_n3A_788 : vector<16xf32>
      %jit3A_799 = arith.constant 48 : i32
      %broadcast_in_dim3A_800 = vector.broadcast %jit3A_799 : i32 to vector<16xi32>
      %select_n3A_801 = arith.select %gt3A_798, %broadcast_in_dim3A_800, %select_n3A_786 : vector<16xi1>, vector<16xi32>
      %select_n3A_802 = arith.select %gt3A_797, %select_n3A_791, %select_n3A_801 : vector<16xi1>, vector<16xi32>
      %select_n3A_803 = arith.select %gt3A_798, %gather3A_796, %select_n3A_788 : vector<16xi1>, vector<16xf32>
      %select_n3A_804 = arith.select %gt3A_797, %select_n3A_792, %select_n3A_803 : vector<16xi1>, vector<16xf32>
      %jit3A_805 = arith.constant 48 : i32
      %broadcast_in_dim3A_806 = vector.broadcast %jit3A_805 : i32 to vector<16xi32>
      %select_n3A_807 = arith.select %gt3A_797, %broadcast_in_dim3A_806, %select_n3A_791 : vector<16xi1>, vector<16xi32>
      %select_n3A_808 = arith.select %gt3A_797, %gather3A_796, %select_n3A_792 : vector<16xi1>, vector<16xf32>
      %add3A_809 = arith.constant 49 : i32
      %add3A_810 = vector.broadcast %add3A_809 : i32 to vector<16xi32>
      %add3A_811 = arith.addi %mul3A_21, %add3A_810 : vector<16xi32>
      %gather3A_812 = tpu.vector_load_idx %arg5[%add3A_811] : memref<16384xf32, #tpu.memory_space<vmem>>[vector<16xi32>], vector<16xf32>,
      %gt3A_813 = arith.cmpf ogt, %gather3A_812, %select_n3A_808 : vector<16xf32>
      %gt3A_814 = arith.cmpf ogt, %gather3A_812, %select_n3A_804 : vector<16xf32>
      %jit3A_815 = arith.constant 49 : i32
      %broadcast_in_dim3A_816 = vector.broadcast %jit3A_815 : i32 to vector<16xi32>
      %select_n3A_817 = arith.select %gt3A_814, %broadcast_in_dim3A_816, %select_n3A_802 : vector<16xi1>, vector<16xi32>
      %select_n3A_818 = arith.select %gt3A_813, %select_n3A_807, %select_n3A_817 : vector<16xi1>, vector<16xi32>
      %select_n3A_819 = arith.select %gt3A_814, %gather3A_812, %select_n3A_804 : vector<16xi1>, vector<16xf32>
      %select_n3A_820 = arith.select %gt3A_813, %select_n3A_808, %select_n3A_819 : vector<16xi1>, vector<16xf32>
      %jit3A_821 = arith.constant 49 : i32
      %broadcast_in_dim3A_822 = vector.broadcast %jit3A_821 : i32 to vector<16xi32>
      %select_n3A_823 = arith.select %gt3A_813, %broadcast_in_dim3A_822, %select_n3A_807 : vector<16xi1>, vector<16xi32>
      %select_n3A_824 = arith.select %gt3A_813, %gather3A_812, %select_n3A_808 : vector<16xi1>, vector<16xf32>
      %add3A_825 = arith.constant 50 : i32
      %add3A_826 = vector.broadcast %add3A_825 : i32 to vector<16xi32>
      %add3A_827 = arith.addi %mul3A_21, %add3A_826 : vector<16xi32>
      %gather3A_828 = tpu.vector_load_idx %arg5[%add3A_827] : memref<16384xf32, #tpu.memory_space<vmem>>[vector<16xi32>], vector<16xf32>,
      %gt3A_829 = arith.cmpf ogt, %gather3A_828, %select_n3A_824 : vector<16xf32>
      %gt3A_830 = arith.cmpf ogt, %gather3A_828, %select_n3A_820 : vector<16xf32>
      %jit3A_831 = arith.constant 50 : i32
      %broadcast_in_dim3A_832 = vector.broadcast %jit3A_831 : i32 to vector<16xi32>
      %select_n3A_833 = arith.select %gt3A_830, %broadcast_in_dim3A_832, %select_n3A_818 : vector<16xi1>, vector<16xi32>
      %select_n3A_834 = arith.select %gt3A_829, %select_n3A_823, %select_n3A_833 : vector<16xi1>, vector<16xi32>
      %select_n3A_835 = arith.select %gt3A_830, %gather3A_828, %select_n3A_820 : vector<16xi1>, vector<16xf32>
      %select_n3A_836 = arith.select %gt3A_829, %select_n3A_824, %select_n3A_835 : vector<16xi1>, vector<16xf32>
      %jit3A_837 = arith.constant 50 : i32
      %broadcast_in_dim3A_838 = vector.broadcast %jit3A_837 : i32 to vector<16xi32>
      %select_n3A_839 = arith.select %gt3A_829, %broadcast_in_dim3A_838, %select_n3A_823 : vector<16xi1>, vector<16xi32>
      %select_n3A_840 = arith.select %gt3A_829, %gather3A_828, %select_n3A_824 : vector<16xi1>, vector<16xf32>
      %add3A_841 = arith.constant 51 : i32
      %add3A_842 = vector.broadcast %add3A_841 : i32 to vector<16xi32>
      %add3A_843 = arith.addi %mul3A_21, %add3A_842 : vector<16xi32>
      %gather3A_844 = tpu.vector_load_idx %arg5[%add3A_843] : memref<16384xf32, #tpu.memory_space<vmem>>[vector<16xi32>], vector<16xf32>,
      %gt3A_845 = arith.cmpf ogt, %gather3A_844, %select_n3A_840 : vector<16xf32>
      %gt3A_846 = arith.cmpf ogt, %gather3A_844, %select_n3A_836 : vector<16xf32>
      %jit3A_847 = arith.constant 51 : i32
      %broadcast_in_dim3A_848 = vector.broadcast %jit3A_847 : i32 to vector<16xi32>
      %select_n3A_849 = arith.select %gt3A_846, %broadcast_in_dim3A_848, %select_n3A_834 : vector<16xi1>, vector<16xi32>
      %select_n3A_850 = arith.select %gt3A_845, %select_n3A_839, %select_n3A_849 : vector<16xi1>, vector<16xi32>
      %select_n3A_851 = arith.select %gt3A_846, %gather3A_844, %select_n3A_836 : vector<16xi1>, vector<16xf32>
      %select_n3A_852 = arith.select %gt3A_845, %select_n3A_840, %select_n3A_851 : vector<16xi1>, vector<16xf32>
      %jit3A_853 = arith.constant 51 : i32
      %broadcast_in_dim3A_854 = vector.broadcast %jit3A_853 : i32 to vector<16xi32>
      %select_n3A_855 = arith.select %gt3A_845, %broadcast_in_dim3A_854, %select_n3A_839 : vector<16xi1>, vector<16xi32>
      %select_n3A_856 = arith.select %gt3A_845, %gather3A_844, %select_n3A_840 : vector<16xi1>, vector<16xf32>
      %add3A_857 = arith.constant 52 : i32
      %add3A_858 = vector.broadcast %add3A_857 : i32 to vector<16xi32>
      %add3A_859 = arith.addi %mul3A_21, %add3A_858 : vector<16xi32>
      %gather3A_860 = tpu.vector_load_idx %arg5[%add3A_859] : memref<16384xf32, #tpu.memory_space<vmem>>[vector<16xi32>], vector<16xf32>,
      %gt3A_861 = arith.cmpf ogt, %gather3A_860, %select_n3A_856 : vector<16xf32>
      %gt3A_862 = arith.cmpf ogt, %gather3A_860, %select_n3A_852 : vector<16xf32>
      %jit3A_863 = arith.constant 52 : i32
      %broadcast_in_dim3A_864 = vector.broadcast %jit3A_863 : i32 to vector<16xi32>
      %select_n3A_865 = arith.select %gt3A_862, %broadcast_in_dim3A_864, %select_n3A_850 : vector<16xi1>, vector<16xi32>
      %select_n3A_866 = arith.select %gt3A_861, %select_n3A_855, %select_n3A_865 : vector<16xi1>, vector<16xi32>
      %select_n3A_867 = arith.select %gt3A_862, %gather3A_860, %select_n3A_852 : vector<16xi1>, vector<16xf32>
      %select_n3A_868 = arith.select %gt3A_861, %select_n3A_856, %select_n3A_867 : vector<16xi1>, vector<16xf32>
      %jit3A_869 = arith.constant 52 : i32
      %broadcast_in_dim3A_870 = vector.broadcast %jit3A_869 : i32 to vector<16xi32>
      %select_n3A_871 = arith.select %gt3A_861, %broadcast_in_dim3A_870, %select_n3A_855 : vector<16xi1>, vector<16xi32>
      %select_n3A_872 = arith.select %gt3A_861, %gather3A_860, %select_n3A_856 : vector<16xi1>, vector<16xf32>
      %add3A_873 = arith.constant 53 : i32
      %add3A_874 = vector.broadcast %add3A_873 : i32 to vector<16xi32>
      %add3A_875 = arith.addi %mul3A_21, %add3A_874 : vector<16xi32>
      %gather3A_876 = tpu.vector_load_idx %arg5[%add3A_875] : memref<16384xf32, #tpu.memory_space<vmem>>[vector<16xi32>], vector<16xf32>,
      %gt3A_877 = arith.cmpf ogt, %gather3A_876, %select_n3A_872 : vector<16xf32>
      %gt3A_878 = arith.cmpf ogt, %gather3A_876, %select_n3A_868 : vector<16xf32>
      %jit3A_879 = arith.constant 53 : i32
      %broadcast_in_dim3A_880 = vector.broadcast %jit3A_879 : i32 to vector<16xi32>
      %select_n3A_881 = arith.select %gt3A_878, %broadcast_in_dim3A_880, %select_n3A_866 : vector<16xi1>, vector<16xi32>
      %select_n3A_882 = arith.select %gt3A_877, %select_n3A_871, %select_n3A_881 : vector<16xi1>, vector<16xi32>
      %select_n3A_883 = arith.select %gt3A_878, %gather3A_876, %select_n3A_868 : vector<16xi1>, vector<16xf32>
      %select_n3A_884 = arith.select %gt3A_877, %select_n3A_872, %select_n3A_883 : vector<16xi1>, vector<16xf32>
      %jit3A_885 = arith.constant 53 : i32
      %broadcast_in_dim3A_886 = vector.broadcast %jit3A_885 : i32 to vector<16xi32>
      %select_n3A_887 = arith.select %gt3A_877, %broadcast_in_dim3A_886, %select_n3A_871 : vector<16xi1>, vector<16xi32>
      %select_n3A_888 = arith.select %gt3A_877, %gather3A_876, %select_n3A_872 : vector<16xi1>, vector<16xf32>
      %add3A_889 = arith.constant 54 : i32
      %add3A_890 = vector.broadcast %add3A_889 : i32 to vector<16xi32>
      %add3A_891 = arith.addi %mul3A_21, %add3A_890 : vector<16xi32>
      %gather3A_892 = tpu.vector_load_idx %arg5[%add3A_891] : memref<16384xf32, #tpu.memory_space<vmem>>[vector<16xi32>], vector<16xf32>,
      %gt3A_893 = arith.cmpf ogt, %gather3A_892, %select_n3A_888 : vector<16xf32>
      %gt3A_894 = arith.cmpf ogt, %gather3A_892, %select_n3A_884 : vector<16xf32>
      %jit3A_895 = arith.constant 54 : i32
      %broadcast_in_dim3A_896 = vector.broadcast %jit3A_895 : i32 to vector<16xi32>
      %select_n3A_897 = arith.select %gt3A_894, %broadcast_in_dim3A_896, %select_n3A_882 : vector<16xi1>, vector<16xi32>
      %select_n3A_898 = arith.select %gt3A_893, %select_n3A_887, %select_n3A_897 : vector<16xi1>, vector<16xi32>
      %select_n3A_899 = arith.select %gt3A_894, %gather3A_892, %select_n3A_884 : vector<16xi1>, vector<16xf32>
      %select_n3A_900 = arith.select %gt3A_893, %select_n3A_888, %select_n3A_899 : vector<16xi1>, vector<16xf32>
      %jit3A_901 = arith.constant 54 : i32
      %broadcast_in_dim3A_902 = vector.broadcast %jit3A_901 : i32 to vector<16xi32>
      %select_n3A_903 = arith.select %gt3A_893, %broadcast_in_dim3A_902, %select_n3A_887 : vector<16xi1>, vector<16xi32>
      %select_n3A_904 = arith.select %gt3A_893, %gather3A_892, %select_n3A_888 : vector<16xi1>, vector<16xf32>
      %add3A_905 = arith.constant 55 : i32
      %add3A_906 = vector.broadcast %add3A_905 : i32 to vector<16xi32>
      %add3A_907 = arith.addi %mul3A_21, %add3A_906 : vector<16xi32>
      %gather3A_908 = tpu.vector_load_idx %arg5[%add3A_907] : memref<16384xf32, #tpu.memory_space<vmem>>[vector<16xi32>], vector<16xf32>,
      %gt3A_909 = arith.cmpf ogt, %gather3A_908, %select_n3A_904 : vector<16xf32>
      %gt3A_910 = arith.cmpf ogt, %gather3A_908, %select_n3A_900 : vector<16xf32>
      %jit3A_911 = arith.constant 55 : i32
      %broadcast_in_dim3A_912 = vector.broadcast %jit3A_911 : i32 to vector<16xi32>
      %select_n3A_913 = arith.select %gt3A_910, %broadcast_in_dim3A_912, %select_n3A_898 : vector<16xi1>, vector<16xi32>
      %select_n3A_914 = arith.select %gt3A_909, %select_n3A_903, %select_n3A_913 : vector<16xi1>, vector<16xi32>
      %select_n3A_915 = arith.select %gt3A_910, %gather3A_908, %select_n3A_900 : vector<16xi1>, vector<16xf32>
      %select_n3A_916 = arith.select %gt3A_909, %select_n3A_904, %select_n3A_915 : vector<16xi1>, vector<16xf32>
      %jit3A_917 = arith.constant 55 : i32
      %broadcast_in_dim3A_918 = vector.broadcast %jit3A_917 : i32 to vector<16xi32>
      %select_n3A_919 = arith.select %gt3A_909, %broadcast_in_dim3A_918, %select_n3A_903 : vector<16xi1>, vector<16xi32>
      %select_n3A_920 = arith.select %gt3A_909, %gather3A_908, %select_n3A_904 : vector<16xi1>, vector<16xf32>
      %add3A_921 = arith.constant 56 : i32
      %add3A_922 = vector.broadcast %add3A_921 : i32 to vector<16xi32>
      %add3A_923 = arith.addi %mul3A_21, %add3A_922 : vector<16xi32>
      %gather3A_924 = tpu.vector_load_idx %arg5[%add3A_923] : memref<16384xf32, #tpu.memory_space<vmem>>[vector<16xi32>], vector<16xf32>,
      %gt3A_925 = arith.cmpf ogt, %gather3A_924, %select_n3A_920 : vector<16xf32>
      %gt3A_926 = arith.cmpf ogt, %gather3A_924, %select_n3A_916 : vector<16xf32>
      %jit3A_927 = arith.constant 56 : i32
      %broadcast_in_dim3A_928 = vector.broadcast %jit3A_927 : i32 to vector<16xi32>
      %select_n3A_929 = arith.select %gt3A_926, %broadcast_in_dim3A_928, %select_n3A_914 : vector<16xi1>, vector<16xi32>
      %select_n3A_930 = arith.select %gt3A_925, %select_n3A_919, %select_n3A_929 : vector<16xi1>, vector<16xi32>
      %select_n3A_931 = arith.select %gt3A_926, %gather3A_924, %select_n3A_916 : vector<16xi1>, vector<16xf32>
      %select_n3A_932 = arith.select %gt3A_925, %select_n3A_920, %select_n3A_931 : vector<16xi1>, vector<16xf32>
      %jit3A_933 = arith.constant 56 : i32
      %broadcast_in_dim3A_934 = vector.broadcast %jit3A_933 : i32 to vector<16xi32>
      %select_n3A_935 = arith.select %gt3A_925, %broadcast_in_dim3A_934, %select_n3A_919 : vector<16xi1>, vector<16xi32>
      %select_n3A_936 = arith.select %gt3A_925, %gather3A_924, %select_n3A_920 : vector<16xi1>, vector<16xf32>
      %add3A_937 = arith.constant 57 : i32
      %add3A_938 = vector.broadcast %add3A_937 : i32 to vector<16xi32>
      %add3A_939 = arith.addi %mul3A_21, %add3A_938 : vector<16xi32>
      %gather3A_940 = tpu.vector_load_idx %arg5[%add3A_939] : memref<16384xf32, #tpu.memory_space<vmem>>[vector<16xi32>], vector<16xf32>,
      %gt3A_941 = arith.cmpf ogt, %gather3A_940, %select_n3A_936 : vector<16xf32>
      %gt3A_942 = arith.cmpf ogt, %gather3A_940, %select_n3A_932 : vector<16xf32>
      %jit3A_943 = arith.constant 57 : i32
      %broadcast_in_dim3A_944 = vector.broadcast %jit3A_943 : i32 to vector<16xi32>
      %select_n3A_945 = arith.select %gt3A_942, %broadcast_in_dim3A_944, %select_n3A_930 : vector<16xi1>, vector<16xi32>
      %select_n3A_946 = arith.select %gt3A_941, %select_n3A_935, %select_n3A_945 : vector<16xi1>, vector<16xi32>
      %select_n3A_947 = arith.select %gt3A_942, %gather3A_940, %select_n3A_932 : vector<16xi1>, vector<16xf32>
      %select_n3A_948 = arith.select %gt3A_941, %select_n3A_936, %select_n3A_947 : vector<16xi1>, vector<16xf32>
      %jit3A_949 = arith.constant 57 : i32
      %broadcast_in_dim3A_950 = vector.broadcast %jit3A_949 : i32 to vector<16xi32>
      %select_n3A_951 = arith.select %gt3A_941, %broadcast_in_dim3A_950, %select_n3A_935 : vector<16xi1>, vector<16xi32>
      %select_n3A_952 = arith.select %gt3A_941, %gather3A_940, %select_n3A_936 : vector<16xi1>, vector<16xf32>
      %add3A_953 = arith.constant 58 : i32
      %add3A_954 = vector.broadcast %add3A_953 : i32 to vector<16xi32>
      %add3A_955 = arith.addi %mul3A_21, %add3A_954 : vector<16xi32>
      %gather3A_956 = tpu.vector_load_idx %arg5[%add3A_955] : memref<16384xf32, #tpu.memory_space<vmem>>[vector<16xi32>], vector<16xf32>,
      %gt3A_957 = arith.cmpf ogt, %gather3A_956, %select_n3A_952 : vector<16xf32>
      %gt3A_958 = arith.cmpf ogt, %gather3A_956, %select_n3A_948 : vector<16xf32>
      %jit3A_959 = arith.constant 58 : i32
      %broadcast_in_dim3A_960 = vector.broadcast %jit3A_959 : i32 to vector<16xi32>
      %select_n3A_961 = arith.select %gt3A_958, %broadcast_in_dim3A_960, %select_n3A_946 : vector<16xi1>, vector<16xi32>
      %select_n3A_962 = arith.select %gt3A_957, %select_n3A_951, %select_n3A_961 : vector<16xi1>, vector<16xi32>
      %select_n3A_963 = arith.select %gt3A_958, %gather3A_956, %select_n3A_948 : vector<16xi1>, vector<16xf32>
      %select_n3A_964 = arith.select %gt3A_957, %select_n3A_952, %select_n3A_963 : vector<16xi1>, vector<16xf32>
      %jit3A_965 = arith.constant 58 : i32
      %broadcast_in_dim3A_966 = vector.broadcast %jit3A_965 : i32 to vector<16xi32>
      %select_n3A_967 = arith.select %gt3A_957, %broadcast_in_dim3A_966, %select_n3A_951 : vector<16xi1>, vector<16xi32>
      %select_n3A_968 = arith.select %gt3A_957, %gather3A_956, %select_n3A_952 : vector<16xi1>, vector<16xf32>
      %add3A_969 = arith.constant 59 : i32
      %add3A_970 = vector.broadcast %add3A_969 : i32 to vector<16xi32>
      %add3A_971 = arith.addi %mul3A_21, %add3A_970 : vector<16xi32>
      %gather3A_972 = tpu.vector_load_idx %arg5[%add3A_971] : memref<16384xf32, #tpu.memory_space<vmem>>[vector<16xi32>], vector<16xf32>,
      %gt3A_973 = arith.cmpf ogt, %gather3A_972, %select_n3A_968 : vector<16xf32>
      %gt3A_974 = arith.cmpf ogt, %gather3A_972, %select_n3A_964 : vector<16xf32>
      %jit3A_975 = arith.constant 59 : i32
      %broadcast_in_dim3A_976 = vector.broadcast %jit3A_975 : i32 to vector<16xi32>
      %select_n3A_977 = arith.select %gt3A_974, %broadcast_in_dim3A_976, %select_n3A_962 : vector<16xi1>, vector<16xi32>
      %select_n3A_978 = arith.select %gt3A_973, %select_n3A_967, %select_n3A_977 : vector<16xi1>, vector<16xi32>
      %select_n3A_979 = arith.select %gt3A_974, %gather3A_972, %select_n3A_964 : vector<16xi1>, vector<16xf32>
      %select_n3A_980 = arith.select %gt3A_973, %select_n3A_968, %select_n3A_979 : vector<16xi1>, vector<16xf32>
      %jit3A_981 = arith.constant 59 : i32
      %broadcast_in_dim3A_982 = vector.broadcast %jit3A_981 : i32 to vector<16xi32>
      %select_n3A_983 = arith.select %gt3A_973, %broadcast_in_dim3A_982, %select_n3A_967 : vector<16xi1>, vector<16xi32>
      %select_n3A_984 = arith.select %gt3A_973, %gather3A_972, %select_n3A_968 : vector<16xi1>, vector<16xf32>
      %add3A_985 = arith.constant 60 : i32
      %add3A_986 = vector.broadcast %add3A_985 : i32 to vector<16xi32>
      %add3A_987 = arith.addi %mul3A_21, %add3A_986 : vector<16xi32>
      %gather3A_988 = tpu.vector_load_idx %arg5[%add3A_987] : memref<16384xf32, #tpu.memory_space<vmem>>[vector<16xi32>], vector<16xf32>,
      %gt3A_989 = arith.cmpf ogt, %gather3A_988, %select_n3A_984 : vector<16xf32>
      %gt3A_990 = arith.cmpf ogt, %gather3A_988, %select_n3A_980 : vector<16xf32>
      %jit3A_991 = arith.constant 60 : i32
      %broadcast_in_dim3A_992 = vector.broadcast %jit3A_991 : i32 to vector<16xi32>
      %select_n3A_993 = arith.select %gt3A_990, %broadcast_in_dim3A_992, %select_n3A_978 : vector<16xi1>, vector<16xi32>
      %select_n3A_994 = arith.select %gt3A_989, %select_n3A_983, %select_n3A_993 : vector<16xi1>, vector<16xi32>
      %select_n3A_995 = arith.select %gt3A_990, %gather3A_988, %select_n3A_980 : vector<16xi1>, vector<16xf32>
      %select_n3A_996 = arith.select %gt3A_989, %select_n3A_984, %select_n3A_995 : vector<16xi1>, vector<16xf32>
      %jit3A_997 = arith.constant 60 : i32
      %broadcast_in_dim3A_998 = vector.broadcast %jit3A_997 : i32 to vector<16xi32>
      %select_n3A_999 = arith.select %gt3A_989, %broadcast_in_dim3A_998, %select_n3A_983 : vector<16xi1>, vector<16xi32>
      %select_n3A_1000 = arith.select %gt3A_989, %gather3A_988, %select_n3A_984 : vector<16xi1>, vector<16xf32>
      %add3A_1001 = arith.constant 61 : i32
      %add3A_1002 = vector.broadcast %add3A_1001 : i32 to vector<16xi32>
      %add3A_1003 = arith.addi %mul3A_21, %add3A_1002 : vector<16xi32>
      %gather3A_1004 = tpu.vector_load_idx %arg5[%add3A_1003] : memref<16384xf32, #tpu.memory_space<vmem>>[vector<16xi32>], vector<16xf32>,
      %gt3A_1005 = arith.cmpf ogt, %gather3A_1004, %select_n3A_1000 : vector<16xf32>
      %gt3A_1006 = arith.cmpf ogt, %gather3A_1004, %select_n3A_996 : vector<16xf32>
      %jit3A_1007 = arith.constant 61 : i32
      %broadcast_in_dim3A_1008 = vector.broadcast %jit3A_1007 : i32 to vector<16xi32>
      %select_n3A_1009 = arith.select %gt3A_1006, %broadcast_in_dim3A_1008, %select_n3A_994 : vector<16xi1>, vector<16xi32>
      %select_n3A_1010 = arith.select %gt3A_1005, %select_n3A_999, %select_n3A_1009 : vector<16xi1>, vector<16xi32>
      %select_n3A_1011 = arith.select %gt3A_1006, %gather3A_1004, %select_n3A_996 : vector<16xi1>, vector<16xf32>
      %select_n3A_1012 = arith.select %gt3A_1005, %select_n3A_1000, %select_n3A_1011 : vector<16xi1>, vector<16xf32>
      %jit3A_1013 = arith.constant 61 : i32
      %broadcast_in_dim3A_1014 = vector.broadcast %jit3A_1013 : i32 to vector<16xi32>
      %select_n3A_1015 = arith.select %gt3A_1005, %broadcast_in_dim3A_1014, %select_n3A_999 : vector<16xi1>, vector<16xi32>
      %select_n3A_1016 = arith.select %gt3A_1005, %gather3A_1004, %select_n3A_1000 : vector<16xi1>, vector<16xf32>
      %add3A_1017 = arith.constant 62 : i32
      %add3A_1018 = vector.broadcast %add3A_1017 : i32 to vector<16xi32>
      %add3A_1019 = arith.addi %mul3A_21, %add3A_1018 : vector<16xi32>
      %gather3A_1020 = tpu.vector_load_idx %arg5[%add3A_1019] : memref<16384xf32, #tpu.memory_space<vmem>>[vector<16xi32>], vector<16xf32>,
      %gt3A_1021 = arith.cmpf ogt, %gather3A_1020, %select_n3A_1016 : vector<16xf32>
      %gt3A_1022 = arith.cmpf ogt, %gather3A_1020, %select_n3A_1012 : vector<16xf32>
      %jit3A_1023 = arith.constant 62 : i32
      %broadcast_in_dim3A_1024 = vector.broadcast %jit3A_1023 : i32 to vector<16xi32>
      %select_n3A_1025 = arith.select %gt3A_1022, %broadcast_in_dim3A_1024, %select_n3A_1010 : vector<16xi1>, vector<16xi32>
      %select_n3A_1026 = arith.select %gt3A_1021, %select_n3A_1015, %select_n3A_1025 : vector<16xi1>, vector<16xi32>
      %select_n3A_1027 = arith.select %gt3A_1022, %gather3A_1020, %select_n3A_1012 : vector<16xi1>, vector<16xf32>
      %select_n3A_1028 = arith.select %gt3A_1021, %select_n3A_1016, %select_n3A_1027 : vector<16xi1>, vector<16xf32>
      %jit3A_1029 = arith.constant 62 : i32
      %broadcast_in_dim3A_1030 = vector.broadcast %jit3A_1029 : i32 to vector<16xi32>
      %select_n3A_1031 = arith.select %gt3A_1021, %broadcast_in_dim3A_1030, %select_n3A_1015 : vector<16xi1>, vector<16xi32>
      %select_n3A_1032 = arith.select %gt3A_1021, %gather3A_1020, %select_n3A_1016 : vector<16xi1>, vector<16xf32>
      %add3A_1033 = arith.constant 63 : i32
      %add3A_1034 = vector.broadcast %add3A_1033 : i32 to vector<16xi32>
      %add3A_1035 = arith.addi %mul3A_21, %add3A_1034 : vector<16xi32>
      %gather3A_1036 = tpu.vector_load_idx %arg5[%add3A_1035] : memref<16384xf32, #tpu.memory_space<vmem>>[vector<16xi32>], vector<16xf32>,
      %gt3A_1037 = arith.cmpf ogt, %gather3A_1036, %select_n3A_1032 : vector<16xf32>
      %gt3A_1038 = arith.cmpf ogt, %gather3A_1036, %select_n3A_1028 : vector<16xf32>
      %jit3A_1039 = arith.constant 63 : i32
      %broadcast_in_dim3A_1040 = vector.broadcast %jit3A_1039 : i32 to vector<16xi32>
      %select_n3A_1041 = arith.select %gt3A_1038, %broadcast_in_dim3A_1040, %select_n3A_1026 : vector<16xi1>, vector<16xi32>
      %select_n3A_1042 = arith.select %gt3A_1037, %select_n3A_1031, %select_n3A_1041 : vector<16xi1>, vector<16xi32>
      %select_n3A_1043 = arith.select %gt3A_1038, %gather3A_1036, %select_n3A_1028 : vector<16xi1>, vector<16xf32>
      %select_n3A_1044 = arith.select %gt3A_1037, %select_n3A_1032, %select_n3A_1043 : vector<16xi1>, vector<16xf32>
      %jit3A_1045 = arith.constant 63 : i32
      %broadcast_in_dim3A_1046 = vector.broadcast %jit3A_1045 : i32 to vector<16xi32>
      %select_n3A_1047 = arith.select %gt3A_1037, %broadcast_in_dim3A_1046, %select_n3A_1031 : vector<16xi1>, vector<16xi32>
      %select_n3A_1048 = arith.select %gt3A_1037, %gather3A_1036, %select_n3A_1032 : vector<16xi1>, vector<16xf32>
      %sub3A = arith.subf %select_n3A_1044, %select_n3A_1048 : vector<16xf32>
      %exp3A = math.exp %sub3A : vector<16xf32>
      %add3A_1049 = arith.constant 1.000000e+00 : f32
      %add3A_1050 = vector.broadcast %add3A_1049 : f32 to vector<16xf32>
      %add3A_1051 = arith.addf %add3A_1050, %exp3A : vector<16xf32>
      %div3A = arith.constant 1.000000e+00 : f32
      %div3A_1052 = vector.broadcast %div3A : f32 to vector<16xf32>
      %div3A_1053 = arith.divf %div3A_1052, %add3A_1051 : vector<16xf32>
      %div3A_1054 = arith.divf %exp3A, %add3A_1051 : vector<16xf32>
      %mul3A_1055 = arith.constant 2 : i32
      %mul3A_1056 = vector.broadcast %mul3A_1055 : i32 to vector<16xi32>
      %mul3A_1057 = arith.muli %add3A_18, %mul3A_1056 : vector<16xi32>
      tpu.vector_store_idx %arg6[%mul3A_1057], %div3A_1053 : memref<512xf32, #tpu.memory_space<vmem>>[vector<16xi32>], vector<16xf32>,
      %add3A_1058 = arith.constant 1 : i32
      %add3A_1059 = vector.broadcast %add3A_1058 : i32 to vector<16xi32>
      %add3A_1060 = arith.addi %mul3A_1057, %add3A_1059 : vector<16xi32>
      tpu.vector_store_idx %arg6[%add3A_1060], %div3A_1054 : memref<512xf32, #tpu.memory_space<vmem>>[vector<16xi32>], vector<16xf32>,
      tpu.vector_store_idx %arg7[%mul3A_1057], %select_n3A_1047 : memref<512xi32, #tpu.memory_space<vmem>>[vector<16xi32>], vector<16xi32>,
      %add3A_1061 = arith.constant 1 : i32
      %add3A_1062 = vector.broadcast %add3A_1061 : i32 to vector<16xi32>
      %add3A_1063 = arith.addi %mul3A_1057, %add3A_1062 : vector<16xi32>
      tpu.vector_store_idx %arg7[%add3A_1063], %select_n3A_1042 : memref<512xi32, #tpu.memory_space<vmem>>[vector<16xi32>], vector<16xi32>,
    }
    %scan3A_9 = arith.constant 16 : i32
    %mul3A_10 = arith.constant 2 : i32
    %mul3A_11 = arith.muli %mul3A_2, %mul3A_10 : i32
    "tpu.region"() ({
      %run_scoped3A = tpu.sem_alloc : memref<!tpu.dma_semaphore, #tpu.memory_space<semaphore_mem>>
      %dma_start3A = tpu.memref_slice %arg3[%mul3A_11] : memref<16384xf32, #tpu.memory_space<hbm>> -> memref<512xf32, #tpu.memory_space<hbm>>
      %dma_start3A_14 = tpu.memref_slice %arg3[%mul3A_11] : memref<16384xf32, #tpu.memory_space<hbm>> -> memref<512xf32, #tpu.memory_space<hbm>>
      tpu.enqueue_dma source(%arg6 : memref<512xf32, #tpu.memory_space<vmem>>) target(%dma_start3A_14 : memref<512xf32, #tpu.memory_space<hbm>>) target_semaphore(%run_scoped3A : memref<!tpu.dma_semaphore, #tpu.memory_space<semaphore_mem>>)
      %dma_wait3A = tpu.memref_slice %arg3[%mul3A_11] : memref<16384xf32, #tpu.memory_space<hbm>> -> memref<512xf32, #tpu.memory_space<hbm>>
      %dma_wait3A_15 = tpu.memref_slice %arg3[%mul3A_11] : memref<16384xf32, #tpu.memory_space<hbm>> -> memref<512xf32, #tpu.memory_space<hbm>>
      tpu.wait_dma2 semaphore(%run_scoped3A : memref<!tpu.dma_semaphore, #tpu.memory_space<semaphore_mem>>) src(%arg6 : memref<512xf32, #tpu.memory_space<vmem>>) dst(%dma_wait3A_15 : memref<512xf32, #tpu.memory_space<hbm>>)
      tpu.yield
    }) : () -> ()
    %mul3A_12 = arith.constant 2 : i32
    %mul3A_13 = arith.muli %mul3A_2, %mul3A_12 : i32
    "tpu.region"() ({
      %run_scoped3A = tpu.sem_alloc : memref<!tpu.dma_semaphore, #tpu.memory_space<semaphore_mem>>
      %dma_start3A = tpu.memref_slice %arg4[%mul3A_13] : memref<16384xi32, #tpu.memory_space<hbm>> -> memref<512xi32, #tpu.memory_space<hbm>>
      %dma_start3A_14 = tpu.memref_slice %arg4[%mul3A_13] : memref<16384xi32, #tpu.memory_space<hbm>> -> memref<512xi32, #tpu.memory_space<hbm>>
      tpu.enqueue_dma source(%arg7 : memref<512xi32, #tpu.memory_space<vmem>>) target(%dma_start3A_14 : memref<512xi32, #tpu.memory_space<hbm>>) target_semaphore(%run_scoped3A : memref<!tpu.dma_semaphore, #tpu.memory_space<semaphore_mem>>)
      %dma_wait3A = tpu.memref_slice %arg4[%mul3A_13] : memref<16384xi32, #tpu.memory_space<hbm>> -> memref<512xi32, #tpu.memory_space<hbm>>
      %dma_wait3A_15 = tpu.memref_slice %arg4[%mul3A_13] : memref<16384xi32, #tpu.memory_space<hbm>> -> memref<512xi32, #tpu.memory_space<hbm>>
      tpu.wait_dma2 semaphore(%run_scoped3A : memref<!tpu.dma_semaphore, #tpu.memory_space<semaphore_mem>>) src(%arg7 : memref<512xi32, #tpu.memory_space<vmem>>) dst(%dma_wait3A_15 : memref<512xi32, #tpu.memory_space<hbm>>)
      tpu.yield
    }) : () -> ()
    return
  }
}

module attributes {stable_mosaic.version = 14 : i64} {
  func.func @_logits_body(%arg0: i32, %arg1: memref<1024x2048xf32, #tpu.memory_space<vmem>>, %arg2: memref<2048x2048xf32, #tpu.memory_space<vmem>>, %arg3: memref<2048x64xf32, #tpu.memory_space<vmem>>, %arg4: memref<1024x64xf32, #tpu.memory_space<vmem>>) attributes {dimension_semantics = [#tpu.dimension_semantics<arbitrary>], iteration_bounds = array<i64: 8>, scalar_prefetch = 0 : i64, scratch_operands = 0 : i64, tpu.core_type = #tpu.core_type<tc>, window_params = [{transform_indices = @transform_0, window_bounds = array<i64: 1024, 2048>}, {pipeline_mode = #tpu.pipeline_mode<synchronous>, transform_indices = @transform_1, window_bounds = array<i64: 2048, 2048>}, {pipeline_mode = #tpu.pipeline_mode<synchronous>, transform_indices = @transform_2, window_bounds = array<i64: 2048, 64>}, {transform_indices = @transform_3, window_bounds = array<i64: 1024, 64>}]} {
    %get3A = arith.constant 0 : index
    %get3A_0 = arith.constant 0 : index
    %get3A_1 = vector.load %arg1[%get3A, %get3A_0] : memref<1024x2048xf32, #tpu.memory_space<vmem>>, vector<1024x2048xf32>
    %get3A_2 = arith.constant 0 : index
    %get3A_3 = arith.constant 0 : index
    %get3A_4 = vector.load %arg2[%get3A_2, %get3A_3] : memref<2048x2048xf32, #tpu.memory_space<vmem>>, vector<2048x2048xf32>
    %dot_general3A = arith.constant dense<0.000000e+00> : vector<1024x2048xf32>
    %dot_general3A_5 = tpu.matmul %get3A_1, %get3A_4, %dot_general3A {dimension_numbers = #tpu.dot_dimension_numbers<[1], [0], [0], [1], [0, 0, 1, 1], [], []>, transpose_lhs_hint = false} : vector<1024x2048xf32>, vector<2048x2048xf32>, vector<1024x2048xf32> -> vector<1024x2048xf32>
    %max3A = arith.constant 0.000000e+00 : f32
    %max3A_6 = vector.broadcast %max3A : f32 to vector<1024x2048xf32>
    %max3A_7 = arith.maximumf %dot_general3A_5, %max3A_6 : vector<1024x2048xf32>
    %get3A_8 = arith.constant 0 : index
    %get3A_9 = arith.constant 0 : index
    %get3A_10 = vector.load %arg3[%get3A_8, %get3A_9] : memref<2048x64xf32, #tpu.memory_space<vmem>>, vector<2048x64xf32>
    %dot_general3A_11 = arith.constant dense<0.000000e+00> : vector<1024x64xf32>
    %dot_general3A_12 = tpu.matmul %max3A_7, %get3A_10, %dot_general3A_11 {dimension_numbers = #tpu.dot_dimension_numbers<[1], [0], [0], [1], [0, 0, 1, 1], [], []>, transpose_lhs_hint = false} : vector<1024x2048xf32>, vector<2048x64xf32>, vector<1024x64xf32> -> vector<1024x64xf32>
    %swap3A = arith.constant 0 : index
    %swap3A_13 = arith.constant 0 : index
    %swap3A_14 = vector.load %arg4[%swap3A, %swap3A_13] : memref<1024x64xf32, #tpu.memory_space<vmem>>, vector<1024x64xf32>
    tpu.vector_store %arg4[%swap3A, %swap3A_13], %dot_general3A_12 {strides = array<i32>} : memref<1024x64xf32, #tpu.memory_space<vmem>>, vector<1024x64xf32>,
    return
  }
  func.func @transform_0(%arg0: i32) -> (i32, i32) {
    %c0_i32 = arith.constant 0 : i32
    %c0_i32_0 = arith.constant 0 : i32
    return %arg0, %c0_i32 : i32, i32
  }
  func.func @transform_1(%arg0: i32) -> (i32, i32) {
    %c0_i32 = arith.constant 0 : i32
    %c0_i32_0 = arith.constant 0 : i32
    %c0_i32_1 = arith.constant 0 : i32
    return %c0_i32, %c0_i32_0 : i32, i32
  }
  func.func @transform_2(%arg0: i32) -> (i32, i32) {
    %c0_i32 = arith.constant 0 : i32
    %c0_i32_0 = arith.constant 0 : i32
    %c0_i32_1 = arith.constant 0 : i32
    return %c0_i32, %c0_i32_0 : i32, i32
  }
  func.func @transform_3(%arg0: i32) -> (i32, i32) {
    %c0_i32 = arith.constant 0 : i32
    %c0_i32_0 = arith.constant 0 : i32
    return %arg0, %c0_i32 : i32, i32
  }
}

</mosaic_0001>

<sc_bundles>
// kernel: kernel.4.cloned.1.call-start
scs
__scs_entry_jumppad:
0x0: {  	(pc) =	sbr.rel $0x88, $3  }
0x1: {  	(tag) =	ssettag $0x0;
	lr =	simm.s32 $0x1  }
0x2: {  	[smem:$0x3F9E] =	sst lr;
	_ =	strace $0xD0000000  }
0x3: {  	_ = 	snop  }
0x4: {  	_ = 	snop  }
0x5: {  	_ = 	snop  }
0x6: {  	_ = 	snop  }
0x7: {  	_ = 	snop  }
__scs_overlays_trampoline_lowered:
0x8: {  	[smem:$0x3FAD] =	sst s0  }
0x9: {  	[smem:$0x3FAE] =	sst s1  }
0xa: {  	[smem:$0x3FAF] =	sst s2  }
0xb: {  	[smem:$0x3FB0] =	sst s3  }
0xc: {  	[smem:$0x3FB1] =	sst s4  }
0xd: {  	[smem:$0x3FB2] =	sst s5  }
0xe: {  	[smem:$0x3FB3] =	sst s6  }
0xf: {  	[smem:$0x3FB4] =	sst s7  }
0x10: {  	[smem:$0x3FB5] =	sst s8  }
0x11: {  	[smem:$0x3FB6] =	sst s9;
	s0 =	simm.s32 @!p0 $0x0  }
0x12: {  	s1 =	sld [smem:$0x3F9C];
	s0 =	simm.s32 @p0 $0x1  }
0x13: {  	[smem:$0x3FB7] =	sst s0;
	s0 =	simm.s32 @!p1 $0x0  }
0x14: {  	s2 =	sld [smem:$0x3F9B];
	s0 =	simm.s32 @p1 $0x1  }
0x15: {  	[smem:$0x3FB8] =	sst s0;
	s0 =	simm.s32 @!p2 $0x0  }
0x16: {  	s3 =	sld [smem:$0x3FDB];
	s0 =	simm.s32 @p2 $0x1  }
0x17: {  	s4 =	simm.s32 $0x1BF5;
	[smem:$0x3FBA] =	sst s0  }
0x18: {  	s0 =	sld [smem:$0x3F9D];
	_ =	swait.ge [sflag:s4], $0x0  }
0x19: {  	s7 =	sld [smem:$0x3F9E]  }
0x1a: {  	s8 =	sadd.s32 $0xFFFFE003, lr  }
0x1b: {  	s9 =	sadd.s32 $0xFFFFFEF7, lr;
	s5 =	simm.s32 $0xFFFFFFFF;
	p2 =	slt.u32 s8, $0xFFFFF086  }
0x1c: {  	p1 =	slt.u32 s9, $0xF7A;
	s5 =	simm.s32 @!p2 $0x0  }
0x1d: {  	s5 =	simm.s32 @p1 $0x1;
	p0 =	seq.s32 s7, s2  }
0x1e: {  	s7 =	smul.u32 @!p0 $0xF7A, s2;
	p2 =	seq.s32 @!p0 s5, $0x0  }
0x1f: {  	s9 =	smul.u32 $0xF7A, s1;
	s8 =	simm.s32 @!p0 $0x1BF5;
	p2 =	por !p2, p0  }
0x20: {  	[sflag:s8] =	ssyncset.s32 @!p0 $0xFFFFF086;
	s6 =	sadd.s32 @!p0 s3, s7;
	s7 =	simm.s32 @!p0 $0x108  }
0x21: {  	s3 =	sadd.s32 s3, s9;
	s6 =	sadd.s32 @!p0 $0x88, s6;
	s7 =	simm.s32 @p2 $0x1082  }
0x22: {  	[simem:s7], [sflag:s8] =	dma.local @!p0 [hbm:s6], $0xF7A  }
0x23: {  	s9 =	sor.u32 $0xD0000000, s2;
	s6 =	simm.s32 $0x108;
	_ =	swait.ge @!p0 [sflag:s8], $0x0  }
0x24: {  	s3 =	sadd.s32 $0x88, s3;
	s6 =	simm.s32 @!p1 $0x1082;
	[sflag:s4] =	ssyncset.s32 $0xFFFFF086  }
0x25: {  	[simem:s6], [sflag:s4] =	dma.local [hbm:s3], $0xF7A  }
0x26: {  	[smem:$0x3F9E] =	sst s1;
	(tag) =	ssettag s2;
	_ =	strace s9  }
0x27: {  	s1 =	sld [smem:$0x3FAE]  }
0x28: {  	s2 =	sld [smem:$0x3FAF]  }
0x29: {  	s4 =	sld [smem:$0x3FB1]  }
0x2a: {  	p0 =	seq.s32 s5, $0x0;
	s5 =	sld [smem:$0x3FB2]  }
0x2b: {  	s6 =	sld [smem:$0x3FB3]  }
0x2c: {  	s7 =	sld [smem:$0x3FB4]  }
0x2d: {  	s3 =	simm.s32 $0x108;
	s8 =	sld [smem:$0x3FB5]  }
0x2e: {  	s3 =	simm.s32 @!p0 $0x1082;
	s9 =	sld [smem:$0x3FB6]  }
0x2f: {  	lr =	sadd.s32 s0, s3;
	s0 =	sld [smem:$0x3FAD]  }
0x30: {  	s3 =	sld [smem:$0x3FB0]  }
0x31: {  	[smem:$0x3FB9] =	sst s10  }
0x32: {  	s10 =	sld [smem:$0x3FB7];
	_ =	sdelay $0x3  }
0x33: {  	p0 =	seq.s32 s10, $0x1;
	s10 =	sld [smem:$0x3FB9];
	_ =	sdelay $0x3  }
0x34: {  	[smem:$0x3FB9] =	sst s10  }
0x35: {  	s10 =	sld [smem:$0x3FB8];
	_ =	sdelay $0x3  }
0x36: {  	p1 =	seq.s32 s10, $0x1;
	s10 =	sld [smem:$0x3FB9];
	_ =	sdelay $0x3  }
0x37: {  	[smem:$0x3FB9] =	sst s10  }
0x38: {  	s10 =	sld [smem:$0x3FBA]  }
0x39: {  	_ = 	snop;
	(pc) =	sbr.ind lr, $3  }
0x3a: {  	_ = 	snop  }
0x3b: {  	_ = 	snop  }
0x3c: {  	p2 =	seq.s32 s10, $0x1;
	s10 =	sld [smem:$0x3FB9]  }
0x3d: {  	_ =	shalt  }
0x3e: {  	_ =	shalt  }
0x3f: {  	_ =	shalt  }
0x40: {  	_ =	shalt  }
0x41: {  	_ =	shalt  }
0x42: {  	_ =	shalt  }
0x43: {  	_ =	shalt  }
0x44: {  	_ =	shalt  }
0x45: {  	_ =	shalt  }
0x46: {  	_ =	shalt  }
0x47: {  	_ =	shalt  }
0x48: {  	_ =	shalt  }
0x49: {  	_ =	shalt  }
0x4a: {  	_ =	shalt  }
0x4b: {  	_ =	shalt  }
0x4c: {  	_ =	shalt  }
0x4d: {  	_ =	shalt  }
0x4e: {  	_ =	shalt  }
0x4f: {  	_ =	shalt  }
0x50: {  	_ =	shalt  }
0x51: {  	_ =	shalt  }
0x52: {  	_ =	shalt  }
0x53: {  	_ =	shalt  }
0x54: {  	_ =	shalt  }
0x55: {  	_ =	shalt  }
0x56: {  	_ =	shalt  }
0x57: {  	_ =	shalt  }
0x58: {  	_ =	shalt  }
0x59: {  	_ =	shalt  }
0x5a: {  	_ =	shalt  }
0x5b: {  	_ =	shalt  }
0x5c: {  	_ =	shalt  }
0x5d: {  	_ =	shalt  }
0x5e: {  	_ =	shalt  }
0x5f: {  	_ =	shalt  }
0x60: {  	_ =	shalt  }
0x61: {  	_ =	shalt  }
0x62: {  	_ =	shalt  }
0x63: {  	_ =	shalt  }
0x64: {  	_ =	shalt  }
0x65: {  	_ =	shalt  }
0x66: {  	_ =	shalt  }
0x67: {  	_ =	shalt  }
0x68: {  	_ =	shalt  }
0x69: {  	_ =	shalt  }
0x6a: {  	_ =	shalt  }
0x6b: {  	_ =	shalt  }
0x6c: {  	_ =	shalt  }
0x6d: {  	_ =	shalt  }
0x6e: {  	_ =	shalt  }
0x6f: {  	_ =	shalt  }
0x70: {  	_ =	shalt  }
0x71: {  	_ =	shalt  }
0x72: {  	_ =	shalt  }
0x73: {  	_ =	shalt  }
0x74: {  	_ =	shalt  }
0x75: {  	_ =	shalt  }
0x76: {  	_ =	shalt  }
0x77: {  	_ =	shalt  }
0x78: {  	_ =	shalt  }
0x79: {  	_ =	shalt  }
0x7a: {  	_ =	shalt  }
0x7b: {  	_ =	shalt  }
0x7c: {  	_ =	shalt  }
0x7d: {  	_ =	shalt  }
0x7e: {  	_ =	shalt  }
0x7f: {  	_ =	shalt  }
0x80: {  	_ =	shalt  }
0x81: {  	_ =	shalt  }
0x82: {  	_ =	shalt  }
0x83: {  	_ =	shalt  }
0x84: {  	_ =	shalt  }
0x85: {  	_ =	shalt  }
0x86: {  	_ =	shalt  }
0x87: {  	_ =	shalt  }
.Lfunc_end0:
.L_simem_size_0:
called_computation_lowered:
.L_overlay_start_0:
0x88: {  	s2 =	sld [smem:$0x3FD9]  }
0x89: {  	s3 =	sld [smem:$0x3FFE];
	_ =	sdelay $0x1  }
0x8a: {  	s1 =	srdreg.scid  }
0x8b: {  	s0 =	sand.u32 $0x1, s1  }
0x8c: {  	s14 =	sshll.u32 s0, $0xA;
	s2 =	sadd.s32 s3, s2  }
0x8d: {  	s2 =	sadd.s32 s2, s14  }
0x8e: {  	[smem:$0x3FC5] =	sst s2  }
0x8f: {  	_ = 	snop  }
0x90: {  	s2 =	sld [smem:$0x3FD0];
	_ =	sdelay $0x2  }
0x91: {  	s15 =	simm.s32 $0xA;
	s4 =	simm.s32 $0x10  }
0x92: {  	[smem:s4], [sflag:s15] =	dma.local [hbm:s2], $0x1  }
0x93: {  	_ =	swait.eq [sflag:s15], $0x1  }
0x94: {  	[sflag:s15] =	ssyncset.done $0x0  }
0x95: {  	[sflag:s15] =	ssyncadd.s32 $0xFFFFFFFF  }
0x96: {  	s16 =	sld [smem:$0x11];
	(tm) =	ssettm $0x1  }
0x97: {  	s17 =	sld [smem:$0x3FFB];
	_ =	sdelay $0x3  }
0x98: {  	_ =	strace s17  }
0x99: {  	s3 =	sld [smem:$0x3FFC];
	_ =	sdelay $0x3  }
0x9a: {  	_ =	strace s3  }
0x9b: {  	s3 =	sld [smem:$0x3FFD];
	_ =	sdelay $0x3  }
0x9c: {  	_ =	strace s3  }
0x9d: {  	_ =	strace $0x8FFFFFFF  }
0x9e: {  	s18 =	sld [smem:$0x3FDB];
	_ =	sdelay $0x1  }
0x9f: {  	s19 =	simm.s32 $_scs_section_size  }
0xa0: {  	s5 =	simm.s32 $_size__tile_overlayer_lowered;
	s6 =	simm.s32 $_tile_overlayer_lowered  }
0xa1: {  	s22 =	simm.s32 $0x1BFF;
	s21 =	sshll.u32 s6, $0x1;
	s3 =	sadd.s32 s19, s18  }
0xa2: {  	s7 =	simm.s32 $0x0;
	s20 =	sshll.u32 s5, $0x1;
	s5 =	sadd.s32 s21, s3  }
0xa3: {  	[timem:s7], [sflag:s22] =	dma.local [hbm:s5], s20  }
0xa4: {  	_ =	swait.ge [sflag:s22], s20  }
0xa5: {  	s4 =	ssub.s32 $0x0, s20;
	[sflag:s22] =	ssyncset.done $0x0  }
0xa6: {  	[sflag:s22] =	ssyncadd.s32 s4;
	_ =	sdelay $0x1  }
0xa7: {  	s23 =	simm.s32 $0x1B8B  }
0xa8: {  	_ =	swait.ge [sflag:s23], $0x1  }
0xa9: {  	[sflag:s23] =	ssyncset.done $0x0  }
0xaa: {  	s25 =	simm.s32 $0x1B8E;
	s24 =	sld [smem:$0x3FFE];
	[sflag:s23] =	ssyncadd.s32 $0xFFFFFFFF  }
0xab: {  	s26 =	simm.s32 $execute0_lowered;
	[smem:$0x3FD2] =	sst s25  }
0xac: {  	s5 =	sshll.u32 s26, $0x1;
	_ =	strace $0x80000046;
	[dreg:$0x1] =	wrdreg $0xFFFFFFFF  }
0xad: {  	s28 =	simm.s32 $_size_execute0_lowered;
	s3 =	sadd.s32 s3, s5;
	[dreg:$0x0] =	wrdreg $0x0  }
0xae: {  	s5 =	sshll.u32 s28, $0x1;
	[dreg:$0x2] =	wrdreg s3  }
0xaf: {  	[dreg:$0x3] =	wrdreg s5  }
0xb0: {  	[dreg:$0x4] =	wrdreg $0xC0  }
0xb1: {  	_ =	task [dreg:s7], $0x5FFFF  }
0xb2: {  	[dreg:$0x1] =	wrdreg $0xFFFFFFFF  }
0xb3: {  	[dreg:$0x0] =	wrdreg $0x60  }
0xb4: {  	[dreg:$0x2] =	wrdreg s24  }
0xb5: {  	[dreg:$0x3] =	wrdreg s16  }
0xb6: {  	[dreg:$0x4] =	wrdreg $0x9  }
0xb7: {  	_ =	task.clear_ibuf [dreg:s7], $0x5FFFF;
	_ =	strace $0x90000046  }
0xb8: {  	s29 =	simm.s32 $0x9;
	_ =	strace $0x80000048  }
0xb9: {  	_ =	swait.ge [sflag:s29], $0x1  }
0xba: {  	[sflag:s29] =	ssyncadd.s32 $0xFFFFFFFF  }
0xbb: {  	_ =	strace $0x90000048  }
0xbc: {  	_ =	sfence  }
0xbd: {  	s30 =	sld [smem:$0x0];
	_ =	sdelay $0x2  }
0xbe: {  	s31 =	sshll.u32 s1, $0xD;
	s1 =	sshrl.u32 s1, $0x2  }
0xbf: {  	s3 =	sand.u32 $0x4000, s31;
	s1 =	sadd.s32 s1, s30  }
0xc0: {  	s0 =	sor.u32 s3, s0;
	s1 =	sshll.u32 s1, $0x11  }
0xc1: {  	s0 =	sor.u32 s1, s0  }
0xc2: {  	s0 =	sadd.s32 $0x8F2B, s0  }
0xc3: {  	[sflag:s0] =	ssyncadd.remote.s32 $0x1  }
0xc4: {  	_ =	sfence.sel $0xFFFF  }
0xc5: {  	[dreg:$0x0] =	wrdreg $0xFFFFFFFF;
	(pc) =	sbr.abs _section_cstart, $3  }
0xc6: {  	[dreg:$0x1] =	wrdreg $0xFFFFFFFF  }
0xc7: {  	_ =	task.clear_ibuf [dreg:s7], $0x2FFFF;
	_ =	strace $0x9FFFFFFF  }
0xc8: {  	(tm) =	ssettm $0x7FFFFFFF  }
0xc9: {  	_ =	shalt  }
tec
execute0_lowered:
.L_overlay_start_1:
0x0: {  	(tag) =	ssettag $0x1  }
0x1: {  	s3 =	rddreg [dreg:$0x0]  }
0x2: {  	s4 =	rddreg [dreg:$0x1]  }
0x3: {  	s0 =	rddreg [dreg:$0x2]  }
0x4: {  	s5 =	srdreg.scid;
	s1 =	stileid.u32  }
0x5: {  	s2 =	simm.s32 $0x0;
	s5 =	sand.u32 $0x1, s5;
	s6 =	sshll.u32 s1, $0x1  }
0x6: {  	s10 =	simm.s32 $0x0;
	[smem:$0x7FF] =	sst s2;
	s6 =	sor.u32 s5, s6  }
0x7: {  	_ =	strace $0x80000047;
	s5 =	ssub.s32 $0x2, s5;
	s7 =	sshll.u32 s6, $0xB  }
0x8: {  	s6 =	sshll.u32 s6, $0x6;
	s31 =	sshrl.u32 s5, $0x1;
	s7 =	sadd.s32 s7, s3  }
0x9: {  	s8 =	sadd.s32 s6, s3;
	s9 =	ssub.s32 s5, s31;
	s4 =	sadd.s32 s4, s6  }
0xa: {  	s3 =	sadd.s32 $0xC00, s7;
	s5 =	sadd.s32 $0x10C00, s8;
	s6 =	smax.u32 s9, $0x1  }
0xb: {  	v0 =	vlaneseq.u32;
	v1 =	vimm.s32 $0x0;
	s7 =	simm.s32 $0x1;
	s8 =	simm.s32 $0x4000;
	s9 =	simm.s32 $0x4200  }
.LBB2_1:
0xc: {  	v2 =	vor.u32 s2, v0  }
0xd: {  	v3 =	vshll.u32 v2, $0x6  }
0xe: {  	[tilespmem:s2], [sflag:$0x1] =	stream.linear.gather [hbm4b:s3+s2], $0x4000, $0x38;
	[tilespmem:$0x4400] =	vst v63  }
0xf: {  	_ =	swait.ge [sflag:s7], $0x4000;
	v4 =	vor.u32 $0x1, v3  }
0x10: {  	[sflag:s7] =	ssyncset.done $0x0  }
0x11: {  	[sflag:s7] =	ssyncadd.s32 $0xFFFFC000  }
0x12: {  	v6 =	vld.idx.msk [tilespmem:v3+s2+$0x0], $0xffff  }
0x13: {  	v5 =	vor.u32 $0x2, v3  }
0x14: {  	v4 =	vld.idx.msk [tilespmem:v4+s2+$0x0], $0xffff;
	_ =	sdelay $0x1  }
0x15: {  	v7 =	vor.u32 $0x3, v3  }
0x16: {  	vm0 =	vgt.f32 v6, $-Inf  }
0x17: {  	v9 =	vimm.s32 $0x0;
	v8 =	vor.u32 $0x4, v3;
	v5 =	vld.idx.msk [tilespmem:v5+s2+$0x0], $0xffff;
	v6 =	vnsel vm0, $0xFF800000, v6  }
0x18: {  	vm8 =	vlt.f32 v4, $-Inf;
	vm1 =	vgt.f32 v4, $-Inf;
	vm2 =	vgt.f32 v4, v6  }
0x19: {  	vm14 =	vmor vm1, vm8;
	v9 =	vsel vm2, $0xFFFFFFFF, v9  }
0x1a: {  	v7 =	vld.idx.msk [tilespmem:v7+s2+$0x0], $0xffff;
	vm1 =	vmneg vm2;
	[tilespmem:$0x1FC10] =	vst v9;
	v9 =	vnsel vm14, $0xFF800000, v4  }
0x1b: {  	v9 =	vsel vm1, v9, v6  }
0x1c: {  	v10 =	vor.u32 $0x5, v3;
	v4 =	vsel vm1, v6, v4;
	vm15 =	vgt.f32 v5, v9  }
0x1d: {  	v6 =	vld.idx.msk [tilespmem:v8+s2+$0x0], $0xffff;
	vm2 =	vgt.f32 v5, v4;
	v8 =	vsel vm15, v5, v9  }
0x1e: {  	v9 =	vor.u32 $0x6, v3;
	v8 =	vsel vm2, v4, v8  }
0x1f: {  	v4 =	vsel vm2, v5, v4;
	v5 =	vimm.s32 $0x0;
	vm9 =	vgt.f32 v7, v8  }
0x20: {  	vm3 =	vgt.f32 v7, v4;
	v5 =	vsel vm9, $0xFFFFFFFF, v5;
	v8 =	vsel vm9, v7, v8  }
0x21: {  	[tilespmem:$0x1FC20] =	vst v5;
	v5 =	vld.idx.msk [tilespmem:v10+s2+$0x0], $0xffff;
	v8 =	vsel vm3, v4, v8  }
0x22: {  	v4 =	vsel vm3, v7, v4;
	v7 =	vimm.s32 $0x0;
	vm10 =	vgt.f32 v6, v8  }
0x23: {  	v10 =	vor.u32 $0x7, v3;
	v7 =	vsel vm10, $0xFFFFFFFF, v7  }
0x24: {  	vm4 =	vgt.f32 v6, v4;
	v8 =	vsel vm10, v6, v8;
	[tilespmem:$0x1FC30] =	vst v7;
	v7 =	vld.idx.msk [tilespmem:v9+s2+$0x0], $0xffff  }
0x25: {  	v9 =	vor.u32 $0x8, v3;
	v8 =	vsel vm4, v4, v8  }
0x26: {  	v4 =	vsel vm4, v6, v4;
	v6 =	vimm.s32 $0x0;
	vm11 =	vgt.f32 v5, v8  }
0x27: {  	vm5 =	vgt.f32 v5, v4;
	v6 =	vsel vm11, $0xFFFFFFFF, v6;
	v8 =	vsel vm11, v5, v8  }
0x28: {  	[tilespmem:$0x1FC40] =	vst v6;
	v6 =	vld.idx.msk [tilespmem:v10+s2+$0x0], $0xffff;
	v8 =	vsel vm5, v4, v8  }
0x29: {  	v4 =	vsel vm5, v5, v4;
	v5 =	vimm.s32 $0x0;
	vm12 =	vgt.f32 v7, v8  }
0x2a: {  	v10 =	vor.u32 $0x9, v3;
	v5 =	vsel vm12, $0xFFFFFFFF, v5  }
0x2b: {  	vm6 =	vgt.f32 v7, v4;
	v8 =	vsel vm12, v7, v8;
	[tilespmem:$0x1FC50] =	vst v5;
	v5 =	vld.idx.msk [tilespmem:v9+s2+$0x0], $0xffff  }
0x2c: {  	v9 =	vor.u32 $0xA, v3;
	v8 =	vsel vm6, v4, v8  }
0x2d: {  	v4 =	vsel vm6, v7, v4;
	v7 =	vimm.s32 $0x0;
	vm13 =	vgt.f32 v6, v8  }
0x2e: {  	vm7 =	vgt.f32 v6, v4;
	v7 =	vsel vm13, $0xFFFFFFFF, v7;
	v8 =	vsel vm13, v6, v8  }
0x2f: {  	[tilespmem:$0x1FC60] =	vst v7;
	v7 =	vld.idx.msk [tilespmem:v10+s2+$0x0], $0xffff;
	v8 =	vsel vm7, v4, v8  }
0x30: {  	v4 =	vsel vm7, v6, v4;
	v6 =	vimm.s32 $0x0;
	vm8 =	vgt.f32 v5, v8  }
0x31: {  	v10 =	vor.u32 $0xB, v3;
	v6 =	vsel vm8, $0xFFFFFFFF, v6  }
0x32: {  	v8 =	vsel vm8, v5, v8;
	vm8 =	vgt.f32 v5, v4;
	[tilespmem:$0x1FC70] =	vst v6;
	v6 =	vld.idx.msk [tilespmem:v9+s2+$0x0], $0xffff  }
0x33: {  	v9 =	vor.u32 $0xC, v3;
	v8 =	vsel vm8, v4, v8  }
0x34: {  	v4 =	vsel vm8, v5, v4;
	v5 =	vimm.s32 $0x0;
	vm9 =	vgt.f32 v7, v8  }
0x35: {  	v5 =	vsel vm9, $0xFFFFFFFF, v5;
	v8 =	vsel vm9, v7, v8;
	vm9 =	vgt.f32 v7, v4  }
0x36: {  	[tilespmem:$0x1FC80] =	vst v5;
	v5 =	vld.idx.msk [tilespmem:v10+s2+$0x0], $0xffff;
	v8 =	vsel vm9, v4, v8  }
0x37: {  	v4 =	vsel vm9, v7, v4;
	v7 =	vimm.s32 $0x0;
	vm10 =	vgt.f32 v6, v8  }
0x38: {  	v10 =	vor.u32 $0xD, v3;
	v7 =	vsel vm10, $0xFFFFFFFF, v7  }
0x39: {  	v8 =	vsel vm10, v6, v8;
	vm10 =	vgt.f32 v6, v4;
	[tilespmem:$0x1FC90] =	vst v7;
	v7 =	vld.idx.msk [tilespmem:v9+s2+$0x0], $0xffff  }
0x3a: {  	v9 =	vor.u32 $0xE, v3;
	v8 =	vsel vm10, v4, v8  }
0x3b: {  	v4 =	vsel vm10, v6, v4;
	v6 =	vimm.s32 $0x0;
	vm11 =	vgt.f32 v5, v8  }
0x3c: {  	v6 =	vsel vm11, $0xFFFFFFFF, v6;
	v8 =	vsel vm11, v5, v8;
	vm11 =	vgt.f32 v5, v4  }
0x3d: {  	[tilespmem:$0x1FCA0] =	vst v6;
	v6 =	vld.idx.msk [tilespmem:v10+s2+$0x0], $0xffff;
	v8 =	vsel vm11, v4, v8  }
0x3e: {  	v4 =	vsel vm11, v5, v4;
	v5 =	vimm.s32 $0x0;
	vm12 =	vgt.f32 v7, v8  }
0x3f: {  	v10 =	vor.u32 $0xF, v3;
	v5 =	vsel vm12, $0xFFFFFFFF, v5  }
0x40: {  	v8 =	vsel vm12, v7, v8;
	vm12 =	vgt.f32 v7, v4;
	[tilespmem:$0x1FCB0] =	vst v5;
	v5 =	vld.idx.msk [tilespmem:v9+s2+$0x0], $0xffff  }
0x41: {  	v9 =	vor.u32 $0x10, v3;
	v8 =	vsel vm12, v4, v8  }
0x42: {  	v12 =	vld [tilespmem:$0x1FC10];
	v4 =	vsel vm12, v7, v4;
	v7 =	vimm.s32 $0x0;
	vm13 =	vgt.f32 v6, v8  }
0x43: {  	v7 =	vsel vm13, $0xFFFFFFFF, v7;
	v8 =	vsel vm13, v6, v8;
	vm13 =	vgt.f32 v6, v4  }
0x44: {  	[tilespmem:$0x1FCC0] =	vst v7;
	v7 =	vld.idx.msk [tilespmem:v10+s2+$0x0], $0xffff;
	v8 =	vsel vm13, v4, v8  }
0x45: {  	v4 =	vsel vm13, v6, v4;
	v6 =	vimm.s32 $0x0;
	vm0 =	vgt.f32 v5, v8  }
0x46: {  	vm1 =	vmand vm14, vm1;
	v6 =	vsel vm0, $0xFFFFFFFF, v6  }
0x47: {  	vm14 =	vnez.u8 v12;
	v8 =	vsel vm0, v5, v8;
	vm0 =	vgt.f32 v5, v4;
	[tilespmem:$0x1FCD0] =	vst v6;
	v6 =	vld.idx.msk [tilespmem:v9+s2+$0x0], $0xffff  }
0x48: {  	v12 =	vsel vm14, $0x1, v1;
	v10 =	vor.u32 $0x11, v3;
	v8 =	vsel vm0, v4, v8  }
0x49: {  	v9 =	vsel vm1, $0x1, v1;
	v4 =	vsel vm0, v5, v4;
	vm14 =	vgt.f32 v7, v8  }
0x4a: {  	v5 =	vsel vm15, $0x2, v9;
	vm1 =	vgt.f32 v7, v4;
	v8 =	vsel vm14, v7, v8  }
0x4b: {  	v5 =	vsel vm2, v12, v5;
	v12 =	vsel vm2, $0x2, v12;
	v8 =	vsel vm1, v4, v8  }
0x4c: {  	v4 =	vsel vm1, v7, v4;
	v7 =	vimm.s32 $0x0;
	vm2 =	vgt.f32 v6, v8  }
0x4d: {  	v7 =	vsel vm2, $0xFFFFFFFF, v7  }
0x4e: {  	[tilespmem:$0x1FCE0] =	vst v7;
	v7 =	vld [tilespmem:$0x1FC20];
	_ =	sdelay $0x1  }
0x4f: {  	v9 =	vld.idx.msk [tilespmem:v10+s2+$0x0], $0xffff;
	_ =	sdelay $0x1  }
0x50: {  	v11 =	vor.u32 $0x12, v3;
	v8 =	vsel vm2, v6, v8;
	vm2 =	vgt.f32 v6, v4  }
0x51: {  	vm15 =	vmmov vm14;
	v8 =	vsel vm2, v4, v8;
	vm14 =	vnez.u8 v7  }
0x52: {  	v4 =	vsel vm2, v6, v4;
	v6 =	vimm.s32 $0x0;
	v5 =	vsel vm14, $0x3, v5  }
0x53: {  	v5 =	vsel vm3, v12, v5;
	v12 =	vsel vm3, $0x3, v12;
	vm3 =	vgt.f32 v9, v8  }
0x54: {  	v6 =	vsel vm3, $0xFFFFFFFF, v6  }
0x55: {  	[tilespmem:$0x1FCF0] =	vst v6;
	v6 =	vld [tilespmem:$0x1FC30];
	_ =	sdelay $0x1  }
0x56: {  	v7 =	vld.idx.msk [tilespmem:v11+s2+$0x0], $0xffff;
	_ =	sdelay $0x1  }
0x57: {  	v8 =	vsel vm3, v9, v8;
	vm3 =	vgt.f32 v9, v4  }
0x58: {  	v10 =	vor.u32 $0x13, v3;
	v8 =	vsel vm3, v4, v8;
	vm14 =	vnez.u8 v6  }
0x59: {  	v4 =	vsel vm3, v9, v4;
	v9 =	vimm.s32 $0x0;
	v5 =	vsel vm14, $0x4, v5  }
0x5a: {  	v5 =	vsel vm4, v12, v5;
	v12 =	vsel vm4, $0x4, v12;
	vm4 =	vgt.f32 v7, v8  }
0x5b: {  	v9 =	vsel vm4, $0xFFFFFFFF, v9  }
0x5c: {  	[tilespmem:$0x1FD00] =	vst v9;
	v9 =	vld [tilespmem:$0x1FC40];
	_ =	sdelay $0x1  }
0x5d: {  	v13 =	vld [tilespmem:$0x1FC50];
	v11 =	vor.u32 $0x14, v3  }
0x5e: {  	v6 =	vld.idx.msk [tilespmem:v10+s2+$0x0], $0xffff;
	_ =	sdelay $0x1  }
0x5f: {  	v8 =	vsel vm4, v7, v8;
	vm4 =	vgt.f32 v7, v4;
	vm14 =	vnez.u8 v9  }
0x60: {  	v8 =	vsel vm4, v4, v8;
	v5 =	vsel vm14, $0x5, v5  }
0x61: {  	v4 =	vsel vm4, v7, v4;
	v9 =	vld.idx.msk [tilespmem:v11+s2+$0x0], $0xffff;
	vm14 =	vnez.u8 v13;
	v5 =	vsel vm5, v12, v5  }
0x62: {  	v7 =	vimm.s32 $0x0;
	v5 =	vsel vm14, $0x6, v5;
	vm14 =	vgt.f32 v6, v8  }
0x63: {  	v10 =	vor.u32 $0x15, v3;
	v7 =	vsel vm14, $0xFFFFFFFF, v7  }
0x64: {  	v8 =	vsel vm14, v6, v8;
	[tilespmem:$0x1FD10] =	vst v7;
	v7 =	vsel vm5, $0x5, v12;
	vm5 =	vgt.f32 v6, v4  }
0x65: {  	v5 =	vsel vm6, v7, v5;
	v8 =	vsel vm5, v4, v8;
	v7 =	vsel vm6, $0x6, v7  }
0x66: {  	v4 =	vsel vm5, v6, v4;
	v6 =	vimm.s32 $0x0;
	vm6 =	vgt.f32 v9, v8  }
0x67: {  	v6 =	vsel vm6, $0xFFFFFFFF, v6  }
0x68: {  	[tilespmem:$0x1FD20] =	vst v6;
	v6 =	vld [tilespmem:$0x1FC60];
	_ =	sdelay $0x1  }
0x69: {  	v10 =	vld.idx.msk [tilespmem:v10+s2+$0x0], $0xffff;
	_ =	sdelay $0x1  }
0x6a: {  	v8 =	vsel vm6, v9, v8;
	vm6 =	vgt.f32 v9, v4  }
0x6b: {  	v11 =	vor.u32 $0x16, v3;
	v8 =	vsel vm6, v4, v8;
	vm14 =	vnez.u8 v6  }
0x6c: {  	v4 =	vsel vm6, v9, v4;
	v9 =	vimm.s32 $0x0;
	v5 =	vsel vm14, $0x7, v5  }
0x6d: {  	v5 =	vsel vm7, v7, v5;
	v7 =	vsel vm7, $0x7, v7;
	vm7 =	vgt.f32 v10, v8  }
0x6e: {  	v9 =	vsel vm7, $0xFFFFFFFF, v9  }
0x6f: {  	[tilespmem:$0x1FD30] =	vst v9;
	v9 =	vld [tilespmem:$0x1FC70];
	_ =	sdelay $0x1  }
0x70: {  	v6 =	vld.idx.msk [tilespmem:v11+s2+$0x0], $0xffff;
	_ =	sdelay $0x1  }
0x71: {  	v8 =	vsel vm7, v10, v8;
	vm7 =	vgt.f32 v10, v4  }
0x72: {  	v12 =	vor.u32 $0x17, v3;
	v8 =	vsel vm7, v4, v8;
	vm14 =	vnez.u8 v9  }
0x73: {  	v4 =	vsel vm7, v10, v4;
	v10 =	vimm.s32 $0x0;
	v5 =	vsel vm14, $0x8, v5  }
0x74: {  	v5 =	vsel vm8, v7, v5;
	v7 =	vsel vm8, $0x8, v7;
	vm8 =	vgt.f32 v6, v8  }
0x75: {  	v10 =	vsel vm8, $0xFFFFFFFF, v10  }
0x76: {  	[tilespmem:$0x1FD40] =	vst v10;
	v10 =	vld [tilespmem:$0x1FC80];
	_ =	sdelay $0x1  }
0x77: {  	v9 =	vld.idx.msk [tilespmem:v12+s2+$0x0], $0xffff;
	_ =	sdelay $0x1  }
0x78: {  	v8 =	vsel vm8, v6, v8;
	vm8 =	vgt.f32 v6, v4  }
0x79: {  	v11 =	vor.u32 $0x18, v3;
	v8 =	vsel vm8, v4, v8;
	vm14 =	vnez.u8 v10  }
0x7a: {  	v4 =	vsel vm8, v6, v4;
	v6 =	vimm.s32 $0x0;
	v5 =	vsel vm14, $0x9, v5  }
0x7b: {  	v5 =	vsel vm9, v7, v5;
	v7 =	vsel vm9, $0x9, v7;
	vm9 =	vgt.f32 v9, v8  }
0x7c: {  	v6 =	vsel vm9, $0xFFFFFFFF, v6  }
0x7d: {  	[tilespmem:$0x1FD50] =	vst v6;
	v6 =	vld [tilespmem:$0x1FC90];
	_ =	sdelay $0x1  }
0x7e: {  	v10 =	vld.idx.msk [tilespmem:v11+s2+$0x0], $0xffff;
	_ =	sdelay $0x1  }
0x7f: {  	v12 =	vor.u32 $0x19, v3  }
0x80: {  	v8 =	vsel vm9, v9, v8;
	vm9 =	vgt.f32 v9, v4;
	vm14 =	vnez.u8 v6  }
0x81: {  	v13 =	vsel vm10, $0xA, v7;
	v8 =	vsel vm9, v4, v8;
	v5 =	vsel vm14, $0xA, v5  }
0x82: {  	v5 =	vsel vm10, v7, v5;
	vm10 =	vgt.f32 v10, v8;
	v7 =	vimm.s32 $0x0  }
0x83: {  	v7 =	vsel vm10, $0xFFFFFFFF, v7  }
0x84: {  	[tilespmem:$0x1FD60] =	vst v7;
	v7 =	vld [tilespmem:$0x1FCA0];
	_ =	sdelay $0x1  }
0x85: {  	v11 =	vor.u32 $0x1A, v3;
	v6 =	vld.idx.msk [tilespmem:v12+s2+$0x0], $0xffff  }
0x86: {  	v4 =	vsel vm9, v9, v4  }
0x87: {  	v8 =	vsel vm10, v10, v8;
	vm10 =	vgt.f32 v10, v4  }
0x88: {  	v8 =	vsel vm10, v4, v8;
	vm14 =	vnez.u8 v7  }
0x89: {  	v4 =	vsel vm10, v10, v4;
	v10 =	vimm.s32 $0x0;
	v5 =	vsel vm14, $0xB, v5  }
0x8a: {  	v7 =	vld.idx.msk [tilespmem:v11+s2+$0x0], $0xffff;
	v11 =	vsel vm11, $0xB, v13;
	v5 =	vsel vm11, v13, v5;
	vm11 =	vgt.f32 v6, v8  }
0x8b: {  	v10 =	vsel vm11, $0xFFFFFFFF, v10  }
0x8c: {  	[tilespmem:$0x1FD70] =	vst v10;
	v10 =	vld [tilespmem:$0x1FCB0];
	_ =	sdelay $0x3  }
0x8d: {  	v8 =	vsel vm11, v6, v8;
	vm11 =	vgt.f32 v6, v4  }
0x8e: {  	v12 =	vor.u32 $0x1B, v3;
	v8 =	vsel vm11, v4, v8;
	vm14 =	vnez.u8 v10  }
0x8f: {  	v4 =	vsel vm11, v6, v4;
	v6 =	vimm.s32 $0x0;
	v5 =	vsel vm14, $0xC, v5  }
0x90: {  	v5 =	vsel vm12, v11, v5;
	v11 =	vsel vm12, $0xC, v11;
	vm12 =	vgt.f32 v7, v8  }
0x91: {  	v6 =	vsel vm12, $0xFFFFFFFF, v6  }
0x92: {  	[tilespmem:$0x1FD80] =	vst v6;
	v6 =	vld [tilespmem:$0x1FCC0];
	_ =	sdelay $0x1  }
0x93: {  	v10 =	vld.idx.msk [tilespmem:v12+s2+$0x0], $0xffff;
	_ =	sdelay $0x1  }
0x94: {  	v8 =	vsel vm12, v7, v8;
	vm12 =	vgt.f32 v7, v4  }
0x95: {  	v9 =	vor.u32 $0x1C, v3;
	v8 =	vsel vm12, v4, v8;
	vm14 =	vnez.u8 v6  }
0x96: {  	v4 =	vsel vm12, v7, v4;
	v7 =	vimm.s32 $0x0;
	v5 =	vsel vm14, $0xD, v5  }
0x97: {  	v5 =	vsel vm13, v11, v5;
	v11 =	vsel vm13, $0xD, v11;
	vm13 =	vgt.f32 v10, v8  }
0x98: {  	v7 =	vsel vm13, $0xFFFFFFFF, v7  }
0x99: {  	[tilespmem:$0x1FD90] =	vst v7;
	v7 =	vld [tilespmem:$0x1FCD0];
	_ =	sdelay $0x1  }
0x9a: {  	v12 =	vor.u32 $0x1D, v3;
	v6 =	vld.idx.msk [tilespmem:v9+s2+$0x0], $0xffff;
	_ =	sdelay $0x2  }
0x9b: {  	v8 =	vsel vm13, v10, v8;
	vm13 =	vgt.f32 v10, v4;
	vm14 =	vnez.u8 v7  }
0x9c: {  	v9 =	vor.u32 $0x1E, v3;
	v8 =	vsel vm13, v4, v8;
	v5 =	vsel vm14, $0xE, v5  }
0x9d: {  	v4 =	vsel vm13, v10, v4;
	v7 =	vld.idx.msk [tilespmem:v12+s2+$0x0], $0xffff;
	vm14 =	vgt.f32 v6, v8;
	v5 =	vsel vm0, v11, v5  }
0x9e: {  	v11 =	vsel vm0, $0xE, v11;
	v8 =	vsel vm14, v6, v8;
	vm0 =	vgt.f32 v6, v4  }
0x9f: {  	v8 =	vsel vm0, v4, v8;
	v4 =	vsel vm0, v6, v4;
	v6 =	vld [tilespmem:$0x1FCE0];
	_ =	sdelay $0x1  }
0xa0: {  	v10 =	vimm.s32 $0x0;
	v9 =	vld.idx.msk [tilespmem:v9+s2+$0x0], $0xffff;
	v5 =	vsel vm15, $0xF, v5  }
0xa1: {  	v12 =	vor.u32 $0x1F, v3;
	v5 =	vsel vm1, v11, v5;
	vm15 =	vgt.f32 v7, v8  }
0xa2: {  	v11 =	vsel vm1, $0xF, v11;
	vm1 =	vgt.f32 v7, v4;
	v8 =	vsel vm15, v7, v8  }
0xa3: {  	v10 =	vsel vm14, $0xFFFFFFFF, v10;
	v8 =	vsel vm1, v4, v8;
	vm14 =	vnez.u8 v6  }
0xa4: {  	v4 =	vsel vm1, v7, v4;
	v7 =	vimm.s32 $0x0;
	v5 =	vsel vm14, $0x10, v5  }
0xa5: {  	v5 =	vsel vm2, v11, v5;
	v11 =	vsel vm2, $0x10, v11;
	vm2 =	vgt.f32 v9, v8  }
0xa6: {  	v7 =	vsel vm2, $0xFFFFFFFF, v7  }
0xa7: {  	[tilespmem:$0x1FDB0] =	vst v7;
	v7 =	vld [tilespmem:$0x1FCF0];
	_ =	sdelay $0x1  }
0xa8: {  	v6 =	vld.idx.msk [tilespmem:v12+s2+$0x0], $0xffff;
	_ =	sdelay $0x1  }
0xa9: {  	v8 =	vsel vm2, v9, v8;
	vm2 =	vgt.f32 v9, v4  }
0xaa: {  	[tilespmem:$0x1FDA0] =	vst v10;
	v10 =	vor.u32 $0x20, v3;
	v8 =	vsel vm2, v4, v8;
	vm14 =	vnez.u8 v7  }
0xab: {  	v4 =	vsel vm2, v9, v4;
	v9 =	vimm.s32 $0x0;
	v5 =	vsel vm14, $0x11, v5  }
0xac: {  	v5 =	vsel vm3, v11, v5;
	v11 =	vsel vm3, $0x11, v11;
	vm3 =	vgt.f32 v6, v8  }
0xad: {  	v9 =	vsel vm3, $0xFFFFFFFF, v9  }
0xae: {  	[tilespmem:$0x1FDC0] =	vst v9;
	v9 =	vld [tilespmem:$0x1FD00];
	_ =	sdelay $0x1  }
0xaf: {  	v7 =	vld.idx.msk [tilespmem:v10+s2+$0x0], $0xffff;
	_ =	sdelay $0x1  }
0xb0: {  	v8 =	vsel vm3, v6, v8;
	vm3 =	vgt.f32 v6, v4  }
0xb1: {  	v12 =	vor.u32 $0x21, v3;
	v8 =	vsel vm3, v4, v8;
	vm14 =	vnez.u8 v9  }
0xb2: {  	v4 =	vsel vm3, v6, v4;
	v6 =	vimm.s32 $0x0;
	v5 =	vsel vm14, $0x12, v5  }
0xb3: {  	v5 =	vsel vm4, v11, v5;
	v11 =	vsel vm4, $0x12, v11;
	vm4 =	vgt.f32 v7, v8  }
0xb4: {  	v6 =	vsel vm4, $0xFFFFFFFF, v6  }
0xb5: {  	[tilespmem:$0x1FDD0] =	vst v6;
	v6 =	vld [tilespmem:$0x1FD10];
	_ =	sdelay $0x1  }
0xb6: {  	v9 =	vld.idx.msk [tilespmem:v12+s2+$0x0], $0xffff;
	_ =	sdelay $0x1  }
0xb7: {  	v8 =	vsel vm4, v7, v8;
	vm4 =	vgt.f32 v7, v4  }
0xb8: {  	v10 =	vor.u32 $0x22, v3;
	v8 =	vsel vm4, v4, v8;
	vm14 =	vnez.u8 v6  }
0xb9: {  	v4 =	vsel vm4, v7, v4;
	v7 =	vimm.s32 $0x0;
	v5 =	vsel vm14, $0x13, v5  }
0xba: {  	v5 =	vsel vm5, v11, v5;
	v11 =	vsel vm5, $0x13, v11;
	vm5 =	vgt.f32 v9, v8  }
0xbb: {  	v7 =	vsel vm5, $0xFFFFFFFF, v7  }
0xbc: {  	[tilespmem:$0x1FDE0] =	vst v7;
	v7 =	vld [tilespmem:$0x1FD20];
	_ =	sdelay $0x1  }
0xbd: {  	v6 =	vld.idx.msk [tilespmem:v10+s2+$0x0], $0xffff;
	_ =	sdelay $0x1  }
0xbe: {  	v12 =	vor.u32 $0x23, v3;
	v8 =	vsel vm5, v9, v8  }
0xbf: {  	vm5 =	vgt.f32 v9, v4;
	v13 =	vsel vm6, $0x14, v11;
	vm14 =	vnez.u8 v7  }
0xc0: {  	v8 =	vsel vm5, v4, v8;
	v4 =	vsel vm5, v9, v4;
	v5 =	vsel vm14, $0x14, v5  }
0xc1: {  	v9 =	vimm.s32 $0x0;
	v5 =	vsel vm6, v11, v5;
	vm6 =	vgt.f32 v6, v8  }
0xc2: {  	v9 =	vsel vm6, $0xFFFFFFFF, v9  }
0xc3: {  	[tilespmem:$0x1FDF0] =	vst v9;
	v9 =	vld [tilespmem:$0x1FD30];
	_ =	sdelay $0x1  }
0xc4: {  	v7 =	vld.idx.msk [tilespmem:v12+s2+$0x0], $0xffff;
	_ =	sdelay $0x1  }
0xc5: {  	v10 =	vor.u32 $0x24, v3;
	v11 =	vsel vm7, $0x15, v13  }
0xc6: {  	v8 =	vsel vm6, v6, v8;
	vm6 =	vgt.f32 v6, v4;
	vm14 =	vnez.u8 v9  }
0xc7: {  	v8 =	vsel vm6, v4, v8;
	v4 =	vsel vm6, v6, v4;
	v5 =	vsel vm14, $0x15, v5  }
0xc8: {  	v6 =	vimm.s32 $0x0;
	v5 =	vsel vm7, v13, v5;
	vm7 =	vgt.f32 v7, v8  }
0xc9: {  	v6 =	vsel vm7, $0xFFFFFFFF, v6  }
0xca: {  	[tilespmem:$0x1FE00] =	vst v6;
	v6 =	vld [tilespmem:$0x1FD40];
	_ =	sdelay $0x1  }
0xcb: {  	v9 =	vld.idx.msk [tilespmem:v10+s2+$0x0], $0xffff;
	_ =	sdelay $0x1  }
0xcc: {  	v8 =	vsel vm7, v7, v8;
	vm7 =	vgt.f32 v7, v4  }
0xcd: {  	v12 =	vor.u32 $0x25, v3;
	v8 =	vsel vm7, v4, v8;
	vm14 =	vnez.u8 v6  }
0xce: {  	v4 =	vsel vm7, v7, v4;
	v7 =	vimm.s32 $0x0;
	v5 =	vsel vm14, $0x16, v5  }
0xcf: {  	v5 =	vsel vm8, v11, v5;
	v11 =	vsel vm8, $0x16, v11;
	vm8 =	vgt.f32 v9, v8  }
0xd0: {  	v7 =	vsel vm8, $0xFFFFFFFF, v7  }
0xd1: {  	[tilespmem:$0x1FE10] =	vst v7;
	v7 =	vld [tilespmem:$0x1FD50];
	_ =	sdelay $0x1  }
0xd2: {  	v6 =	vld.idx.msk [tilespmem:v12+s2+$0x0], $0xffff;
	_ =	sdelay $0x1  }
0xd3: {  	v8 =	vsel vm8, v9, v8;
	vm8 =	vgt.f32 v9, v4  }
0xd4: {  	v10 =	vor.u32 $0x26, v3;
	v8 =	vsel vm8, v4, v8;
	vm14 =	vnez.u8 v7  }
0xd5: {  	v4 =	vsel vm8, v9, v4;
	v9 =	vimm.s32 $0x0;
	v5 =	vsel vm14, $0x17, v5  }
0xd6: {  	v5 =	vsel vm9, v11, v5;
	v11 =	vsel vm9, $0x17, v11;
	vm9 =	vgt.f32 v6, v8  }
0xd7: {  	v9 =	vsel vm9, $0xFFFFFFFF, v9  }
0xd8: {  	[tilespmem:$0x1FE20] =	vst v9;
	v9 =	vld [tilespmem:$0x1FD60];
	_ =	sdelay $0x1  }
0xd9: {  	v7 =	vld.idx.msk [tilespmem:v10+s2+$0x0], $0xffff;
	_ =	sdelay $0x1  }
0xda: {  	v8 =	vsel vm9, v6, v8;
	vm9 =	vgt.f32 v6, v4  }
0xdb: {  	v12 =	vor.u32 $0x27, v3;
	v8 =	vsel vm9, v4, v8;
	vm14 =	vnez.u8 v9  }
0xdc: {  	v4 =	vsel vm9, v6, v4;
	v6 =	vimm.s32 $0x0;
	v5 =	vsel vm14, $0x18, v5  }
0xdd: {  	v5 =	vsel vm10, v11, v5;
	v11 =	vsel vm10, $0x18, v11;
	vm10 =	vgt.f32 v7, v8  }
0xde: {  	v6 =	vsel vm10, $0xFFFFFFFF, v6  }
0xdf: {  	[tilespmem:$0x1FE30] =	vst v6;
	v6 =	vld [tilespmem:$0x1FD70];
	_ =	sdelay $0x1  }
0xe0: {  	v9 =	vld.idx.msk [tilespmem:v12+s2+$0x0], $0xffff;
	_ =	sdelay $0x1  }
0xe1: {  	v8 =	vsel vm10, v7, v8;
	vm10 =	vgt.f32 v7, v4  }
0xe2: {  	v10 =	vor.u32 $0x28, v3;
	v8 =	vsel vm10, v4, v8;
	vm14 =	vnez.u8 v6  }
0xe3: {  	v4 =	vsel vm10, v7, v4;
	v7 =	vimm.s32 $0x0;
	v5 =	vsel vm14, $0x19, v5  }
0xe4: {  	v5 =	vsel vm11, v11, v5;
	v11 =	vsel vm11, $0x19, v11;
	vm11 =	vgt.f32 v9, v8  }
0xe5: {  	v7 =	vsel vm11, $0xFFFFFFFF, v7  }
0xe6: {  	[tilespmem:$0x1FE40] =	vst v7;
	v7 =	vld [tilespmem:$0x1FD80];
	_ =	sdelay $0x1  }
0xe7: {  	v6 =	vld.idx.msk [tilespmem:v10+s2+$0x0], $0xffff;
	_ =	sdelay $0x1  }
0xe8: {  	v8 =	vsel vm11, v9, v8;
	vm11 =	vgt.f32 v9, v4  }
0xe9: {  	v12 =	vor.u32 $0x29, v3;
	v8 =	vsel vm11, v4, v8;
	vm14 =	vnez.u8 v7  }
0xea: {  	v4 =	vsel vm11, v9, v4;
	v9 =	vimm.s32 $0x0;
	v5 =	vsel vm14, $0x1A, v5  }
0xeb: {  	v5 =	vsel vm12, v11, v5;
	v11 =	vsel vm12, $0x1A, v11;
	vm12 =	vgt.f32 v6, v8  }
0xec: {  	v9 =	vsel vm12, $0xFFFFFFFF, v9  }
0xed: {  	v10 =	vor.u32 $0x2A, v3;
	[tilespmem:$0x1FE50] =	vst v9;
	v9 =	vld [tilespmem:$0x1FD90]  }
0xee: {  	v7 =	vld.idx.msk [tilespmem:v12+s2+$0x0], $0xffff;
	_ =	sdelay $0x1  }
0xef: {  	v8 =	vsel vm12, v6, v8;
	vm12 =	vgt.f32 v6, v4  }
0xf0: {  	v8 =	vsel vm12, v4, v8  }
0xf1: {  	v4 =	vsel vm12, v6, v4;
	vm14 =	vnez.u8 v9;
	v9 =	vld.idx.msk [tilespmem:v10+s2+$0x0], $0xffff;
	v10 =	vimm.s32 $0x0  }
0xf2: {  	v6 =	vimm.s32 $0x0;
	v10 =	vsel vm12, $0xFFFFFFFF, v10;
	vm12 =	vgt.f32 v7, v8  }
0xf3: {  	v6 =	vsel vm12, $0xFFFFFFFF, v6  }
0xf4: {  	v12 =	vor.u32 $0x2B, v3;
	[tilespmem:$0x1FE70] =	vst v6;
	v6 =	vld [tilespmem:$0x1FDA0];
	_ =	sdelay $0x2  }
0xf5: {  	v13 =	vsel vm13, $0x1B, v11  }
0xf6: {  	v5 =	vsel vm14, $0x1B, v5;
	v8 =	vsel vm12, v7, v8;
	vm12 =	vgt.f32 v7, v4  }
0xf7: {  	v5 =	vsel vm13, v11, v5;
	v8 =	vsel vm12, v4, v8;
	vm13 =	vnez.u8 v6;
	v6 =	vld.idx.msk [tilespmem:v12+s2+$0x0], $0xffff  }
0xf8: {  	[tilespmem:$0x1FE60] =	vst v10;
	v10 =	vor.u32 $0x2C, v3;
	vm14 =	vgt.f32 v9, v8;
	v5 =	vsel vm13, $0x1C, v5  }
0xf9: {  	v4 =	vsel vm12, v7, v4;
	v8 =	vsel vm14, v9, v8;
	v5 =	vsel vm0, v13, v5  }
0xfa: {  	v12 =	vsel vm0, $0x1C, v13;
	vm0 =	vgt.f32 v9, v4;
	v5 =	vsel vm15, $0x1D, v5  }
0xfb: {  	v8 =	vsel vm0, v4, v8;
	v4 =	vsel vm0, v9, v4;
	v9 =	vimm.s32 $0x0  }
0xfc: {  	v5 =	vsel vm1, v12, v5;
	v12 =	vsel vm1, $0x1D, v12;
	vm1 =	vgt.f32 v6, v8  }
0xfd: {  	v9 =	vsel vm1, $0xFFFFFFFF, v9  }
0xfe: {  	v7 =	vimm.s32 $0x0;
	[tilespmem:$0x1FEA0] =	vst v9;
	v9 =	vld [tilespmem:$0x1FDB0]  }
0xff: {  	v7 =	vsel vm14, $0xFFFFFFFF, v7  }
0x100: {  	[tilespmem:$0x1FE90] =	vst v7;
	v7 =	vld.idx.msk [tilespmem:v10+s2+$0x0], $0xffff  }
0x101: {  	v11 =	vimm.s32 $0x0  }
0x102: {  	v11 =	vsel vm12, $0xFFFFFFFF, v11;
	v8 =	vsel vm1, v6, v8;
	vm1 =	vgt.f32 v6, v4  }
0x103: {  	[tilespmem:$0x1FE80] =	vst v11;
	v11 =	vor.u32 $0x2D, v3;
	v8 =	vsel vm1, v4, v8;
	vm12 =	vnez.u8 v9  }
0x104: {  	v4 =	vsel vm1, v6, v4;
	v6 =	vimm.s32 $0x0;
	v5 =	vsel vm12, $0x1E, v5  }
0x105: {  	v5 =	vsel vm2, v12, v5;
	v12 =	vsel vm2, $0x1E, v12;
	vm2 =	vgt.f32 v7, v8  }
0x106: {  	v6 =	vsel vm2, $0xFFFFFFFF, v6  }
0x107: {  	[tilespmem:$0x1FEB0] =	vst v6;
	v6 =	vld [tilespmem:$0x1FDC0];
	_ =	sdelay $0x1  }
0x108: {  	v9 =	vld.idx.msk [tilespmem:v11+s2+$0x0], $0xffff;
	_ =	sdelay $0x1  }
0x109: {  	v8 =	vsel vm2, v7, v8;
	vm2 =	vgt.f32 v7, v4  }
0x10a: {  	v10 =	vor.u32 $0x2E, v3;
	v8 =	vsel vm2, v4, v8;
	vm12 =	vnez.u8 v6  }
0x10b: {  	v4 =	vsel vm2, v7, v4;
	v7 =	vimm.s32 $0x0;
	v5 =	vsel vm12, $0x1F, v5  }
0x10c: {  	v5 =	vsel vm3, v12, v5;
	v12 =	vsel vm3, $0x1F, v12;
	vm3 =	vgt.f32 v9, v8  }
0x10d: {  	v7 =	vsel vm3, $0xFFFFFFFF, v7  }
0x10e: {  	[tilespmem:$0x1FEC0] =	vst v7;
	v7 =	vld [tilespmem:$0x1FDD0];
	_ =	sdelay $0x1  }
0x10f: {  	v6 =	vld.idx.msk [tilespmem:v10+s2+$0x0], $0xffff;
	_ =	sdelay $0x1  }
0x110: {  	v8 =	vsel vm3, v9, v8;
	vm3 =	vgt.f32 v9, v4  }
0x111: {  	v11 =	vor.u32 $0x2F, v3;
	v8 =	vsel vm3, v4, v8;
	vm12 =	vnez.u8 v7  }
0x112: {  	v4 =	vsel vm3, v9, v4;
	v9 =	vimm.s32 $0x0;
	v5 =	vsel vm12, $0x20, v5  }
0x113: {  	v5 =	vsel vm4, v12, v5;
	v12 =	vsel vm4, $0x20, v12;
	vm4 =	vgt.f32 v6, v8  }
0x114: {  	v9 =	vsel vm4, $0xFFFFFFFF, v9  }
0x115: {  	[tilespmem:$0x1FED0] =	vst v9;
	v9 =	vld [tilespmem:$0x1FDE0];
	_ =	sdelay $0x2  }
0x116: {  	v7 =	vld.idx.msk [tilespmem:v11+s2+$0x0], $0xffff;
	_ =	sdelay $0x1  }
0x117: {  	vm12 =	vnez.u8 v9  }
0x118: {  	v8 =	vsel vm4, v6, v8;
	v5 =	vsel vm12, $0x21, v5;
	vm12 =	vgt.f32 v6, v4  }
0x119: {  	v10 =	vor.u32 $0x30, v3;
	v8 =	vsel vm12, v4, v8  }
0x11a: {  	v4 =	vsel vm12, v6, v4;
	v6 =	vimm.s32 $0x0;
	vm13 =	vgt.f32 v7, v8  }
0x11b: {  	v6 =	vsel vm13, $0xFFFFFFFF, v6  }
0x11c: {  	[tilespmem:$0x1FEF0] =	vst v6;
	v6 =	vld [tilespmem:$0x1FDF0];
	_ =	sdelay $0x1  }
0x11d: {  	v11 =	vor.u32 $0x31, v3  }
0x11e: {  	v9 =	vld.idx.msk [tilespmem:v10+s2+$0x0], $0xffff;
	_ =	sdelay $0x1  }
0x11f: {  	v10 =	vimm.s32 $0x0;
	v5 =	vsel vm5, v12, v5;
	vm14 =	vnez.u8 v6  }
0x120: {  	v8 =	vsel vm13, v7, v8;
	v5 =	vsel vm14, $0x22, v5;
	vm14 =	vgt.f32 v7, v4  }
0x121: {  	v10 =	vsel vm12, $0xFFFFFFFF, v10;
	v6 =	vld.idx.msk [tilespmem:v11+s2+$0x0], $0xffff;
	v8 =	vsel vm14, v4, v8  }
0x122: {  	v4 =	vsel vm14, v7, v4;
	v7 =	vimm.s32 $0x0;
	vm15 =	vgt.f32 v9, v8  }
0x123: {  	[tilespmem:$0x1FEE0] =	vst v10;
	v7 =	vsel vm15, $0xFFFFFFFF, v7  }
0x124: {  	v10 =	vor.u32 $0x32, v3;
	v8 =	vsel vm15, v9, v8;
	vm15 =	vgt.f32 v9, v4;
	[tilespmem:$0x1FF00] =	vst v7;
	v7 =	vld [tilespmem:$0x1FE00]  }
0x125: {  	v8 =	vsel vm15, v4, v8  }
0x126: {  	v4 =	vsel vm15, v9, v4;
	v9 =	vimm.s32 $0x0;
	vm13 =	vgt.f32 v6, v8  }
0x127: {  	v9 =	vsel vm13, $0xFFFFFFFF, v9  }
0x128: {  	[tilespmem:$0x1FF10] =	vst v9;
	v9 =	vld [tilespmem:$0x1FE10]  }
0x129: {  	vm12 =	vnez.u8 v7;
	v7 =	vld.idx.msk [tilespmem:v10+s2+$0x0], $0xffff  }
0x12a: {  	v12 =	vsel vm5, $0x21, v12;
	v11 =	vor.u32 $0x33, v3  }
0x12b: {  	v5 =	vsel vm6, v12, v5;
	v8 =	vsel vm13, v6, v8;
	vm13 =	vgt.f32 v6, v4  }
0x12c: {  	v12 =	vsel vm6, $0x22, v12;
	v8 =	vsel vm13, v4, v8;
	v5 =	vsel vm12, $0x23, v5  }
0x12d: {  	v4 =	vsel vm13, v6, v4;
	v5 =	vsel vm7, v12, v5;
	vm12 =	vnez.u8 v9  }
0x12e: {  	v6 =	vimm.s32 $0x0;
	v5 =	vsel vm12, $0x24, v5;
	vm12 =	vgt.f32 v7, v8  }
0x12f: {  	v6 =	vsel vm12, $0xFFFFFFFF, v6  }
0x130: {  	v10 =	vor.u32 $0x34, v3;
	[tilespmem:$0x1FF30] =	vst v6;
	v6 =	vld [tilespmem:$0x1FE20]  }
0x131: {  	v9 =	vld.idx.msk [tilespmem:v11+s2+$0x0], $0xffff  }
0x132: {  	v12 =	vsel vm7, $0x23, v12;
	v11 =	vimm.s32 $0x0  }
0x133: {  	v13 =	vsel vm8, $0x24, v12;
	v11 =	vsel vm13, $0xFFFFFFFF, v11  }
0x134: {  	v5 =	vsel vm8, v12, v5;
	vm8 =	vgt.f32 v7, v4;
	v8 =	vsel vm12, v7, v8  }
0x135: {  	[tilespmem:$0x1FF20] =	vst v11;
	v11 =	vor.u32 $0x35, v3;
	v8 =	vsel vm8, v4, v8;
	vm13 =	vnez.u8 v6;
	v6 =	vld.idx.msk [tilespmem:v10+s2+$0x0], $0xffff  }
0x136: {  	v4 =	vsel vm8, v7, v4;
	v7 =	vimm.s32 $0x0;
	vm12 =	vgt.f32 v9, v8  }
0x137: {  	v7 =	vsel vm12, $0xFFFFFFFF, v7;
	v8 =	vsel vm12, v9, v8;
	v10 =	vimm.s32 $0x0  }
0x138: {  	v5 =	vsel vm13, $0x25, v5;
	v10 =	vsel vm8, $0xFFFFFFFF, v10;
	vm8 =	vgt.f32 v9, v4  }
0x139: {  	v12 =	vsel vm9, $0x25, v13;
	[tilespmem:$0x1FF50] =	vst v7;
	v7 =	vld [tilespmem:$0x1FE30];
	v5 =	vsel vm9, v13, v5;
	v8 =	vsel vm8, v4, v8  }
0x13a: {  	v4 =	vsel vm8, v9, v4;
	v9 =	vimm.s32 $0x0;
	vm9 =	vgt.f32 v6, v8  }
0x13b: {  	v9 =	vsel vm9, $0xFFFFFFFF, v9  }
0x13c: {  	[tilespmem:$0x1FF70] =	vst v9;
	v9 =	vld [tilespmem:$0x1FE40];
	_ =	sdelay $0x1  }
0x13d: {  	vm13 =	vnez.u8 v7;
	v7 =	vld.idx.msk [tilespmem:v11+s2+$0x0], $0xffff  }
0x13e: {  	[tilespmem:$0x1FF40] =	vst v10;
	v10 =	vor.u32 $0x36, v3;
	v5 =	vsel vm13, $0x26, v5  }
0x13f: {  	v5 =	vsel vm10, v12, v5;
	vm13 =	vgt.f32 v6, v4;
	v8 =	vsel vm9, v6, v8  }
0x140: {  	v12 =	vsel vm10, $0x26, v12;
	v8 =	vsel vm13, v4, v8;
	vm10 =	vnez.u8 v9  }
0x141: {  	v4 =	vsel vm13, v6, v4;
	v6 =	vimm.s32 $0x0;
	v5 =	vsel vm10, $0x27, v5  }
0x142: {  	v5 =	vsel vm11, v12, v5;
	v12 =	vsel vm11, $0x27, v12;
	vm11 =	vgt.f32 v7, v8  }
0x143: {  	v11 =	vimm.s32 $0x0;
	v6 =	vsel vm11, $0xFFFFFFFF, v6  }
0x144: {  	v11 =	vsel vm8, $0xFFFFFFFF, v11;
	[tilespmem:$0x1FF80] =	vst v6;
	v6 =	vld [tilespmem:$0x1FE50]  }
0x145: {  	[tilespmem:$0x1FF60] =	vst v11;
	v11 =	vor.u32 $0x37, v3  }
0x146: {  	v13 =	vld [tilespmem:$0x1FE60]  }
0x147: {  	v9 =	vld.idx.msk [tilespmem:v10+s2+$0x0], $0xffff;
	_ =	sdelay $0x1  }
0x148: {  	vm12 =	vnez.u8 v6  }
0x149: {  	v8 =	vsel vm11, v7, v8;
	v6 =	vld.idx.msk [tilespmem:v11+s2+$0x0], $0xffff;
	v5 =	vsel vm12, $0x28, v5;
	vm12 =	vgt.f32 v7, v4  }
0x14a: {  	vm8 =	vnez.u8 v13;
	v10 =	vor.u32 $0x38, v3;
	v8 =	vsel vm12, v4, v8  }
0x14b: {  	v4 =	vsel vm12, v7, v4;
	v7 =	vimm.s32 $0x0;
	vm9 =	vgt.f32 v9, v8  }
0x14c: {  	v7 =	vsel vm9, $0xFFFFFFFF, v7;
	v8 =	vsel vm9, v9, v8;
	vm9 =	vgt.f32 v9, v4  }
0x14d: {  	v5 =	vsel vm8, v12, v5;
	v12 =	vsel vm8, $0x28, v12;
	[tilespmem:$0x1FF90] =	vst v7;
	v7 =	vld [tilespmem:$0x1FE70];
	v8 =	vsel vm9, v4, v8  }
0x14e: {  	v4 =	vsel vm9, v9, v4;
	v9 =	vimm.s32 $0x0;
	vm8 =	vgt.f32 v6, v8  }
0x14f: {  	v13 =	vld [tilespmem:$0x1FE80];
	v9 =	vsel vm8, $0xFFFFFFFF, v9  }
0x150: {  	v11 =	vor.u32 $0x39, v3;
	[tilespmem:$0x1FFA0] =	vst v9;
	v9 =	vld [tilespmem:$0x1FE90];
	_ =	sdelay $0x1  }
0x151: {  	vm10 =	vnez.u8 v7;
	v7 =	vld.idx.msk [tilespmem:v10+s2+$0x0], $0xffff;
	_ =	sdelay $0x1  }
0x152: {  	vm11 =	vnez.u8 v13;
	v8 =	vsel vm8, v6, v8  }
0x153: {  	vm8 =	vgt.f32 v6, v4;
	v5 =	vsel vm10, $0x29, v5;
	vm10 =	vnez.u8 v9;
	v9 =	vld.idx.msk [tilespmem:v11+s2+$0x0], $0xffff  }
0x154: {  	v8 =	vsel vm8, v4, v8;
	v4 =	vsel vm8, v6, v4;
	v6 =	vimm.s32 $0x0  }
0x155: {  	v5 =	vsel vm11, v12, v5;
	v12 =	vsel vm11, $0x29, v12;
	vm11 =	vgt.f32 v7, v8  }
0x156: {  	vm7 =	vgt.f32 v7, v4;
	v6 =	vsel vm11, $0xFFFFFFFF, v6;
	v8 =	vsel vm11, v7, v8  }
0x157: {  	v10 =	vor.u32 $0x3A, v3;
	[tilespmem:$0x1FFB0] =	vst v6;
	v6 =	vld [tilespmem:$0x1FEA0];
	v8 =	vsel vm7, v4, v8  }
0x158: {  	v4 =	vsel vm7, v7, v4;
	v7 =	vimm.s32 $0x0;
	vm11 =	vgt.f32 v9, v8  }
0x159: {  	v7 =	vsel vm11, $0xFFFFFFFF, v7  }
0x15a: {  	v11 =	vor.u32 $0x3B, v3;
	[tilespmem:$0x1FFC0] =	vst v7;
	v7 =	vld [tilespmem:$0x1FEB0];
	_ =	sdelay $0x1  }
0x15b: {  	v5 =	vsel vm10, $0x2A, v5;
	vm10 =	vnez.u8 v6;
	v6 =	vld.idx.msk [tilespmem:v10+s2+$0x0], $0xffff;
	_ =	sdelay $0x2  }
0x15c: {  	vm6 =	vgt.f32 v9, v4;
	v8 =	vsel vm11, v9, v8;
	vm4 =	vnez.u8 v7;
	v7 =	vld.idx.msk [tilespmem:v11+s2+$0x0], $0xffff  }
0x15d: {  	v8 =	vsel vm6, v4, v8  }
0x15e: {  	v4 =	vsel vm6, v9, v4;
	v9 =	vimm.s32 $0x0;
	vm5 =	vgt.f32 v6, v8  }
0x15f: {  	v9 =	vsel vm5, $0xFFFFFFFF, v9;
	v8 =	vsel vm5, v6, v8;
	vm5 =	vgt.f32 v6, v4  }
0x160: {  	v10 =	vor.u32 $0x3C, v3;
	v8 =	vsel vm5, v4, v8  }
0x161: {  	[tilespmem:$0x1FFD0] =	vst v9;
	v9 =	vld [tilespmem:$0x1FEC0];
	v4 =	vsel vm5, v6, v4;
	v6 =	vimm.s32 $0x0;
	vm11 =	vgt.f32 v7, v8  }
0x162: {  	v5 =	vsel vm0, v12, v5;
	v6 =	vsel vm11, $0xFFFFFFFF, v6  }
0x163: {  	v13 =	vsel vm0, $0x2A, v12;
	v5 =	vsel vm10, $0x2B, v5;
	[tilespmem:$0x1FFE0] =	vst v6;
	v6 =	vld [tilespmem:$0x1FED0]  }
0x164: {  	v5 =	vsel vm1, v13, v5  }
0x165: {  	v12 =	vsel vm1, $0x2B, v13;
	v5 =	vsel vm4, $0x2C, v5  }
0x166: {  	v11 =	vor.u32 $0x3D, v3;
	v5 =	vsel vm2, v12, v5;
	vm10 =	vnez.u8 v9;
	v9 =	vld.idx.msk [tilespmem:v10+s2+$0x0], $0xffff  }
0x167: {  	v12 =	vsel vm2, $0x2C, v12;
	v5 =	vsel vm10, $0x2D, v5  }
0x168: {  	v5 =	vsel vm3, v12, v5;
	vm4 =	vnez.u8 v6  }
0x169: {  	v8 =	vsel vm11, v7, v8;
	v5 =	vsel vm4, $0x2E, v5;
	vm4 =	vgt.f32 v7, v4  }
0x16a: {  	v8 =	vsel vm4, v4, v8  }
0x16b: {  	v6 =	vld.idx.msk [tilespmem:v11+s2+$0x0], $0xffff;
	v4 =	vsel vm4, v7, v4;
	v7 =	vimm.s32 $0x0;
	vm11 =	vgt.f32 v9, v8  }
0x16c: {  	v11 =	vld [tilespmem:$0x1FEE0];
	v7 =	vsel vm11, $0xFFFFFFFF, v7  }
0x16d: {  	[tilespmem:$0x1FFF0] =	vst v7;
	v7 =	vld [tilespmem:$0x1FEF0];
	_ =	sdelay $0x1  }
0x16e: {  	v10 =	vor.u32 $0x3E, v3  }
0x16f: {  	v12 =	vsel vm3, $0x2D, v12  }
0x170: {  	vm3 =	vgt.f32 v9, v4;
	v8 =	vsel vm11, v9, v8;
	vm10 =	vnez.u8 v11  }
0x171: {  	v11 =	vsel vm10, $0x2E, v12;
	v5 =	vsel vm10, v12, v5;
	vm10 =	vnez.u8 v7  }
0x172: {  	v8 =	vsel vm3, v4, v8;
	v4 =	vsel vm3, v9, v4;
	v9 =	vld [tilespmem:$0x1FF00];
	v5 =	vsel vm10, $0x2F, v5  }
0x173: {  	v7 =	vld.idx.msk [tilespmem:v10+s2+$0x0], $0xffff;
	v10 =	vsel vm14, $0x2F, v11;
	v5 =	vsel vm14, v11, v5;
	vm14 =	vgt.f32 v6, v8  }
0x174: {  	vm2 =	vgt.f32 v6, v4;
	v8 =	vsel vm14, v6, v8  }
0x175: {  	v8 =	vsel vm2, v4, v8;
	v4 =	vsel vm2, v6, v4;
	v6 =	vld [tilespmem:$0x1FF10];
	_ =	sdelay $0x2  }
0x176: {  	v3 =	vor.u32 $0x3F, v3;
	vm11 =	vnez.u8 v9  }
0x177: {  	v9 =	vsel vm15, $0x30, v10;
	v5 =	vsel vm11, $0x30, v5  }
0x178: {  	v5 =	vsel vm15, v10, v5;
	vm11 =	vgt.f32 v7, v8;
	vm15 =	vnez.u8 v6  }
0x179: {  	v6 =	vsel vm11, v7, v8;
	v5 =	vsel vm15, $0x31, v5;
	vm15 =	vgt.f32 v7, v4  }
0x17a: {  	v6 =	vsel vm15, v4, v6;
	v4 =	vsel vm15, v7, v4;
	v7 =	vld [tilespmem:$0x1FF30]  }
0x17b: {  	v3 =	vld.idx.msk [tilespmem:v3+s2+$0x0], $0xffff  }
0x17c: {  	v8 =	vld [tilespmem:$0x1FF20];
	_ =	sdelay $0x2  }
0x17d: {  	vm0 =	vnez.u8 v7;
	v7 =	vld [tilespmem:$0x1FF40];
	_ =	sdelay $0x1  }
0x17e: {  	vm1 =	vgt.f32 v3, v4;
	vm10 =	vnez.u8 v8  }
0x17f: {  	v5 =	vsel vm10, v9, v5;
	v8 =	vsel vm10, $0x31, v9;
	vm10 =	vgt.f32 v3, v6  }
0x180: {  	v6 =	vsel vm10, v3, v6;
	v3 =	vsel vm1, v3, v4  }
0x181: {  	v5 =	vsel vm0, $0x32, v5;
	v6 =	vsel vm1, v4, v6;
	vm0 =	vnez.u8 v7;
	v7 =	vld [tilespmem:$0x1FF50]  }
0x182: {  	v3 =	vsub.f32 v6, v3;
	v6 =	vld [tilespmem:$0x1FF60];
	_ =	sdelay $0x3  }
0x183: {  	v5 =	vsel vm0, v8, v5;
	v4 =	vsel vm0, $0x32, v8;
	vm0 =	vnez.u8 v7  }
0x184: {  	v5 =	vsel vm0, $0x33, v5;
	vm0 =	vnez.u8 v6;
	v6 =	vld [tilespmem:$0x1FF70];
	_ =	sdelay $0x4  }
0x185: {  	v5 =	vsel vm0, v4, v5;
	v4 =	vsel vm0, $0x33, v4;
	vm0 =	vnez.u8 v6;
	v6 =	vld [tilespmem:$0x1FF80];
	_ =	sdelay $0x3  }
0x186: {  	v3 =	vmul.f32 $1.442695020e+00, v3;
	v5 =	vsel vm0, $0x34, v5  }
0x187: {  	v5 =	vsel vm13, v4, v5;
	v4 =	vsel vm13, $0x34, v4;
	vm13 =	vnez.u8 v6  }
0x188: {  	v5 =	vsel vm13, $0x35, v5  }
0x189: {  	(erf) = vpow2.f32 v3;
	v3 =	vsel vm12, v4, v5;
	v5 =	vld [tilespmem:$0x1FF90];
	_ =	sdelay $0x4  }
0x18a: {  	vm13 =	vnez.u8 v5;
	v5 =	vld [tilespmem:$0x1FFA0];
	_ =	sdelay $0x4  }
0x18b: {  	v4 =	vsel vm12, $0x35, v4;
	vm12 =	vnez.u8 v5;
	v5 =	vld [tilespmem:$0x1FFB0];
	_ =	sdelay $0x4  }
0x18c: {  	v3 =	vsel vm13, $0x36, v3;
	vm13 =	vnez.u8 v5;
	v5 =	vld [tilespmem:$0x1FFC0]  }
0x18d: {  	v6 =	vld [tilespmem:$0x1FFD0];
	_ =	sdelay $0x1  }
0x18e: {  	v3 =	vsel vm9, v4, v3  }
0x18f: {  	v4 =	vsel vm9, $0x36, v4;
	v3 =	vsel vm12, $0x37, v3  }
0x190: {  	v3 =	vsel vm8, v4, v3;
	v4 =	vsel vm8, $0x37, v4;
	vm8 =	vnez.u8 v5;
	v5 =	vpop (erf)  }
0x191: {  	v7 =	vld [tilespmem:$0x1FFE0];
	vm9 =	vnez.u8 v6;
	v3 =	vsel vm13, $0x38, v3;
	v6 =	vadd.f32 $1.000000000e+00, v5  }
0x192: {  	v3 =	vsel vm7, v4, v3  }
0x193: {  	v4 =	vsel vm7, $0x38, v4;
	v3 =	vsel vm8, $0x39, v3;
	(erf) = vrcp.f32 v6;
	v6 =	vld [tilespmem:$0x1FFF0]  }
0x194: {  	v3 =	vsel vm6, v4, v3  }
0x195: {  	v4 =	vsel vm6, $0x39, v4;
	v3 =	vsel vm9, $0x3A, v3  }
0x196: {  	vm12 =	vnez.u8 v7;
	v3 =	vsel vm5, v4, v3  }
0x197: {  	v4 =	vsel vm5, $0x3A, v4;
	v3 =	vsel vm12, $0x3B, v3  }
0x198: {  	v3 =	vsel vm4, v4, v3;
	vm13 =	vnez.u8 v6  }
0x199: {  	v4 =	vsel vm4, $0x3B, v4;
	v3 =	vsel vm13, $0x3C, v3  }
0x19a: {  	v3 =	vsel vm3, v4, v3  }
0x19b: {  	v4 =	vsel vm3, $0x3C, v4;
	v3 =	vsel vm14, $0x3D, v3  }
0x19c: {  	v3 =	vsel vm2, v4, v3  }
0x19d: {  	v13 =	vshll.u32 v2, $0x1;
	v4 =	vsel vm2, $0x3D, v4;
	v3 =	vsel vm11, $0x3E, v3  }
0x19e: {  	v14 =	vor.u32 $0x1, v13;
	v2 =	vsel vm15, v4, v3  }
0x19f: {  	s11 =	simm.s32 $0x10;
	v6 =	vsel vm15, $0x3E, v4;
	v2 =	vsel vm10, $0x3F, v2  }
0x1a0: {  	v7 =	vpop (erf);
	v4 =	vsel vm1, v6, v2;
	v2 =	vor.u32 s11, v0  }
0x1a1: {  	v5 =	vmul.f32 v7, v5;
	v15 =	vsel vm1, $0x3F, v6;
	v3 =	vshll.u32 v2, $0x6  }
0x1a2: {  	[tilespmem:v13+s8+$0x0] =	vst.idx.msk $0xffff, v7;
	v19 =	vor.u32 $0x1, v3;
	v11 =	vor.u32 $0x2, v3;
	v6 =	vor.u32 $0x3, v3  }
0x1a3: {  	[tilespmem:v14+s8+$0x0] =	vst.idx.msk $0xffff, v5;
	v12 =	vor.u32 $0x4, v3;
	v7 =	vor.u32 $0x5, v3;
	v8 =	vor.u32 $0x6, v3  }
0x1a4: {  	s11 =	simm.s32 $0x20;
	[tilespmem:v13+s9+$0x0] =	vst.idx.msk $0xffff, v15;
	v9 =	vor.u32 $0x7, v3;
	v5 =	vor.u32 $0x8, v3;
	v10 =	vor.u32 $0x9, v3  }
.LBB2_2:
0x1a5: {  	p0 =	sne.s32 s11, $0xF0;
	v13 =	vor.u32 $0xA, v3;
	v15 =	vor.u32 $0xB, v3;
	v26 =	vor.u32 $0xC, v3;
	[tilespmem:v14+s9+$0x0] =	vst.idx.msk $0xffff, v4;
	s12 =	smov.u32 s11;
	s11 =	sadd.s32 $0x10, s11  }
0x1a6: {  	v16 =	vor.u32 $0xD, v3;
	v17 =	vor.u32 $0xE, v3;
	v18 =	vor.u32 $0xF, v3;
	v4 =	vld.idx.msk [tilespmem:v3+s2+$0x0], $0xffff  }
0x1a7: {  	v20 =	vor.u32 $0x11, v3;
	v22 =	vor.u32 $0x12, v3;
	v35 =	vld.idx.msk [tilespmem:v19+s2+$0x0], $0xffff;
	v19 =	vor.u32 $0x10, v3  }
0x1a8: {  	v23 =	vor.u32 $0x13, v3;
	v25 =	vor.u32 $0x14, v3;
	v21 =	vor.u32 $0x15, v3  }
0x1a9: {  	v14 =	vor.u32 $0x16, v3;
	v32 =	vor.u32 $0x17, v3;
	v27 =	vor.u32 $0x18, v3  }
0x1aa: {  	v29 =	vor.u32 $0x19, v3;
	v30 =	vor.u32 $0x1A, v3;
	v31 =	vor.u32 $0x1B, v3  }
0x1ab: {  	v28 =	vor.u32 $0x1C, v3;
	v34 =	vor.u32 $0x1D, v3;
	v33 =	vor.u32 $0x1E, v3;
	v36 =	vld.idx.msk [tilespmem:v11+s2+$0x0], $0xffff  }
0x1ac: {  	v24 =	vor.u32 $0x1F, v3;
	vm0 =	vgt.f32 v4, $-Inf;
	v11 =	vor.u32 $0x20, v3  }
0x1ad: {  	v37 =	vnsel vm0, $0xFF800000, v4;
	vm0 =	vlt.f32 v35, $-Inf;
	vm1 =	vgt.f32 v35, $-Inf  }
0x1ae: {  	vm2 =	vgt.f32 v35, v37;
	vm0 =	vmor vm1, vm0;
	v38 =	vld.idx.msk [tilespmem:v6+s2+$0x0], $0xffff;
	v6 =	vor.u32 $0x21, v3  }
0x1af: {  	v4 =	vor.u32 $0x22, v3;
	vm1 =	vmneg vm2;
	v39 =	vnsel vm0, $0xFF800000, v35  }
0x1b0: {  	vm0 =	vmand vm0, vm1;
	v39 =	vsel vm1, v39, v37;
	v35 =	vsel vm1, v37, v35  }
0x1b1: {  	v40 =	vsel vm2, $0x1, v1;
	v37 =	vsel vm0, $0x1, v1;
	vm0 =	vgt.f32 v36, v39;
	v12 =	vld.idx.msk [tilespmem:v12+s2+$0x0], $0xffff  }
0x1b2: {  	vm1 =	vgt.f32 v36, v35;
	v37 =	vsel vm0, $0x2, v37;
	v39 =	vsel vm0, v36, v39  }
0x1b3: {  	v37 =	vsel vm1, v40, v37;
	v39 =	vsel vm1, v35, v39;
	v35 =	vsel vm1, v36, v35  }
0x1b4: {  	v36 =	vsel vm1, $0x2, v40;
	vm0 =	vgt.f32 v38, v39;
	v40 =	vld.idx.msk [tilespmem:v7+s2+$0x0], $0xffff;
	v7 =	vor.u32 $0x23, v3  }
0x1b5: {  	vm1 =	vgt.f32 v38, v35;
	v37 =	vsel vm0, $0x3, v37;
	v39 =	vsel vm0, v38, v39  }
0x1b6: {  	v37 =	vsel vm1, v36, v37;
	v39 =	vsel vm1, v35, v39;
	v35 =	vsel vm1, v38, v35  }
0x1b7: {  	v36 =	vsel vm1, $0x3, v36;
	vm0 =	vgt.f32 v12, v39;
	v38 =	vld.idx.msk [tilespmem:v8+s2+$0x0], $0xffff;
	v8 =	vor.u32 $0x24, v3  }
0x1b8: {  	vm1 =	vgt.f32 v12, v35;
	v37 =	vsel vm0, $0x4, v37;
	v39 =	vsel vm0, v12, v39  }
0x1b9: {  	v12 =	vsel vm1, v12, v35;
	v37 =	vsel vm1, v36, v37;
	v39 =	vsel vm1, v35, v39  }
0x1ba: {  	v35 =	vsel vm1, $0x4, v36;
	vm0 =	vgt.f32 v40, v39;
	v36 =	vld.idx.msk [tilespmem:v9+s2+$0x0], $0xffff;
	v9 =	vor.u32 $0x25, v3  }
0x1bb: {  	vm1 =	vgt.f32 v40, v12;
	v37 =	vsel vm0, $0x5, v37;
	v39 =	vsel vm0, v40, v39  }
0x1bc: {  	v40 =	vsel vm1, v40, v12;
	v37 =	vsel vm1, v35, v37;
	v39 =	vsel vm1, v12, v39  }
0x1bd: {  	v12 =	vor.u32 $0x26, v3;
	vm0 =	vgt.f32 v38, v39;
	v41 =	vld.idx.msk [tilespmem:v5+s2+$0x0], $0xffff;
	v5 =	vor.u32 $0x27, v3  }
0x1be: {  	vm2 =	vgt.f32 v38, v40;
	v37 =	vsel vm0, $0x6, v37;
	v39 =	vsel vm0, v38, v39  }
0x1bf: {  	v35 =	vsel vm1, $0x5, v35;
	v38 =	vsel vm2, v38, v40;
	v39 =	vsel vm2, v40, v39  }
0x1c0: {  	v37 =	vsel vm2, v35, v37;
	v35 =	vsel vm2, $0x6, v35;
	vm0 =	vgt.f32 v36, v39;
	v40 =	vld.idx.msk [tilespmem:v10+s2+$0x0], $0xffff  }
0x1c1: {  	vm1 =	vgt.f32 v36, v38;
	v10 =	vsel vm0, $0x7, v37;
	v37 =	vsel vm0, v36, v39  }
0x1c2: {  	v10 =	vsel vm1, v35, v10;
	v37 =	vsel vm1, v38, v37;
	v35 =	vsel vm1, $0x7, v35  }
0x1c3: {  	v36 =	vsel vm1, v36, v38;
	vm0 =	vgt.f32 v41, v37;
	v38 =	vld.idx.msk [tilespmem:v13+s2+$0x0], $0xffff;
	v13 =	vor.u32 $0x28, v3  }
0x1c4: {  	vm1 =	vgt.f32 v41, v36;
	v10 =	vsel vm0, $0x8, v10;
	v37 =	vsel vm0, v41, v37  }
0x1c5: {  	v10 =	vsel vm1, v35, v10;
	v37 =	vsel vm1, v36, v37;
	v35 =	vsel vm1, $0x8, v35  }
0x1c6: {  	v36 =	vsel vm1, v41, v36;
	vm0 =	vgt.f32 v40, v37;
	v39 =	vld.idx.msk [tilespmem:v15+s2+$0x0], $0xffff;
	v15 =	vor.u32 $0x29, v3  }
0x1c7: {  	vm1 =	vgt.f32 v40, v36;
	v10 =	vsel vm0, $0x9, v10;
	v37 =	vsel vm0, v40, v37  }
0x1c8: {  	v41 =	vsel vm1, v35, v10;
	v37 =	vsel vm1, v36, v37;
	v10 =	vor.u32 $0x2A, v3  }
0x1c9: {  	v35 =	vsel vm1, $0x9, v35;
	v36 =	vsel vm1, v40, v36;
	vm0 =	vgt.f32 v38, v37;
	v26 =	vld.idx.msk [tilespmem:v26+s2+$0x0], $0xffff  }
0x1ca: {  	vm1 =	vgt.f32 v38, v36;
	v40 =	vsel vm0, $0xA, v41;
	v37 =	vsel vm0, v38, v37  }
0x1cb: {  	v41 =	vsel vm1, $0xA, v35;
	v37 =	vsel vm1, v36, v37;
	v36 =	vsel vm1, v38, v36  }
0x1cc: {  	v35 =	vsel vm1, v35, v40;
	vm0 =	vgt.f32 v39, v37;
	v38 =	vld.idx.msk [tilespmem:v16+s2+$0x0], $0xffff;
	v16 =	vor.u32 $0x2B, v3  }
0x1cd: {  	vm1 =	vgt.f32 v39, v36;
	v35 =	vsel vm0, $0xB, v35;
	v37 =	vsel vm0, v39, v37  }
0x1ce: {  	v40 =	vsel vm1, $0xB, v41;
	v35 =	vsel vm1, v41, v35;
	v37 =	vsel vm1, v36, v37  }
0x1cf: {  	v36 =	vsel vm1, v39, v36;
	vm0 =	vgt.f32 v26, v37;
	v39 =	vld.idx.msk [tilespmem:v17+s2+$0x0], $0xffff;
	v17 =	vor.u32 $0x2C, v3  }
0x1d0: {  	vm1 =	vgt.f32 v26, v36;
	v35 =	vsel vm0, $0xC, v35;
	v37 =	vsel vm0, v26, v37  }
0x1d1: {  	v35 =	vsel vm1, v40, v35;
	v37 =	vsel vm1, v36, v37;
	v40 =	vsel vm1, $0xC, v40  }
0x1d2: {  	v26 =	vsel vm1, v26, v36;
	vm0 =	vgt.f32 v38, v37;
	v36 =	vld.idx.msk [tilespmem:v18+s2+$0x0], $0xffff;
	v18 =	vor.u32 $0x2D, v3  }
0x1d3: {  	vm1 =	vgt.f32 v38, v26;
	v35 =	vsel vm0, $0xD, v35;
	v37 =	vsel vm0, v38, v37  }
0x1d4: {  	v35 =	vsel vm1, v40, v35;
	v37 =	vsel vm1, v26, v37;
	v26 =	vsel vm1, v38, v26  }
0x1d5: {  	v38 =	vsel vm1, $0xD, v40;
	vm0 =	vgt.f32 v39, v37;
	v40 =	vld.idx.msk [tilespmem:v19+s2+$0x0], $0xffff;
	v19 =	vor.u32 $0x2E, v3  }
0x1d6: {  	vm1 =	vgt.f32 v39, v26;
	v35 =	vsel vm0, $0xE, v35;
	v37 =	vsel vm0, v39, v37  }
0x1d7: {  	v35 =	vsel vm1, v38, v35;
	v37 =	vsel vm1, v26, v37;
	v26 =	vsel vm1, v39, v26  }
0x1d8: {  	v38 =	vsel vm1, $0xE, v38;
	vm0 =	vgt.f32 v36, v37;
	v39 =	vld.idx.msk [tilespmem:v20+s2+$0x0], $0xffff;
	v20 =	vor.u32 $0x2F, v3  }
0x1d9: {  	vm1 =	vgt.f32 v36, v26;
	v35 =	vsel vm0, $0xF, v35;
	v37 =	vsel vm0, v36, v37  }
0x1da: {  	v35 =	vsel vm1, v38, v35;
	v37 =	vsel vm1, v26, v37;
	v38 =	vsel vm1, $0xF, v38  }
0x1db: {  	v26 =	vsel vm1, v36, v26;
	vm0 =	vgt.f32 v40, v37;
	v36 =	vld.idx.msk [tilespmem:v22+s2+$0x0], $0xffff;
	v22 =	vor.u32 $0x30, v3  }
0x1dc: {  	vm1 =	vgt.f32 v40, v26;
	v35 =	vsel vm0, $0x10, v35;
	v37 =	vsel vm0, v40, v37  }
0x1dd: {  	v35 =	vsel vm1, v38, v35;
	v37 =	vsel vm1, v26, v37;
	v38 =	vsel vm1, $0x10, v38  }
0x1de: {  	v26 =	vsel vm1, v40, v26;
	vm0 =	vgt.f32 v39, v37;
	v40 =	vld.idx.msk [tilespmem:v23+s2+$0x0], $0xffff;
	v23 =	vor.u32 $0x31, v3  }
0x1df: {  	vm1 =	vgt.f32 v39, v26;
	v35 =	vsel vm0, $0x11, v35;
	v37 =	vsel vm0, v39, v37  }
0x1e0: {  	v35 =	vsel vm1, v38, v35;
	v37 =	vsel vm1, v26, v37;
	v26 =	vsel vm1, v39, v26  }
0x1e1: {  	v38 =	vsel vm1, $0x11, v38;
	vm0 =	vgt.f32 v36, v37;
	v39 =	vld.idx.msk [tilespmem:v25+s2+$0x0], $0xffff;
	v25 =	vor.u32 $0x32, v3  }
0x1e2: {  	vm1 =	vgt.f32 v36, v26;
	v35 =	vsel vm0, $0x12, v35;
	v37 =	vsel vm0, v36, v37  }
0x1e3: {  	v36 =	vsel vm1, v36, v26;
	v35 =	vsel vm1, v38, v35;
	v37 =	vsel vm1, v26, v37  }
0x1e4: {  	v38 =	vsel vm1, $0x12, v38;
	v26 =	vor.u32 $0x33, v3;
	vm0 =	vgt.f32 v40, v37;
	v41 =	vld.idx.msk [tilespmem:v21+s2+$0x0], $0xffff  }
0x1e5: {  	vm1 =	vgt.f32 v40, v36;
	v21 =	vsel vm0, $0x13, v35;
	v35 =	vsel vm0, v40, v37  }
0x1e6: {  	v37 =	vsel vm1, v38, v21;
	v35 =	vsel vm1, v36, v35;
	v21 =	vor.u32 $0x34, v3  }
0x1e7: {  	v36 =	vsel vm1, v40, v36;
	vm0 =	vgt.f32 v39, v35;
	v40 =	vld.idx.msk [tilespmem:v14+s2+$0x0], $0xffff;
	v14 =	vor.u32 $0x35, v3  }
0x1e8: {  	v38 =	vsel vm1, $0x13, v38;
	vm1 =	vgt.f32 v39, v36;
	v35 =	vsel vm0, v39, v35  }
0x1e9: {  	v37 =	vsel vm0, $0x14, v37;
	v42 =	vsel vm1, $0x14, v38;
	v35 =	vsel vm1, v36, v35  }
0x1ea: {  	v37 =	vsel vm1, v38, v37;
	v36 =	vsel vm1, v39, v36;
	vm0 =	vgt.f32 v41, v35;
	v32 =	vld.idx.msk [tilespmem:v32+s2+$0x0], $0xffff  }
0x1eb: {  	vm1 =	vgt.f32 v41, v36;
	v37 =	vsel vm0, $0x15, v37;
	v35 =	vsel vm0, v41, v35  }
0x1ec: {  	v37 =	vsel vm1, v42, v37;
	v35 =	vsel vm1, v36, v35;
	v36 =	vsel vm1, v41, v36  }
0x1ed: {  	v38 =	vsel vm1, $0x15, v42;
	vm0 =	vgt.f32 v40, v35;
	v39 =	vld.idx.msk [tilespmem:v27+s2+$0x0], $0xffff;
	v27 =	vor.u32 $0x36, v3  }
0x1ee: {  	vm1 =	vgt.f32 v40, v36;
	v37 =	vsel vm0, $0x16, v37;
	v35 =	vsel vm0, v40, v35  }
0x1ef: {  	v37 =	vsel vm1, v38, v37;
	v35 =	vsel vm1, v36, v35;
	v36 =	vsel vm1, v40, v36  }
0x1f0: {  	v38 =	vsel vm1, $0x16, v38;
	vm0 =	vgt.f32 v32, v35;
	v40 =	vld.idx.msk [tilespmem:v29+s2+$0x0], $0xffff;
	v29 =	vor.u32 $0x37, v3  }
0x1f1: {  	vm1 =	vgt.f32 v32, v36;
	v37 =	vsel vm0, $0x17, v37;
	v35 =	vsel vm0, v32, v35  }
0x1f2: {  	v37 =	vsel vm1, v38, v37;
	v35 =	vsel vm1, v36, v35;
	v38 =	vsel vm1, $0x17, v38  }
0x1f3: {  	v32 =	vsel vm1, v32, v36;
	vm0 =	vgt.f32 v39, v35;
	v36 =	vld.idx.msk [tilespmem:v30+s2+$0x0], $0xffff;
	v30 =	vor.u32 $0x38, v3  }
0x1f4: {  	vm1 =	vgt.f32 v39, v32;
	v37 =	vsel vm0, $0x18, v37;
	v35 =	vsel vm0, v39, v35  }
0x1f5: {  	v37 =	vsel vm1, v38, v37;
	v35 =	vsel vm1, v32, v35;
	v38 =	vsel vm1, $0x18, v38  }
0x1f6: {  	v32 =	vsel vm1, v39, v32;
	vm0 =	vgt.f32 v40, v35;
	v39 =	vld.idx.msk [tilespmem:v31+s2+$0x0], $0xffff;
	v31 =	vor.u32 $0x39, v3  }
0x1f7: {  	vm1 =	vgt.f32 v40, v32;
	v37 =	vsel vm0, $0x19, v37;
	v35 =	vsel vm0, v40, v35  }
0x1f8: {  	v37 =	vsel vm1, v38, v37;
	v35 =	vsel vm1, v32, v35;
	v38 =	vsel vm1, $0x19, v38  }
0x1f9: {  	v40 =	vsel vm1, v40, v32;
	v32 =	vor.u32 $0x3A, v3;
	vm0 =	vgt.f32 v36, v35;
	v41 =	vld.idx.msk [tilespmem:v28+s2+$0x0], $0xffff  }
0x1fa: {  	vm1 =	vgt.f32 v36, v40;
	v28 =	vsel vm0, $0x1A, v37;
	v35 =	vsel vm0, v36, v35  }
0x1fb: {  	v37 =	vsel vm1, v38, v28;
	v35 =	vsel vm1, v40, v35;
	v28 =	vor.u32 $0x3B, v3  }
0x1fc: {  	v36 =	vsel vm1, v36, v40;
	v38 =	vsel vm1, $0x1A, v38;
	vm0 =	vgt.f32 v39, v35;
	v34 =	vld.idx.msk [tilespmem:v34+s2+$0x0], $0xffff  }
0x1fd: {  	vm1 =	vgt.f32 v39, v36;
	v37 =	vsel vm0, $0x1B, v37;
	v35 =	vsel vm0, v39, v35  }
0x1fe: {  	v40 =	vsel vm1, $0x1B, v38;
	v35 =	vsel vm1, v36, v35;
	v36 =	vsel vm1, v39, v36  }
0x1ff: {  	v37 =	vsel vm1, v38, v37;
	vm0 =	vgt.f32 v41, v35;
	v38 =	vld.idx.msk [tilespmem:v33+s2+$0x0], $0xffff;
	v33 =	vor.u32 $0x3C, v3  }
0x200: {  	vm1 =	vgt.f32 v41, v36;
	v37 =	vsel vm0, $0x1C, v37;
	v35 =	vsel vm0, v41, v35  }
0x201: {  	v39 =	vsel vm1, $0x1C, v40;
	v37 =	vsel vm1, v40, v37;
	v35 =	vsel vm1, v36, v35  }
0x202: {  	v36 =	vsel vm1, v41, v36;
	vm0 =	vgt.f32 v34, v35;
	v40 =	vld.idx.msk [tilespmem:v24+s2+$0x0], $0xffff;
	v24 =	vor.u32 $0x3D, v3  }
0x203: {  	vm1 =	vgt.f32 v34, v36;
	v37 =	vsel vm0, $0x1D, v37;
	v35 =	vsel vm0, v34, v35  }
0x204: {  	v37 =	vsel vm1, v39, v37;
	v35 =	vsel vm1, v36, v35;
	v39 =	vsel vm1, $0x1D, v39  }
0x205: {  	v34 =	vsel vm1, v34, v36;
	vm0 =	vgt.f32 v38, v35;
	v36 =	vld.idx.msk [tilespmem:v11+s2+$0x0], $0xffff;
	v11 =	vor.u32 $0x3E, v3  }
0x206: {  	vm1 =	vgt.f32 v38, v34;
	v37 =	vsel vm0, $0x1E, v37;
	v35 =	vsel vm0, v38, v35  }
0x207: {  	v37 =	vsel vm1, v39, v37;
	v35 =	vsel vm1, v34, v35;
	v34 =	vsel vm1, v38, v34  }
0x208: {  	v3 =	vor.u32 $0x3F, v3;
	v38 =	vsel vm1, $0x1E, v39;
	vm0 =	vgt.f32 v40, v35;
	v6 =	vld.idx.msk [tilespmem:v6+s2+$0x0], $0xffff  }
0x209: {  	vm1 =	vgt.f32 v40, v34;
	v37 =	vsel vm0, $0x1F, v37;
	v35 =	vsel vm0, v40, v35  }
0x20a: {  	v37 =	vsel vm1, v38, v37;
	v35 =	vsel vm1, v34, v35  }
0x20b: {  	v38 =	vsel vm1, $0x1F, v38;
	v34 =	vsel vm1, v40, v34;
	vm0 =	vgt.f32 v36, v35;
	v4 =	vld.idx.msk [tilespmem:v4+s2+$0x0], $0xffff  }
0x20c: {  	vm1 =	vgt.f32 v36, v34;
	v37 =	vsel vm0, $0x20, v37;
	v35 =	vsel vm0, v36, v35  }
0x20d: {  	v37 =	vsel vm1, v38, v37;
	v35 =	vsel vm1, v34, v35  }
0x20e: {  	v38 =	vsel vm1, $0x20, v38;
	v34 =	vsel vm1, v36, v34;
	vm0 =	vgt.f32 v6, v35;
	v7 =	vld.idx.msk [tilespmem:v7+s2+$0x0], $0xffff  }
0x20f: {  	vm1 =	vgt.f32 v6, v34;
	v36 =	vsel vm0, $0x21, v37;
	v35 =	vsel vm0, v6, v35  }
0x210: {  	v6 =	vsel vm1, v6, v34;
	v36 =	vsel vm1, v38, v36;
	v35 =	vsel vm1, v34, v35  }
0x211: {  	vm0 =	vgt.f32 v4, v35;
	v8 =	vld.idx.msk [tilespmem:v8+s2+$0x0], $0xffff  }
0x212: {  	v34 =	vsel vm1, $0x21, v38;
	vm1 =	vgt.f32 v4, v6;
	v35 =	vsel vm0, v4, v35  }
0x213: {  	v36 =	vsel vm0, $0x22, v36;
	v4 =	vsel vm1, v4, v6;
	v35 =	vsel vm1, v6, v35  }
0x214: {  	v6 =	vsel vm1, v34, v36;
	v34 =	vsel vm1, $0x22, v34;
	vm0 =	vgt.f32 v7, v35;
	v9 =	vld.idx.msk [tilespmem:v9+s2+$0x0], $0xffff  }
0x215: {  	vm1 =	vgt.f32 v7, v4;
	v6 =	vsel vm0, $0x23, v6;
	v35 =	vsel vm0, v7, v35  }
0x216: {  	v6 =	vsel vm1, v34, v6;
	v35 =	vsel vm1, v4, v35;
	v4 =	vsel vm1, v7, v4  }
0x217: {  	vm0 =	vgt.f32 v8, v35;
	v7 =	vld.idx.msk [tilespmem:v12+s2+$0x0], $0xffff  }
0x218: {  	v12 =	vsel vm1, $0x23, v34;
	vm1 =	vgt.f32 v8, v4;
	v34 =	vsel vm0, v8, v35  }
0x219: {  	v6 =	vsel vm0, $0x24, v6;
	v34 =	vsel vm1, v4, v34;
	v35 =	vsel vm1, $0x24, v12  }
0x21a: {  	v6 =	vsel vm1, v12, v6;
	v4 =	vsel vm1, v8, v4;
	vm0 =	vgt.f32 v9, v34;
	v5 =	vld.idx.msk [tilespmem:v5+s2+$0x0], $0xffff  }
0x21b: {  	vm1 =	vgt.f32 v9, v4;
	v6 =	vsel vm0, $0x25, v6;
	v8 =	vsel vm0, v9, v34  }
0x21c: {  	v6 =	vsel vm1, v35, v6;
	v8 =	vsel vm1, v4, v8  }
0x21d: {  	v12 =	vsel vm1, $0x25, v35;
	v4 =	vsel vm1, v9, v4;
	vm0 =	vgt.f32 v7, v8;
	v9 =	vld.idx.msk [tilespmem:v13+s2+$0x0], $0xffff  }
0x21e: {  	vm1 =	vgt.f32 v7, v4;
	v6 =	vsel vm0, $0x26, v6;
	v8 =	vsel vm0, v7, v8  }
0x21f: {  	v6 =	vsel vm1, v12, v6;
	v8 =	vsel vm1, v4, v8  }
0x220: {  	v12 =	vsel vm1, $0x26, v12;
	v4 =	vsel vm1, v7, v4;
	vm0 =	vgt.f32 v5, v8;
	v7 =	vld.idx.msk [tilespmem:v15+s2+$0x0], $0xffff  }
0x221: {  	vm1 =	vgt.f32 v5, v4;
	v6 =	vsel vm0, $0x27, v6;
	v8 =	vsel vm0, v5, v8  }
0x222: {  	v6 =	vsel vm1, v12, v6;
	v8 =	vsel vm1, v4, v8;
	v12 =	vsel vm1, $0x27, v12  }
0x223: {  	v4 =	vsel vm1, v5, v4;
	vm0 =	vgt.f32 v9, v8;
	v5 =	vld.idx.msk [tilespmem:v10+s2+$0x0], $0xffff  }
0x224: {  	vm1 =	vgt.f32 v9, v4;
	v6 =	vsel vm0, $0x28, v6;
	v8 =	vsel vm0, v9, v8  }
0x225: {  	v6 =	vsel vm1, v12, v6;
	v8 =	vsel vm1, v4, v8  }
0x226: {  	v10 =	vsel vm1, $0x28, v12;
	v4 =	vsel vm1, v9, v4;
	vm0 =	vgt.f32 v7, v8;
	v9 =	vld.idx.msk [tilespmem:v16+s2+$0x0], $0xffff  }
0x227: {  	vm1 =	vgt.f32 v7, v4;
	v6 =	vsel vm0, $0x29, v6;
	v8 =	vsel vm0, v7, v8  }
0x228: {  	v6 =	vsel vm1, v10, v6;
	v8 =	vsel vm1, v4, v8  }
0x229: {  	v10 =	vsel vm1, $0x29, v10;
	v4 =	vsel vm1, v7, v4;
	vm0 =	vgt.f32 v5, v8;
	v7 =	vld.idx.msk [tilespmem:v17+s2+$0x0], $0xffff  }
0x22a: {  	vm1 =	vgt.f32 v5, v4;
	v6 =	vsel vm0, $0x2A, v6;
	v8 =	vsel vm0, v5, v8  }
0x22b: {  	v12 =	vsel vm1, $0x2A, v10;
	v8 =	vsel vm1, v4, v8;
	v4 =	vsel vm1, v5, v4  }
0x22c: {  	v5 =	vsel vm1, v10, v6;
	vm0 =	vgt.f32 v9, v4;
	vm1 =	vgt.f32 v9, v8;
	v6 =	vld.idx.msk [tilespmem:v18+s2+$0x0], $0xffff  }
0x22d: {  	v5 =	vsel vm1, $0x2B, v5;
	v8 =	vsel vm1, v9, v8;
	v10 =	vsel vm0, $0x2B, v12  }
0x22e: {  	v5 =	vsel vm0, v12, v5;
	v8 =	vsel vm0, v4, v8  }
0x22f: {  	v4 =	vsel vm0, v9, v4;
	vm0 =	vgt.f32 v7, v8;
	v9 =	vld.idx.msk [tilespmem:v19+s2+$0x0], $0xffff  }
0x230: {  	vm1 =	vgt.f32 v7, v4;
	v5 =	vsel vm0, $0x2C, v5;
	v8 =	vsel vm0, v7, v8  }
0x231: {  	v5 =	vsel vm1, v10, v5;
	v8 =	vsel vm1, v4, v8;
	v10 =	vsel vm1, $0x2C, v10  }
0x232: {  	v4 =	vsel vm1, v7, v4;
	vm0 =	vgt.f32 v6, v8;
	v7 =	vld.idx.msk [tilespmem:v20+s2+$0x0], $0xffff  }
0x233: {  	vm1 =	vgt.f32 v6, v4;
	v5 =	vsel vm0, $0x2D, v5;
	v8 =	vsel vm0, v6, v8  }
0x234: {  	v5 =	vsel vm1, v10, v5;
	v8 =	vsel vm1, v4, v8;
	v4 =	vsel vm1, v6, v4  }
0x235: {  	v6 =	vsel vm1, $0x2D, v10;
	vm0 =	vgt.f32 v9, v8;
	v10 =	vld.idx.msk [tilespmem:v22+s2+$0x0], $0xffff  }
0x236: {  	vm1 =	vgt.f32 v9, v4;
	v5 =	vsel vm0, $0x2E, v5;
	v8 =	vsel vm0, v9, v8  }
0x237: {  	v12 =	vsel vm1, $0x2E, v6;
	v8 =	vsel vm1, v4, v8;
	v4 =	vsel vm1, v9, v4  }
0x238: {  	v5 =	vsel vm1, v6, v5;
	vm0 =	vgt.f32 v7, v8;
	v6 =	vld.idx.msk [tilespmem:v23+s2+$0x0], $0xffff  }
0x239: {  	vm1 =	vgt.f32 v7, v4;
	v5 =	vsel vm0, $0x2F, v5;
	v8 =	vsel vm0, v7, v8  }
0x23a: {  	v5 =	vsel vm1, v12, v5;
	v8 =	vsel vm1, v4, v8  }
0x23b: {  	v9 =	vsel vm1, $0x2F, v12;
	v4 =	vsel vm1, v7, v4;
	vm0 =	vgt.f32 v10, v8;
	v7 =	vld.idx.msk [tilespmem:v25+s2+$0x0], $0xffff  }
0x23c: {  	vm1 =	vgt.f32 v10, v4;
	v5 =	vsel vm0, $0x30, v5;
	v8 =	vsel vm0, v10, v8  }
0x23d: {  	v5 =	vsel vm1, v9, v5;
	v8 =	vsel vm1, v4, v8;
	v9 =	vsel vm1, $0x30, v9  }
0x23e: {  	v4 =	vsel vm1, v10, v4;
	vm0 =	vgt.f32 v6, v8;
	v10 =	vld.idx.msk [tilespmem:v26+s2+$0x0], $0xffff  }
0x23f: {  	vm1 =	vgt.f32 v6, v4;
	v5 =	vsel vm0, $0x31, v5;
	v8 =	vsel vm0, v6, v8  }
0x240: {  	v5 =	vsel vm1, v9, v5;
	v8 =	vsel vm1, v4, v8  }
0x241: {  	v9 =	vsel vm1, $0x31, v9;
	v4 =	vsel vm1, v6, v4;
	vm0 =	vgt.f32 v7, v8;
	v6 =	vld.idx.msk [tilespmem:v21+s2+$0x0], $0xffff  }
0x242: {  	vm1 =	vgt.f32 v7, v4;
	v5 =	vsel vm0, $0x32, v5;
	v8 =	vsel vm0, v7, v8  }
0x243: {  	v5 =	vsel vm1, v9, v5;
	v8 =	vsel vm1, v4, v8;
	v4 =	vsel vm1, v7, v4  }
0x244: {  	vm0 =	vgt.f32 v10, v4;
	vm2 =	vgt.f32 v10, v8;
	v7 =	vld.idx.msk [tilespmem:v14+s2+$0x0], $0xffff  }
0x245: {  	v9 =	vsel vm1, $0x32, v9;
	v5 =	vsel vm2, $0x33, v5;
	v8 =	vsel vm2, v10, v8  }
0x246: {  	v5 =	vsel vm0, v9, v5;
	v8 =	vsel vm0, v4, v8;
	v4 =	vsel vm0, v10, v4  }
0x247: {  	v9 =	vsel vm0, $0x33, v9;
	vm0 =	vgt.f32 v6, v8;
	v10 =	vld.idx.msk [tilespmem:v27+s2+$0x0], $0xffff  }
0x248: {  	vm1 =	vgt.f32 v6, v4;
	v5 =	vsel vm0, $0x34, v5;
	v8 =	vsel vm0, v6, v8  }
0x249: {  	v5 =	vsel vm1, v9, v5;
	v8 =	vsel vm1, v4, v8;
	v4 =	vsel vm1, v6, v4  }
0x24a: {  	v6 =	vsel vm1, $0x34, v9;
	vm0 =	vgt.f32 v7, v8;
	v9 =	vld.idx.msk [tilespmem:v29+s2+$0x0], $0xffff  }
0x24b: {  	vm1 =	vgt.f32 v7, v4;
	v5 =	vsel vm0, $0x35, v5;
	v8 =	vsel vm0, v7, v8  }
0x24c: {  	v5 =	vsel vm1, v6, v5;
	v8 =	vsel vm1, v4, v8;
	v4 =	vsel vm1, v7, v4  }
0x24d: {  	v6 =	vsel vm1, $0x35, v6;
	vm0 =	vgt.f32 v10, v8;
	v7 =	vld.idx.msk [tilespmem:v30+s2+$0x0], $0xffff  }
0x24e: {  	vm1 =	vgt.f32 v10, v4;
	v5 =	vsel vm0, $0x36, v5;
	v8 =	vsel vm0, v10, v8  }
0x24f: {  	v5 =	vsel vm1, v6, v5;
	v8 =	vsel vm1, v4, v8;
	v4 =	vsel vm1, v10, v4  }
0x250: {  	v6 =	vsel vm1, $0x36, v6;
	vm0 =	vgt.f32 v9, v8;
	v10 =	vld.idx.msk [tilespmem:v31+s2+$0x0], $0xffff  }
0x251: {  	vm1 =	vgt.f32 v9, v4;
	v5 =	vsel vm0, $0x37, v5;
	v8 =	vsel vm0, v9, v8  }
0x252: {  	v12 =	vsel vm1, $0x37, v6;
	v8 =	vsel vm1, v4, v8;
	v4 =	vsel vm1, v9, v4  }
0x253: {  	v5 =	vsel vm1, v6, v5;
	vm0 =	vgt.f32 v7, v8;
	v6 =	vld.idx.msk [tilespmem:v32+s2+$0x0], $0xffff  }
0x254: {  	vm1 =	vgt.f32 v7, v4;
	v5 =	vsel vm0, $0x38, v5;
	v8 =	vsel vm0, v7, v8  }
0x255: {  	v5 =	vsel vm1, v12, v5;
	v8 =	vsel vm1, v4, v8;
	v4 =	vsel vm1, v7, v4  }
0x256: {  	v7 =	vsel vm1, $0x38, v12;
	vm0 =	vgt.f32 v10, v8;
	v9 =	vld.idx.msk [tilespmem:v28+s2+$0x0], $0xffff  }
0x257: {  	vm1 =	vgt.f32 v10, v4;
	v5 =	vsel vm0, $0x39, v5;
	v8 =	vsel vm0, v10, v8  }
0x258: {  	v12 =	vsel vm1, $0x39, v7;
	v8 =	vsel vm1, v4, v8;
	v4 =	vsel vm1, v10, v4  }
0x259: {  	v5 =	vsel vm1, v7, v5;
	vm0 =	vgt.f32 v6, v8;
	v7 =	vld.idx.msk [tilespmem:v33+s2+$0x0], $0xffff  }
0x25a: {  	vm1 =	vgt.f32 v6, v4;
	v5 =	vsel vm0, $0x3A, v5;
	v8 =	vsel vm0, v6, v8  }
0x25b: {  	v5 =	vsel vm1, v12, v5;
	v8 =	vsel vm1, v4, v8;
	v4 =	vsel vm1, v6, v4  }
0x25c: {  	vm0 =	vgt.f32 v9, v8;
	v6 =	vld.idx.msk [tilespmem:v24+s2+$0x0], $0xffff  }
0x25d: {  	v10 =	vsel vm1, $0x3A, v12;
	vm1 =	vgt.f32 v9, v4;
	v8 =	vsel vm0, v9, v8  }
0x25e: {  	v5 =	vsel vm0, $0x3B, v5;
	v8 =	vsel vm1, v4, v8;
	v4 =	vsel vm1, v9, v4  }
0x25f: {  	v5 =	vsel vm1, v10, v5;
	v9 =	vsel vm1, $0x3B, v10;
	vm0 =	vgt.f32 v7, v8;
	v10 =	vld.idx.msk [tilespmem:v11+s2+$0x0], $0xffff  }
0x260: {  	vm1 =	vgt.f32 v7, v4;
	v5 =	vsel vm0, $0x3C, v5;
	v8 =	vsel vm0, v7, v8  }
0x261: {  	v5 =	vsel vm1, v9, v5;
	v8 =	vsel vm1, v4, v8;
	v4 =	vsel vm1, v7, v4  }
0x262: {  	v7 =	vsel vm1, $0x3C, v9;
	vm0 =	vgt.f32 v6, v8;
	v3 =	vld.idx.msk [tilespmem:v3+s2+$0x0], $0xffff  }
0x263: {  	vm1 =	vgt.f32 v6, v4;
	v5 =	vsel vm0, $0x3D, v5;
	v8 =	vsel vm0, v6, v8  }
0x264: {  	v5 =	vsel vm1, v7, v5;
	v8 =	vsel vm1, v4, v8;
	v4 =	vsel vm1, v6, v4  }
0x265: {  	v6 =	vsel vm1, $0x3D, v7;
	vm0 =	vgt.f32 v10, v8  }
0x266: {  	vm1 =	vgt.f32 v10, v4;
	v5 =	vsel vm0, $0x3E, v5;
	v7 =	vsel vm0, v10, v8  }
0x267: {  	v8 =	vsel vm1, v10, v4;
	v5 =	vsel vm1, v6, v5;
	v7 =	vsel vm1, v4, v7  }
0x268: {  	v6 =	vsel vm1, $0x3E, v6;
	vm1 =	vgt.f32 v3, v7  }
0x269: {  	vm0 =	vgt.f32 v3, v8;
	v4 =	vsel vm1, $0x3F, v5;
	v5 =	vsel vm1, v3, v7  }
0x26a: {  	v3 =	vsel vm0, v3, v8;
	v4 =	vsel vm0, v6, v4;
	v5 =	vsel vm0, v8, v5  }
0x26b: {  	v3 =	vsub.f32 v5, v3;
	_ =	sdelay $0x1  }
0x26c: {  	v3 =	vmul.f32 $1.442695020e+00, v3;
	_ =	sdelay $0x1  }
0x26d: {  	(erf) = vpow2.f32 v3;
	_ =	sdelay $0x8  }
0x26e: {  	v5 =	vpop (erf)  }
0x26f: {  	v3 =	vadd.f32 $1.000000000e+00, v5;
	_ =	sdelay $0x1  }
0x270: {  	(erf) = vrcp.f32 v3;
	_ =	sdelay $0x4  }
0x271: {  	v13 =	vshll.u32 v2, $0x1;
	_ =	sdelay $0x1  }
0x272: {  	v14 =	vor.u32 $0x1, v13;
	_ =	sdelay $0x1  }
.Ltmp0:
0x273: {  	v2 =	vor.u32 s12, v0;
	v7 =	vpop (erf);
	(pc) =	sbr.rel @p0 .LBB2_2-.Ltmp0, $4  }
0x274: {  	v15 =	vsel vm0, $0x3F, v6;
	v3 =	vshll.u32 v2, $0x6;
	v5 =	vmul.f32 v7, v5;
	[tilespmem:v13+s8+$0x0] =	vst.idx.msk $0xffff, v7  }
0x275: {  	v19 =	vor.u32 $0x1, v3;
	v11 =	vor.u32 $0x2, v3;
	v6 =	vor.u32 $0x3, v3  }
0x276: {  	v12 =	vor.u32 $0x4, v3;
	v8 =	vor.u32 $0x6, v3;
	v7 =	vor.u32 $0x5, v3;
	[tilespmem:v14+s8+$0x0] =	vst.idx.msk $0xffff, v5  }
0x277: {  	v9 =	vor.u32 $0x7, v3;
	v10 =	vor.u32 $0x9, v3;
	v5 =	vor.u32 $0x8, v3;
	[tilespmem:v13+s9+$0x0] =	vst.idx.msk $0xffff, v15  }
0x278: {  	_ =	sdelay $0x3  }
0x279: {  	[tilespmem:v14+s9+$0x0] =	vst.idx.msk $0xffff, v4  }
0x27a: {  	v4 =	vld.idx.msk [tilespmem:v3+s2+$0x0], $0xffff;
	_ =	sdelay $0x1  }
0x27b: {  	v13 =	vld.idx.msk [tilespmem:v19+s2+$0x0], $0xffff;
	_ =	sdelay $0x1  }
0x27c: {  	v31 =	vimm.s32 $0x0;
	v32 =	vimm.s32 $0x0;
	v34 =	vimm.s32 $0x0  }
0x27d: {  	v36 =	vimm.s32 $0x0;
	v38 =	vimm.s32 $0x0;
	vm0 =	vgt.f32 v4, $-Inf  }
0x27e: {  	v41 =	vimm.s32 $0x0;
	v42 =	vimm.s32 $0x0;
	v11 =	vld.idx.msk [tilespmem:v11+s2+$0x0], $0xffff;
	v4 =	vnsel vm0, $0xFF800000, v4  }
0x27f: {  	vm9 =	vlt.f32 v13, $-Inf;
	vm1 =	vgt.f32 v13, $-Inf;
	vm2 =	vgt.f32 v13, v4  }
0x280: {  	v44 =	vor.u32 $0xA, v3;
	vm0 =	vmor vm1, vm9;
	v14 =	vsel vm2, $0xFFFFFFFF, v31  }
0x281: {  	v6 =	vld.idx.msk [tilespmem:v6+s2+$0x0], $0xffff;
	v33 =	vnsel vm0, $0xFF800000, v13;
	vm1 =	vmneg vm2;
	[tilespmem:$0x1F750] =	vst v14;
	v14 =	vsel vm0, $0xFFFFFFFF, v32  }
0x282: {  	v45 =	vimm.s32 $0x0;
	v47 =	vor.u32 $0xB, v3;
	[tilespmem:$0x1F740] =	vst v14;
	v14 =	vsel vm1, v33, v4  }
0x283: {  	v48 =	vimm.s32 $0x0;
	v4 =	vsel vm1, v4, v13;
	vm10 =	vgt.f32 v11, v14  }
0x284: {  	v12 =	vld.idx.msk [tilespmem:v12+s2+$0x0], $0xffff;
	vm2 =	vgt.f32 v11, v4;
	v13 =	vsel vm10, $0xFFFFFFFF, v34;
	v35 =	vsel vm10, v11, v14  }
0x285: {  	v49 =	vor.u32 $0xC, v3;
	v50 =	vimm.s32 $0x0;
	[tilespmem:$0x1F760] =	vst v13;
	v13 =	vsel vm2, v4, v35  }
0x286: {  	v52 =	vor.u32 $0xD, v3;
	v4 =	vsel vm2, v11, v4;
	vm11 =	vgt.f32 v6, v13  }
0x287: {  	v7 =	vld.idx.msk [tilespmem:v7+s2+$0x0], $0xffff;
	vm3 =	vgt.f32 v6, v4;
	v11 =	vsel vm11, $0xFFFFFFFF, v36;
	v37 =	vsel vm11, v6, v13  }
0x288: {  	v53 =	vimm.s32 $0x0;
	v55 =	vor.u32 $0xE, v3;
	[tilespmem:$0x1F770] =	vst v11;
	v11 =	vsel vm3, v4, v37  }
0x289: {  	v56 =	vimm.s32 $0x0;
	v4 =	vsel vm3, v6, v4;
	vm12 =	vgt.f32 v12, v11  }
0x28a: {  	v58 =	vor.u32 $0xF, v3;
	v39 =	vld.idx.msk [tilespmem:v8+s2+$0x0], $0xffff;
	vm4 =	vgt.f32 v12, v4;
	v40 =	vsel vm12, v12, v11  }
0x28b: {  	v59 =	vimm.s32 $0x0;
	v61 =	vor.u32 $0x10, v3;
	v8 =	vsel vm4, v4, v40  }
0x28c: {  	v62 =	vimm.s32 $0x0;
	v4 =	vsel vm4, v12, v4;
	vm13 =	vgt.f32 v7, v8  }
0x28d: {  	v15 =	vor.u32 $0x12, v3;
	v9 =	vld.idx.msk [tilespmem:v9+s2+$0x0], $0xffff;
	vm5 =	vgt.f32 v7, v4;
	v8 =	vsel vm13, v7, v8  }
0x28e: {  	v16 =	vimm.s32 $0x0;
	v18 =	vimm.s32 $0x0;
	v8 =	vsel vm5, v4, v8  }
0x28f: {  	v20 =	vimm.s32 $0x0;
	v4 =	vsel vm5, v7, v4;
	vm14 =	vgt.f32 v39, v8  }
0x290: {  	v5 =	vld.idx.msk [tilespmem:v5+s2+$0x0], $0xffff;
	vm6 =	vgt.f32 v39, v4;
	v7 =	vsel vm14, $0xFFFFFFFF, v42;
	v43 =	vsel vm14, v39, v8  }
0x291: {  	v22 =	vimm.s32 $0x0;
	v23 =	vor.u32 $0x14, v3;
	[tilespmem:$0x1F7A0] =	vst v7;
	v7 =	vsel vm6, v4, v43  }
0x292: {  	v25 =	vimm.s32 $0x0;
	v4 =	vsel vm6, v39, v4;
	vm15 =	vgt.f32 v9, v7  }
0x293: {  	v27 =	vimm.s32 $0x0;
	v46 =	vld.idx.msk [tilespmem:v10+s2+$0x0], $0xffff;
	vm7 =	vgt.f32 v9, v4;
	v7 =	vsel vm15, v9, v7  }
0x294: {  	v29 =	vor.u32 $0x15, v3;
	v19 =	vor.u32 $0x13, v3;
	v51 =	vld.idx.msk [tilespmem:v47+s2+$0x0], $0xffff;
	v7 =	vsel vm7, v4, v7  }
0x295: {  	v54 =	vld.idx.msk [tilespmem:v49+s2+$0x0], $0xffff;
	v47 =	vimm.s32 $0x0;
	v4 =	vsel vm7, v9, v4;
	vm8 =	vgt.f32 v5, v7  }
0x296: {  	v8 =	vld.idx.msk [tilespmem:v44+s2+$0x0], $0xffff;
	v9 =	vsel vm8, $0xFFFFFFFF, v48;
	v7 =	vsel vm8, v5, v7;
	vm8 =	vgt.f32 v5, v4  }
0x297: {  	v57 =	vld.idx.msk [tilespmem:v52+s2+$0x0], $0xffff;
	v49 =	vor.u32 $0x19, v3;
	v52 =	vor.u32 $0x1A, v3;
	v7 =	vsel vm8, v4, v7  }
0x298: {  	v60 =	vld.idx.msk [tilespmem:v55+s2+$0x0], $0xffff;
	v55 =	vimm.s32 $0x0;
	v4 =	vsel vm8, v5, v4;
	vm9 =	vgt.f32 v46, v7  }
0x299: {  	v5 =	vsel vm9, $0xFFFFFFFF, v50;
	v7 =	vsel vm9, v46, v7;
	vm9 =	vgt.f32 v46, v4  }
0x29a: {  	v63 =	vld.idx.msk [tilespmem:v58+s2+$0x0], $0xffff;
	v58 =	vimm.s32 $0x0;
	v6 =	vsel vm12, $0xFFFFFFFF, v38;
	v7 =	vsel vm9, v4, v7  }
0x29b: {  	[tilespmem:$0x1F780] =	vst v6;
	v6 =	vsel vm15, $0xFFFFFFFF, v45;
	v4 =	vsel vm9, v46, v4;
	vm10 =	vgt.f32 v8, v7  }
0x29c: {  	[tilespmem:$0x1F7B0] =	vst v6;
	v6 =	vsel vm10, $0xFFFFFFFF, v53;
	v7 =	vsel vm10, v8, v7;
	vm10 =	vgt.f32 v8, v4  }
0x29d: {  	v31 =	vimm.s32 $0x0;
	v34 =	vimm.s32 $0x0;
	v7 =	vsel vm10, v4, v7  }
0x29e: {  	v36 =	vor.u32 $0x16, v3;
	v4 =	vsel vm10, v8, v4;
	vm11 =	vgt.f32 v51, v7  }
0x29f: {  	v8 =	vsel vm11, $0xFFFFFFFF, v56;
	v7 =	vsel vm11, v51, v7;
	vm11 =	vgt.f32 v51, v4  }
0x2a0: {  	v13 =	vimm.s32 $0x0;
	v12 =	vor.u32 $0x11, v3;
	v7 =	vsel vm11, v4, v7  }
0x2a1: {  	v40 =	vor.u32 $0x17, v3;
	v4 =	vsel vm11, v51, v4;
	vm12 =	vgt.f32 v54, v7  }
0x2a2: {  	[tilespmem:$0x1F7D0] =	vst v5;
	v5 =	vsel vm12, $0xFFFFFFFF, v59;
	v7 =	vsel vm12, v54, v7;
	vm12 =	vgt.f32 v54, v4  }
0x2a3: {  	v11 =	vsel vm13, $0xFFFFFFFF, v41;
	v44 =	vor.u32 $0x18, v3;
	v7 =	vsel vm12, v4, v7  }
0x2a4: {  	v42 =	vld.idx.msk [tilespmem:v36+s2+$0x0], $0xffff;
	v36 =	vor.u32 $0x22, v3;
	v4 =	vsel vm12, v54, v4;
	vm13 =	vgt.f32 v57, v7  }
0x2a5: {  	[tilespmem:$0x1F7E0] =	vst v6;
	v6 =	vsel vm13, $0xFFFFFFFF, v62;
	v7 =	vsel vm13, v57, v7;
	vm13 =	vgt.f32 v57, v4  }
0x2a6: {  	v39 =	vimm.s32 $0x0;
	v43 =	vimm.s32 $0x0;
	v7 =	vsel vm13, v4, v7  }
0x2a7: {  	v56 =	vor.u32 $0x1B, v3;
	v4 =	vsel vm13, v57, v4;
	vm14 =	vgt.f32 v60, v7  }
0x2a8: {  	v14 =	vld.idx.msk [tilespmem:v61+s2+$0x0], $0xffff;
	[tilespmem:$0x1F7F0] =	vst v8;
	v8 =	vsel vm14, $0xFFFFFFFF, v13;
	v7 =	vsel vm14, v60, v7;
	vm14 =	vgt.f32 v60, v4  }
0x2a9: {  	v51 =	vimm.s32 $0x0;
	v59 =	vld.idx.msk [tilespmem:v52+s2+$0x0], $0xffff;
	v52 =	vimm.s32 $0x0;
	v7 =	vsel vm14, v4, v7  }
0x2aa: {  	v24 =	vld [tilespmem:$0x1F740];
	v62 =	vimm.s32 $0x0;
	v4 =	vsel vm14, v60, v4;
	vm15 =	vgt.f32 v63, v7  }
0x2ab: {  	[tilespmem:$0x1F800] =	vst v5;
	v5 =	vsel vm15, $0xFFFFFFFF, v16;
	v7 =	vsel vm15, v63, v7;
	vm15 =	vgt.f32 v63, v4  }
0x2ac: {  	v60 =	vor.u32 $0x1C, v3;
	v16 =	vor.u32 $0x1D, v3;
	v7 =	vsel vm15, v4, v7  }
0x2ad: {  	v17 =	vld.idx.msk [tilespmem:v12+s2+$0x0], $0xffff;
	v10 =	vsel vm15, $0xFFFFFFFF, v18;
	v4 =	vsel vm15, v63, v4;
	vm15 =	vgt.f32 v14, v7  }
0x2ae: {  	[tilespmem:$0x1F810] =	vst v6;
	v18 =	vimm.s32 $0x0;
	vm0 =	vgt.f32 v14, v4;
	v6 =	vsel vm15, $0xFFFFFFFF, v20  }
0x2af: {  	v28 =	vld [tilespmem:$0x1F750];
	[tilespmem:$0x1F7C0] =	vst v9;
	v7 =	vsel vm15, v14, v7;
	v9 =	vsel vm0, $0xFFFFFFFF, v22;
	vm15 =	vnez.u8 v24  }
0x2b0: {  	v30 =	vld [tilespmem:$0x1F760];
	v20 =	vor.u32 $0x1E, v3;
	v22 =	vimm.s32 $0x0;
	v24 =	vor.u32 $0x1F, v3  }
0x2b1: {  	v21 =	vld.idx.msk [tilespmem:v15+s2+$0x0], $0xffff;
	v7 =	vsel vm0, v4, v7;
	vm1 =	vmand vm15, vm1;
	v4 =	vsel vm0, v14, v4  }
0x2b2: {  	v33 =	vld.idx.msk [tilespmem:v23+s2+$0x0], $0xffff;
	vm15 =	vgt.f32 v17, v7;
	v26 =	vsel vm1, $0x1, v1;
	vm0 =	vgt.f32 v17, v4  }
0x2b3: {  	[tilespmem:$0x1F820] =	vst v8;
	v23 =	vld.idx.msk [tilespmem:v16+s2+$0x0], $0xffff;
	v16 =	vimm.s32 $0x0;
	v8 =	vsel vm15, $0xFFFFFFFF, v25;
	v7 =	vsel vm15, v17, v7  }
0x2b4: {  	[tilespmem:$0x1F790] =	vst v11;
	v11 =	vsel vm0, $0xFFFFFFFF, v27;
	vm15 =	vnez.u8 v28;
	v28 =	vor.u32 $0x20, v3  }
0x2b5: {  	v37 =	vld [tilespmem:$0x1F770];
	[tilespmem:$0x1F880] =	vst v11;
	v11 =	vsel vm15, $0x1, v1;
	v7 =	vsel vm0, v4, v7;
	vm15 =	vnez.u8 v30  }
0x2b6: {  	v41 =	vld [tilespmem:$0x1F780];
	[tilespmem:$0x1F870] =	vst v8;
	v4 =	vsel vm0, v17, v4;
	v30 =	vimm.s32 $0x0;
	v8 =	vsel vm15, $0x2, v26  }
0x2b7: {  	[tilespmem:$0x1F840] =	vst v10;
	v10 =	vld.idx.msk [tilespmem:v19+s2+$0x0], $0xffff;
	vm15 =	vgt.f32 v21, v7;
	vm0 =	vgt.f32 v21, v4;
	v35 =	vsel vm2, $0x2, v11  }
0x2b8: {  	[tilespmem:$0x1F830] =	vst v5;
	v26 =	vimm.s32 $0x0;
	v27 =	vld.idx.msk [tilespmem:v20+s2+$0x0], $0xffff;
	v20 =	vimm.s32 $0x0;
	v5 =	vsel vm15, $0xFFFFFFFF, v31  }
0x2b9: {  	v48 =	vld [tilespmem:$0x1F7A0];
	[tilespmem:$0x1F860] =	vst v9;
	v32 =	vsel vm2, v11, v8;
	v7 =	vsel vm15, v21, v7;
	v9 =	vsel vm0, $0xFFFFFFFF, v34  }
0x2ba: {  	vm15 =	vnez.u8 v37;
	v31 =	vld.idx.msk [tilespmem:v24+s2+$0x0], $0xffff;
	v34 =	vimm.s32 $0x0;
	v24 =	vimm.s32 $0x0  }
0x2bb: {  	[tilespmem:$0x1F890] =	vst v5;
	v7 =	vsel vm0, v4, v7;
	v5 =	vsel vm15, $0x3, v32;
	v4 =	vsel vm0, v21, v4  }
0x2bc: {  	v45 =	vld [tilespmem:$0x1F790];
	[tilespmem:$0x1F8A0] =	vst v9;
	v9 =	vsel vm3, $0x3, v35;
	vm15 =	vnez.u8 v41;
	v32 =	vor.u32 $0x21, v3  }
0x2bd: {  	v41 =	vor.u32 $0x23, v3;
	vm2 =	vgt.f32 v10, v7;
	v5 =	vsel vm3, v35, v5  }
0x2be: {  	vm0 =	vgt.f32 v10, v4;
	v35 =	vld.idx.msk [tilespmem:v28+s2+$0x0], $0xffff;
	v28 =	vimm.s32 $0x0;
	v7 =	vsel vm2, v10, v7  }
0x2bf: {  	v38 =	vld.idx.msk [tilespmem:v29+s2+$0x0], $0xffff;
	v12 =	vsel vm0, $0xFFFFFFFF, v39;
	v5 =	vsel vm15, $0x4, v5;
	vm15 =	vnez.u8 v48  }
0x2c0: {  	v53 =	vld [tilespmem:$0x1F7B0];
	v48 =	vimm.s32 $0x0;
	v7 =	vsel vm0, v4, v7;
	v4 =	vsel vm0, v10, v4  }
0x2c1: {  	v57 =	vld [tilespmem:$0x1F7C0];
	v5 =	vsel vm4, v9, v5;
	v9 =	vsel vm4, $0x4, v9;
	vm4 =	vnez.u8 v45  }
0x2c2: {  	v45 =	vld.idx.msk [tilespmem:v36+s2+$0x0], $0xffff;
	v36 =	vor.u32 $0x2C, v3;
	vm3 =	vgt.f32 v33, v7;
	vm0 =	vgt.f32 v33, v4  }
0x2c3: {  	v39 =	vld [tilespmem:$0x1F840];
	v5 =	vsel vm4, $0x5, v5;
	v7 =	vsel vm3, v33, v7;
	v11 =	vsel vm0, $0xFFFFFFFF, v43  }
0x2c4: {  	v5 =	vsel vm5, v9, v5;
	v9 =	vsel vm5, $0x5, v9;
	v43 =	vimm.s32 $0x0  }
0x2c5: {  	v7 =	vsel vm0, v4, v7;
	v4 =	vsel vm0, v33, v4;
	v5 =	vsel vm15, $0x6, v5  }
0x2c6: {  	vm15 =	vnez.u8 v57;
	v57 =	vimm.s32 $0x0;
	vm4 =	vgt.f32 v38, v7  }
0x2c7: {  	v61 =	vld [tilespmem:$0x1F7D0];
	vm0 =	vgt.f32 v38, v4;
	v5 =	vsel vm6, v9, v5;
	v9 =	vsel vm6, $0x6, v9  }
0x2c8: {  	vm6 =	vnez.u8 v53;
	vm1 =	vnez.u8 v39;
	v7 =	vsel vm4, v38, v7  }
0x2c9: {  	v46 =	vld.idx.msk [tilespmem:v40+s2+$0x0], $0xffff;
	[tilespmem:$0x1F8B0] =	vst v12;
	v12 =	vsel vm0, $0xFFFFFFFF, v47;
	v5 =	vsel vm6, $0x7, v5;
	v7 =	vsel vm0, v4, v7  }
0x2ca: {  	v17 =	vld [tilespmem:$0x1F7E0];
	v4 =	vsel vm0, v38, v4;
	v5 =	vsel vm7, v9, v5;
	v9 =	vsel vm7, $0x7, v9  }
0x2cb: {  	v38 =	vimm.s32 $0x0;
	vm5 =	vgt.f32 v42, v7;
	vm0 =	vgt.f32 v42, v4  }
0x2cc: {  	v5 =	vsel vm15, $0x8, v5;
	vm15 =	vnez.u8 v61;
	v7 =	vsel vm5, v42, v7  }
0x2cd: {  	v21 =	vld [tilespmem:$0x1F7F0];
	[tilespmem:$0x1F8C0] =	vst v11;
	v11 =	vsel vm0, $0xFFFFFFFF, v51;
	v5 =	vsel vm8, v9, v5;
	v9 =	vsel vm8, $0x8, v9  }
0x2ce: {  	v50 =	vld.idx.msk [tilespmem:v44+s2+$0x0], $0xffff;
	v51 =	vor.u32 $0x25, v3;
	v7 =	vsel vm0, v4, v7;
	v4 =	vsel vm0, v42, v4  }
0x2cf: {  	v47 =	vld [tilespmem:$0x1F870];
	v5 =	vsel vm15, $0x9, v5;
	vm15 =	vnez.u8 v17;
	vm6 =	vgt.f32 v46, v7  }
0x2d0: {  	v25 =	vld [tilespmem:$0x1F800];
	vm0 =	vgt.f32 v46, v4;
	v5 =	vsel vm9, v9, v5;
	v9 =	vsel vm9, $0x9, v9  }
0x2d1: {  	[tilespmem:$0x1F8D0] =	vst v12;
	v7 =	vsel vm6, v46, v7;
	v12 =	vsel vm0, $0xFFFFFFFF, v55;
	v5 =	vsel vm15, $0xA, v5  }
0x2d2: {  	vm15 =	vnez.u8 v21;
	v7 =	vsel vm0, v4, v7;
	v4 =	vsel vm0, v46, v4  }
0x2d3: {  	v29 =	vld [tilespmem:$0x1F810];
	v5 =	vsel vm10, v9, v5;
	v9 =	vsel vm10, $0xA, v9;
	v46 =	vor.u32 $0x24, v3  }
0x2d4: {  	v54 =	vld.idx.msk [tilespmem:v49+s2+$0x0], $0xffff;
	vm0 =	vnez.u8 v47;
	v47 =	vimm.s32 $0x0;
	vm7 =	vgt.f32 v50, v7  }
0x2d5: {  	v5 =	vsel vm15, $0xB, v5;
	vm15 =	vnez.u8 v25;
	v8 =	vsel vm7, $0xFFFFFFFF, v58  }
0x2d6: {  	v33 =	vld [tilespmem:$0x1F820];
	v7 =	vsel vm7, v50, v7;
	vm7 =	vgt.f32 v50, v4;
	v5 =	vsel vm11, v9, v5  }
0x2d7: {  	v9 =	vsel vm11, $0xB, v9;
	v58 =	vor.u32 $0x26, v3;
	v7 =	vsel vm7, v4, v7  }
0x2d8: {  	v4 =	vsel vm7, v50, v4;
	v5 =	vsel vm15, $0xC, v5;
	vm15 =	vnez.u8 v29  }
0x2d9: {  	v37 =	vld [tilespmem:$0x1F830];
	vm8 =	vgt.f32 v54, v7;
	v5 =	vsel vm12, v9, v5;
	v9 =	vsel vm12, $0xC, v9  }
0x2da: {  	[tilespmem:$0x1F850] =	vst v6;
	v6 =	vsel vm8, $0xFFFFFFFF, v62;
	v7 =	vsel vm8, v54, v7;
	vm8 =	vgt.f32 v54, v4  }
0x2db: {  	v5 =	vsel vm15, $0xD, v5;
	vm15 =	vnez.u8 v33;
	v62 =	vimm.s32 $0x0  }
0x2dc: {  	v42 =	vld [tilespmem:$0x1F850];
	v33 =	vimm.s32 $0x0;
	v7 =	vsel vm8, v4, v7;
	v4 =	vsel vm8, v54, v4  }
0x2dd: {  	v63 =	vld.idx.msk [tilespmem:v56+s2+$0x0], $0xffff;
	v5 =	vsel vm13, v9, v5;
	v9 =	vsel vm13, $0xD, v9;
	v54 =	vimm.s32 $0x0  }
0x2de: {  	v44 =	vld [tilespmem:$0x1F860];
	vm9 =	vgt.f32 v59, v7;
	v5 =	vsel vm15, $0xE, v5;
	vm15 =	vnez.u8 v37  }
0x2df: {  	v10 =	vsel vm9, $0xFFFFFFFF, v18;
	v7 =	vsel vm9, v59, v7;
	vm9 =	vgt.f32 v59, v4  }
0x2e0: {  	v5 =	vsel vm14, v9, v5;
	v9 =	vsel vm14, $0xE, v9;
	v7 =	vsel vm9, v4, v7  }
0x2e1: {  	v19 =	vld.idx.msk [tilespmem:v60+s2+$0x0], $0xffff;
	v4 =	vsel vm9, v59, v4;
	v5 =	vsel vm15, $0xF, v5;
	vm15 =	vnez.u8 v42  }
0x2e2: {  	v49 =	vld [tilespmem:$0x1F880];
	v59 =	vimm.s32 $0x0;
	v42 =	vimm.s32 $0x0;
	vm10 =	vgt.f32 v63, v7  }
0x2e3: {  	v5 =	vsel vm1, v9, v5;
	v9 =	vsel vm1, $0xF, v9;
	vm1 =	vnez.u8 v44  }
0x2e4: {  	[tilespmem:$0x1F900] =	vst v8;
	v8 =	vsel vm10, $0xFFFFFFFF, v22;
	v7 =	vsel vm10, v63, v7;
	vm10 =	vgt.f32 v63, v4  }
0x2e5: {  	v53 =	vld [tilespmem:$0x1F890];
	v44 =	vimm.s32 $0x0;
	v5 =	vsel vm15, $0x10, v5;
	v7 =	vsel vm10, v4, v7  }
0x2e6: {  	v55 =	vld [tilespmem:$0x1F8A0];
	v4 =	vsel vm10, v63, v4;
	v5 =	vsel vm1, v9, v5;
	v9 =	vsel vm1, $0x10, v9  }
0x2e7: {  	vm1 =	vnez.u8 v49;
	v63 =	vor.u32 $0x27, v3;
	vm11 =	vgt.f32 v19, v7  }
0x2e8: {  	v60 =	vld [tilespmem:$0x1F8B0];
	[tilespmem:$0x1F910] =	vst v6;
	v49 =	vimm.s32 $0x0;
	v5 =	vsel vm0, $0x11, v5;
	v6 =	vsel vm11, $0xFFFFFFFF, v26  }
0x2e9: {  	v7 =	vsel vm11, v19, v7;
	vm11 =	vgt.f32 v19, v4;
	v5 =	vsel vm1, v9, v5  }
0x2ea: {  	v9 =	vsel vm1, $0x11, v9;
	vm1 =	vnez.u8 v53;
	v7 =	vsel vm11, v4, v7  }
0x2eb: {  	v4 =	vsel vm11, v19, v4;
	v5 =	vsel vm1, $0x12, v5;
	vm1 =	vnez.u8 v55  }
0x2ec: {  	v17 =	vld [tilespmem:$0x1F8C0];
	v19 =	vor.u32 $0x28, v3;
	v55 =	vor.u32 $0x30, v3;
	vm12 =	vgt.f32 v23, v7  }
0x2ed: {  	v5 =	vsel vm1, v9, v5;
	v9 =	vsel vm1, $0x12, v9;
	vm1 =	vnez.u8 v60  }
0x2ee: {  	v21 =	vld [tilespmem:$0x1F8D0];
	[tilespmem:$0x1F920] =	vst v10;
	v10 =	vsel vm12, $0xFFFFFFFF, v30;
	v7 =	vsel vm12, v23, v7;
	vm12 =	vgt.f32 v23, v4  }
0x2ef: {  	v5 =	vsel vm2, $0x13, v5;
	v22 =	vld.idx.msk [tilespmem:v63+s2+$0x0], $0xffff;
	v63 =	vor.u32 $0x32, v3;
	v7 =	vsel vm12, v4, v7  }
0x2f0: {  	v4 =	vsel vm12, v23, v4;
	v5 =	vsel vm1, v9, v5;
	v9 =	vsel vm1, $0x13, v9  }
0x2f1: {  	[tilespmem:$0x1F8E0] =	vst v11;
	vm1 =	vnez.u8 v17;
	v23 =	vor.u32 $0x29, v3;
	vm13 =	vgt.f32 v27, v7  }
0x2f2: {  	v25 =	vld [tilespmem:$0x1F8E0];
	[tilespmem:$0x1F930] =	vst v8;
	v17 =	vimm.s32 $0x0;
	v5 =	vsel vm3, $0x14, v5;
	v8 =	vsel vm13, $0xFFFFFFFF, v34  }
0x2f3: {  	v7 =	vsel vm13, v27, v7;
	vm13 =	vgt.f32 v27, v4;
	v5 =	vsel vm1, v9, v5  }
0x2f4: {  	v9 =	vsel vm1, $0x14, v9;
	vm1 =	vnez.u8 v21;
	v26 =	vld.idx.msk [tilespmem:v19+s2+$0x0], $0xffff;
	v19 =	vimm.s32 $0x0  }
0x2f5: {  	[tilespmem:$0x1F8F0] =	vst v12;
	v7 =	vsel vm13, v4, v7;
	v4 =	vsel vm13, v27, v4;
	v5 =	vsel vm4, $0x15, v5  }
0x2f6: {  	v29 =	vld [tilespmem:$0x1F8F0];
	v27 =	vor.u32 $0x2A, v3;
	vm14 =	vgt.f32 v31, v7;
	v5 =	vsel vm1, v9, v5  }
0x2f7: {  	v9 =	vsel vm1, $0x15, v9;
	vm1 =	vnez.u8 v25;
	v25 =	vor.u32 $0x34, v3  }
0x2f8: {  	[tilespmem:$0x1F940] =	vst v6;
	v6 =	vsel vm14, $0xFFFFFFFF, v38;
	v7 =	vsel vm14, v31, v7;
	vm14 =	vgt.f32 v31, v4;
	v30 =	vld.idx.msk [tilespmem:v23+s2+$0x0], $0xffff  }
0x2f9: {  	v5 =	vsel vm5, $0x16, v5;
	v38 =	vimm.s32 $0x0;
	v23 =	vld.idx.msk [tilespmem:v63+s2+$0x0], $0xffff;
	v63 =	vor.u32 $0x3C, v3  }
0x2fa: {  	v40 =	vld.idx.msk [tilespmem:v32+s2+$0x0], $0xffff;
	v7 =	vsel vm14, v4, v7;
	v4 =	vsel vm14, v31, v4;
	v5 =	vsel vm1, v9, v5  }
0x2fb: {  	v9 =	vsel vm1, $0x16, v9;
	vm1 =	vnez.u8 v29;
	vm15 =	vgt.f32 v35, v7  }
0x2fc: {  	[tilespmem:$0x1F950] =	vst v10;
	v31 =	vor.u32 $0x2B, v3;
	v5 =	vsel vm6, $0x17, v5;
	v10 =	vsel vm15, $0xFFFFFFFF, v43  }
0x2fd: {  	v7 =	vsel vm15, v35, v7;
	vm15 =	vgt.f32 v35, v4;
	v5 =	vsel vm1, v9, v5  }
0x2fe: {  	v9 =	vsel vm1, $0x17, v9;
	v34 =	vld.idx.msk [tilespmem:v27+s2+$0x0], $0xffff;
	v27 =	vimm.s32 $0x0;
	v7 =	vsel vm15, v4, v7  }
0x2ff: {  	v43 =	vld.idx.msk [tilespmem:v36+s2+$0x0], $0xffff;
	v36 =	vimm.s32 $0x0;
	v4 =	vsel vm15, v35, v4;
	vm0 =	vgt.f32 v40, v7  }
0x300: {  	v50 =	vld.idx.msk [tilespmem:v41+s2+$0x0], $0xffff;
	[tilespmem:$0x1F960] =	vst v8;
	v8 =	vsel vm0, $0xFFFFFFFF, v48;
	v7 =	vsel vm0, v40, v7;
	vm0 =	vgt.f32 v40, v4  }
0x301: {  	v35 =	vimm.s32 $0x0;
	v39 =	vld.idx.msk [tilespmem:v31+s2+$0x0], $0xffff;
	v31 =	vor.u32 $0x35, v3;
	v7 =	vsel vm0, v4, v7  }
0x302: {  	v13 =	vsel vm0, $0xFFFFFFFF, v52;
	v4 =	vsel vm0, v40, v4;
	vm0 =	vgt.f32 v45, v7  }
0x303: {  	[tilespmem:$0x1F970] =	vst v6;
	v40 =	vor.u32 $0x2D, v3;
	v52 =	vimm.s32 $0x0;
	v6 =	vsel vm0, $0xFFFFFFFF, v54  }
0x304: {  	v56 =	vld.idx.msk [tilespmem:v46+s2+$0x0], $0xffff;
	v7 =	vsel vm0, v45, v7;
	vm0 =	vgt.f32 v45, v4;
	v54 =	vimm.s32 $0x0  }
0x305: {  	v32 =	vld [tilespmem:$0x1F900];
	v11 =	vsel vm0, $0xFFFFFFFF, v57;
	v7 =	vsel vm0, v4, v7;
	v4 =	vsel vm0, v45, v4  }
0x306: {  	v45 =	vor.u32 $0x2E, v3;
	v57 =	vimm.s32 $0x0;
	vm0 =	vgt.f32 v50, v7  }
0x307: {  	v61 =	vld.idx.msk [tilespmem:v51+s2+$0x0], $0xffff;
	[tilespmem:$0x1F980] =	vst v10;
	v10 =	vsel vm0, $0xFFFFFFFF, v59;
	v7 =	vsel vm0, v50, v7;
	vm0 =	vgt.f32 v50, v4  }
0x308: {  	v37 =	vld [tilespmem:$0x1F910];
	v12 =	vsel vm0, $0xFFFFFFFF, v62;
	v7 =	vsel vm0, v4, v7;
	v4 =	vsel vm0, v50, v4  }
0x309: {  	v50 =	vor.u32 $0x2F, v3;
	vm0 =	vgt.f32 v56, v7;
	vm3 =	vgt.f32 v56, v4  }
0x30a: {  	[tilespmem:$0x1F990] =	vst v8;
	v8 =	vsel vm0, $0xFFFFFFFF, v16;
	v7 =	vsel vm0, v56, v7;
	vm0 =	vnez.u8 v32  }
0x30b: {  	v18 =	vld.idx.msk [tilespmem:v58+s2+$0x0], $0xffff;
	v59 =	vor.u32 $0x31, v3;
	v7 =	vsel vm3, v4, v7;
	v5 =	vsel vm0, $0x18, v5  }
0x30c: {  	v41 =	vld [tilespmem:$0x1F920];
	v4 =	vsel vm3, v56, v4;
	vm4 =	vgt.f32 v61, v7;
	v5 =	vsel vm7, v9, v5  }
0x30d: {  	v9 =	vsel vm7, $0x18, v9;
	vm7 =	vnez.u8 v37;
	v37 =	vor.u32 $0x36, v3  }
0x30e: {  	v46 =	vld [tilespmem:$0x1F930];
	[tilespmem:$0x1F9B0] =	vst v6;
	v6 =	vsel vm4, $0xFFFFFFFF, v20;
	v7 =	vsel vm4, v61, v7;
	vm4 =	vgt.f32 v61, v4  }
0x30f: {  	v5 =	vsel vm7, $0x19, v5;
	v58 =	vld.idx.msk [tilespmem:v50+s2+$0x0], $0xffff;
	v20 =	vor.u32 $0x33, v3;
	v50 =	vor.u32 $0x39, v3  }
0x310: {  	v7 =	vsel vm4, v4, v7;
	v4 =	vsel vm4, v61, v4;
	v5 =	vsel vm8, v9, v5  }
0x311: {  	v9 =	vsel vm8, $0x19, v9;
	vm8 =	vnez.u8 v41;
	vm5 =	vgt.f32 v18, v7  }
0x312: {  	[tilespmem:$0x1F9D0] =	vst v10;
	v61 =	vimm.s32 $0x0;
	v5 =	vsel vm8, $0x1A, v5;
	v10 =	vsel vm5, $0xFFFFFFFF, v24  }
0x313: {  	v7 =	vsel vm5, v18, v7;
	vm5 =	vgt.f32 v18, v4;
	v5 =	vsel vm9, v9, v5  }
0x314: {  	v9 =	vsel vm9, $0x1A, v9;
	vm9 =	vnez.u8 v46;
	v7 =	vsel vm5, v4, v7  }
0x315: {  	v56 =	vld [tilespmem:$0x1F950];
	v24 =	vimm.s32 $0x0;
	v4 =	vsel vm5, v18, v4;
	vm6 =	vgt.f32 v22, v7  }
0x316: {  	[tilespmem:$0x1F9F0] =	vst v8;
	v8 =	vsel vm6, $0xFFFFFFFF, v28;
	v7 =	vsel vm6, v22, v7;
	vm6 =	vgt.f32 v22, v4  }
0x317: {  	v46 =	vor.u32 $0x38, v3;
	v5 =	vsel vm9, $0x1B, v5;
	v7 =	vsel vm6, v4, v7  }
0x318: {  	v5 =	vsel vm10, v9, v5;
	v4 =	vsel vm6, v22, v4;
	vm0 =	vgt.f32 v26, v7  }
0x319: {  	[tilespmem:$0x1FA00] =	vst v6;
	v6 =	vsel vm0, $0xFFFFFFFF, v33;
	v7 =	vsel vm0, v26, v7;
	vm0 =	vgt.f32 v26, v4  }
0x31a: {  	v9 =	vsel vm10, $0x1B, v9;
	vm10 =	vnez.u8 v56;
	v7 =	vsel vm0, v4, v7  }
0x31b: {  	v56 =	vimm.s32 $0x0;
	v4 =	vsel vm0, v26, v4;
	vm7 =	vgt.f32 v30, v7  }
0x31c: {  	[tilespmem:$0x1F9C0] =	vst v11;
	v11 =	vsel vm0, $0xFFFFFFFF, v35;
	vm0 =	vgt.f32 v30, v4;
	v7 =	vsel vm7, v30, v7  }
0x31d: {  	v51 =	vld [tilespmem:$0x1F940];
	v22 =	vimm.s32 $0x0;
	v33 =	vimm.s32 $0x0;
	v7 =	vsel vm0, v4, v7  }
0x31e: {  	v16 =	vld [tilespmem:$0x1F970];
	[tilespmem:$0x1FA10] =	vst v10;
	v10 =	vsel vm7, $0xFFFFFFFF, v38;
	v4 =	vsel vm0, v30, v4;
	vm7 =	vgt.f32 v34, v7  }
0x31f: {  	[tilespmem:$0x1FA20] =	vst v8;
	v30 =	vimm.s32 $0x0;
	vm8 =	vgt.f32 v34, v4;
	v8 =	vsel vm7, $0xFFFFFFFF, v42  }
0x320: {  	[tilespmem:$0x1FA40] =	vst v11;
	v7 =	vsel vm7, v34, v7;
	v11 =	vsel vm8, $0xFFFFFFFF, v44;
	v42 =	vor.u32 $0x37, v3  }
0x321: {  	v44 =	vimm.s32 $0x0;
	v7 =	vsel vm8, v4, v7;
	v4 =	vsel vm8, v34, v4  }
0x322: {  	vm8 =	vnez.u8 v51;
	vm7 =	vgt.f32 v39, v7;
	vm2 =	vgt.f32 v39, v4  }
0x323: {  	v60 =	vld [tilespmem:$0x1F960];
	[tilespmem:$0x1FA30] =	vst v6;
	v5 =	vsel vm8, $0x1C, v5;
	vm8 =	vnez.u8 v16;
	v6 =	vsel vm7, $0xFFFFFFFF, v47  }
0x324: {  	[tilespmem:$0x1F9E0] =	vst v12;
	v7 =	vsel vm7, v39, v7;
	v12 =	vsel vm2, $0xFFFFFFFF, v49;
	v5 =	vsel vm11, v9, v5  }
0x325: {  	v21 =	vld [tilespmem:$0x1F980];
	v9 =	vsel vm11, $0x1C, v9;
	v7 =	vsel vm2, v4, v7;
	v4 =	vsel vm2, v39, v4  }
0x326: {  	v5 =	vsel vm10, $0x1D, v5;
	v39 =	vimm.s32 $0x0;
	vm9 =	vgt.f32 v43, v7  }
0x327: {  	v48 =	vld.idx.msk [tilespmem:v40+s2+$0x0], $0xffff;
	vm2 =	vgt.f32 v43, v4;
	v5 =	vsel vm12, v9, v5;
	v9 =	vsel vm12, $0x1D, v9  }
0x328: {  	v38 =	vld [tilespmem:$0x1F9D0];
	[tilespmem:$0x1FA50] =	vst v10;
	vm12 =	vnez.u8 v60;
	v60 =	vimm.s32 $0x0;
	v10 =	vsel vm9, $0xFFFFFFFF, v52  }
0x329: {  	[tilespmem:$0x1FA70] =	vst v11;
	v7 =	vsel vm9, v43, v7;
	v11 =	vsel vm2, $0xFFFFFFFF, v54;
	v5 =	vsel vm12, $0x1E, v5  }
0x32a: {  	v26 =	vld [tilespmem:$0x1F990];
	vm12 =	vnez.u8 v21;
	v52 =	vimm.s32 $0x0;
	v54 =	vor.u32 $0x3A, v3  }
0x32b: {  	v53 =	vld.idx.msk [tilespmem:v45+s2+$0x0], $0xffff;
	v21 =	vimm.s32 $0x0;
	v7 =	vsel vm2, v4, v7;
	v4 =	vsel vm2, v43, v4  }
0x32c: {  	v32 =	vld [tilespmem:$0x1F9B0];
	v5 =	vsel vm13, v9, v5;
	v9 =	vsel vm13, $0x1E, v9;
	vm11 =	vgt.f32 v48, v7  }
0x32d: {  	vm2 =	vgt.f32 v48, v4;
	v5 =	vsel vm8, $0x1F, v5;
	vm8 =	vnez.u8 v38  }
0x32e: {  	[tilespmem:$0x1FA60] =	vst v8;
	v8 =	vsel vm11, $0xFFFFFFFF, v57;
	v7 =	vsel vm11, v48, v7;
	v5 =	vsel vm14, v9, v5  }
0x32f: {  	v34 =	vld [tilespmem:$0x1F9C0];
	v9 =	vsel vm14, $0x1F, v9;
	vm14 =	vnez.u8 v26;
	v26 =	vimm.s32 $0x0  }
0x330: {  	v7 =	vsel vm2, v4, v7;
	v4 =	vsel vm2, v48, v4;
	v5 =	vsel vm12, $0x20, v5  }
0x331: {  	[tilespmem:$0x1F9A0] =	vst v13;
	vm12 =	vnez.u8 v32;
	v48 =	vimm.s32 $0x0;
	vm7 =	vgt.f32 v53, v7  }
0x332: {  	v28 =	vld [tilespmem:$0x1F9A0];
	vm11 =	vgt.f32 v53, v4;
	v5 =	vsel vm15, v9, v5;
	v9 =	vsel vm15, $0x20, v9  }
0x333: {  	[tilespmem:$0x1FA80] =	vst v6;
	v6 =	vsel vm7, $0xFFFFFFFF, v61;
	v7 =	vsel vm7, v53, v7;
	v5 =	vsel vm14, $0x21, v5  }
0x334: {  	v62 =	vld.idx.msk [tilespmem:v55+s2+$0x0], $0xffff;
	vm14 =	vnez.u8 v34;
	v7 =	vsel vm11, v4, v7;
	v4 =	vsel vm11, v53, v4  }
0x335: {  	[tilespmem:$0x1FA90] =	vst v12;
	v34 =	vimm.s32 $0x0;
	vm9 =	vgt.f32 v58, v7;
	vm10 =	vgt.f32 v58, v4  }
0x336: {  	[tilespmem:$0x1FAA0] =	vst v10;
	v10 =	vsel vm9, $0xFFFFFFFF, v17;
	v7 =	vsel vm9, v58, v7;
	v12 =	vsel vm10, $0xFFFFFFFF, v19  }
0x337: {  	vm9 =	vnez.u8 v28;
	v17 =	vimm.s32 $0x0;
	v19 =	vor.u32 $0x3D, v3  }
0x338: {  	v18 =	vld.idx.msk [tilespmem:v59+s2+$0x0], $0xffff;
	v7 =	vsel vm10, v4, v7;
	v4 =	vsel vm10, v58, v4;
	v5 =	vsel vm9, v9, v5  }
0x339: {  	v43 =	vld [tilespmem:$0x1F9F0];
	v9 =	vsel vm9, $0x21, v9;
	v58 =	vor.u32 $0x3B, v3;
	vm13 =	vgt.f32 v62, v7  }
0x33a: {  	[tilespmem:$0x1FAC0] =	vst v8;
	vm7 =	vgt.f32 v62, v4;
	v5 =	vsel vm12, $0x22, v5;
	v8 =	vsel vm13, $0xFFFFFFFF, v22  }
0x33b: {  	[tilespmem:$0x1FAB0] =	vst v11;
	v7 =	vsel vm13, v62, v7;
	v11 =	vsel vm7, $0xFFFFFFFF, v24;
	v5 =	vsel vm14, v9, v5  }
0x33c: {  	v40 =	vld [tilespmem:$0x1F9E0];
	v9 =	vsel vm14, $0x22, v9;
	v24 =	vor.u32 $0x3E, v3;
	v3 =	vor.u32 $0x3F, v3  }
0x33d: {  	v47 =	vld [tilespmem:$0x1FA00];
	v7 =	vsel vm7, v4, v7;
	v4 =	vsel vm7, v62, v4;
	v5 =	vsel vm8, $0x23, v5  }
0x33e: {  	v59 =	vld [tilespmem:$0x1FA30];
	[tilespmem:$0x1FAD0] =	vst v6;
	vm8 =	vnez.u8 v43;
	vm15 =	vgt.f32 v18, v7;
	vm10 =	vgt.f32 v18, v4  }
0x33f: {  	v51 =	vld [tilespmem:$0x1FA10];
	[tilespmem:$0x1FAF0] =	vst v12;
	v6 =	vsel vm15, $0xFFFFFFFF, v27;
	v7 =	vsel vm15, v18, v7;
	v12 =	vsel vm10, $0xFFFFFFFF, v30  }
0x340: {  	v30 =	vimm.s32 $0x0;
	v7 =	vsel vm10, v4, v7;
	v4 =	vsel vm10, v18, v4  }
0x341: {  	v29 =	vld.idx.msk [tilespmem:v20+s2+$0x0], $0xffff;
	vm10 =	vnez.u8 v40;
	vm13 =	vgt.f32 v23, v7;
	vm15 =	vgt.f32 v23, v4  }
0x342: {  	[tilespmem:$0x1FAE0] =	vst v10;
	v5 =	vsel vm10, v9, v5;
	v9 =	vsel vm10, $0x23, v9;
	vm10 =	vnez.u8 v47  }
0x343: {  	[tilespmem:$0x1FB10] =	vst v11;
	v10 =	vsel vm13, $0xFFFFFFFF, v33;
	v7 =	vsel vm13, v23, v7;
	v11 =	vsel vm15, $0xFFFFFFFF, v36  }
0x344: {  	v35 =	vld.idx.msk [tilespmem:v25+s2+$0x0], $0xffff;
	v5 =	vsel vm8, $0x24, v5;
	vm13 =	vnez.u8 v51;
	vm8 =	vnez.u8 v59  }
0x345: {  	v7 =	vsel vm15, v4, v7;
	v4 =	vsel vm15, v23, v4;
	v5 =	vsel vm3, v9, v5  }
0x346: {  	v55 =	vld [tilespmem:$0x1FA20];
	v9 =	vsel vm3, $0x24, v9;
	vm9 =	vgt.f32 v29, v7;
	vm15 =	vgt.f32 v29, v4  }
0x347: {  	v41 =	vld.idx.msk [tilespmem:v31+s2+$0x0], $0xffff;
	[tilespmem:$0x1FB00] =	vst v8;
	v5 =	vsel vm10, $0x25, v5;
	v8 =	vsel vm9, $0xFFFFFFFF, v39;
	v7 =	vsel vm9, v29, v7  }
0x348: {  	v5 =	vsel vm4, v9, v5;
	v9 =	vsel vm4, $0x25, v9;
	v7 =	vsel vm15, v4, v7  }
0x349: {  	v61 =	vld [tilespmem:$0x1FA40];
	v4 =	vsel vm15, v29, v4;
	v5 =	vsel vm13, $0x26, v5;
	vm9 =	vgt.f32 v35, v7  }
0x34a: {  	v45 =	vld.idx.msk [tilespmem:v37+s2+$0x0], $0xffff;
	vm14 =	vgt.f32 v35, v4;
	v5 =	vsel vm5, v9, v5;
	v7 =	vsel vm9, v35, v7  }
0x34b: {  	v9 =	vsel vm5, $0x26, v9;
	vm5 =	vnez.u8 v55;
	v7 =	vsel vm14, v4, v7  }
0x34c: {  	v5 =	vsel vm5, $0x27, v5;
	v4 =	vsel vm14, v35, v4;
	vm12 =	vgt.f32 v41, v7  }
0x34d: {  	v49 =	vld.idx.msk [tilespmem:v42+s2+$0x0], $0xffff;
	[tilespmem:$0x1FB40] =	vst v10;
	v10 =	vsel vm12, $0xFFFFFFFF, v48;
	v7 =	vsel vm12, v41, v7;
	vm12 =	vgt.f32 v41, v4  }
0x34e: {  	v20 =	vld [tilespmem:$0x1FA60];
	vm5 =	vnez.u8 v61;
	v5 =	vsel vm6, v9, v5;
	v7 =	vsel vm12, v4, v7  }
0x34f: {  	v9 =	vsel vm6, $0x27, v9;
	v4 =	vsel vm12, v41, v4;
	vm4 =	vgt.f32 v45, v7  }
0x350: {  	v53 =	vld.idx.msk [tilespmem:v46+s2+$0x0], $0xffff;
	v5 =	vsel vm8, $0x28, v5;
	vm10 =	vgt.f32 v45, v4;
	v7 =	vsel vm4, v45, v7  }
0x351: {  	v16 =	vld [tilespmem:$0x1FA50];
	[tilespmem:$0x1FB20] =	vst v6;
	v6 =	vsel vm9, $0xFFFFFFFF, v44;
	v5 =	vsel vm5, v9, v5;
	v7 =	vsel vm10, v4, v7  }
0x352: {  	v57 =	vld.idx.msk [tilespmem:v50+s2+$0x0], $0xffff;
	v9 =	vsel vm5, $0x28, v9;
	v4 =	vsel vm10, v45, v4;
	vm7 =	vgt.f32 v49, v7  }
0x353: {  	v22 =	vld [tilespmem:$0x1FA70];
	vm5 =	vnez.u8 v20;
	vm9 =	vgt.f32 v49, v4;
	v7 =	vsel vm7, v49, v7  }
0x354: {  	[tilespmem:$0x1FB60] =	vst v8;
	v8 =	vsel vm4, $0xFFFFFFFF, v52;
	v7 =	vsel vm9, v4, v7;
	v4 =	vsel vm9, v49, v4  }
0x355: {  	v25 =	vld [tilespmem:$0x1FA80];
	[tilespmem:$0x1FB70] =	vst v6;
	v6 =	vsel vm7, $0xFFFFFFFF, v56;
	vm13 =	vgt.f32 v53, v7;
	vm8 =	vgt.f32 v53, v4  }
0x356: {  	v62 =	vld.idx.msk [tilespmem:v54+s2+$0x0], $0xffff;
	[tilespmem:$0x1FB80] =	vst v10;
	v10 =	vsel vm13, $0xFFFFFFFF, v60;
	v7 =	vsel vm13, v53, v7;
	vm13 =	vnez.u8 v16  }
0x357: {  	v27 =	vld [tilespmem:$0x1FA90];
	v7 =	vsel vm8, v4, v7;
	v5 =	vsel vm13, $0x29, v5;
	v4 =	vsel vm8, v53, v4  }
0x358: {  	vm13 =	vnez.u8 v22;
	vm4 =	vgt.f32 v57, v7;
	v5 =	vsel vm0, v9, v5  }
0x359: {  	v31 =	vld [tilespmem:$0x1FAB0];
	[tilespmem:$0x1FB90] =	vst v8;
	vm7 =	vgt.f32 v57, v4;
	v9 =	vsel vm0, $0x29, v9;
	v8 =	vsel vm4, $0xFFFFFFFF, v17  }
0x35a: {  	v29 =	vld [tilespmem:$0x1FAA0];
	v7 =	vsel vm4, v57, v7;
	v5 =	vsel vm5, $0x2A, v5;
	vm4 =	vnez.u8 v25  }
0x35b: {  	v18 =	vld.idx.msk [tilespmem:v58+s2+$0x0], $0xffff;
	v7 =	vsel vm7, v4, v7;
	v4 =	vsel vm7, v57, v4;
	v5 =	vsel vm13, v9, v5  }
0x35c: {  	v9 =	vsel vm13, $0x2A, v9;
	vm13 =	vnez.u8 v27;
	vm6 =	vgt.f32 v62, v7  }
0x35d: {  	v33 =	vld [tilespmem:$0x1FAC0];
	[tilespmem:$0x1FBA0] =	vst v6;
	v5 =	vsel vm4, $0x2B, v5;
	v6 =	vsel vm6, $0xFFFFFFFF, v21;
	v7 =	vsel vm6, v62, v7  }
0x35e: {  	v23 =	vld.idx.msk [tilespmem:v63+s2+$0x0], $0xffff;
	vm6 =	vgt.f32 v62, v4;
	v5 =	vsel vm13, v9, v5;
	v9 =	vsel vm13, $0x2B, v9  }
0x35f: {  	vm13 =	vnez.u8 v29;
	v7 =	vsel vm6, v4, v7;
	v4 =	vsel vm6, v62, v4  }
0x360: {  	v5 =	vsel vm13, $0x2C, v5;
	vm13 =	vnez.u8 v31;
	vm5 =	vgt.f32 v18, v7  }
0x361: {  	v28 =	vld.idx.msk [tilespmem:v19+s2+$0x0], $0xffff;
	[tilespmem:$0x1FBB0] =	vst v10;
	v10 =	vsel vm5, $0xFFFFFFFF, v26;
	v7 =	vsel vm5, v18, v7;
	vm5 =	vgt.f32 v18, v4  }
0x362: {  	v36 =	vld [tilespmem:$0x1FAD0];
	v5 =	vsel vm13, v9, v5;
	v9 =	vsel vm13, $0x2C, v9;
	v7 =	vsel vm5, v4, v7  }
0x363: {  	vm13 =	vnez.u8 v33;
	v4 =	vsel vm5, v18, v4;
	vm4 =	vgt.f32 v23, v7  }
0x364: {  	v38 =	vld [tilespmem:$0x1FAE0];
	[tilespmem:$0x1FBC0] =	vst v8;
	v8 =	vsel vm4, $0xFFFFFFFF, v30;
	v7 =	vsel vm4, v23, v7;
	vm4 =	vgt.f32 v23, v4  }
0x365: {  	v32 =	vld.idx.msk [tilespmem:v24+s2+$0x0], $0xffff;
	v5 =	vsel vm13, $0x2D, v5;
	v35 =	vsel vm2, $0x2D, v9;
	v7 =	vsel vm4, v4, v7  }
0x366: {  	v40 =	vld [tilespmem:$0x1FAF0];
	v5 =	vsel vm2, v9, v5;
	v4 =	vsel vm4, v23, v4;
	vm13 =	vgt.f32 v28, v7  }
0x367: {  	v41 =	vld [tilespmem:$0x1FB00];
	[tilespmem:$0x1FBD0] =	vst v6;
	v6 =	vsel vm13, $0xFFFFFFFF, v34;
	v7 =	vsel vm13, v28, v7;
	vm13 =	vnez.u8 v36  }
0x368: {  	v3 =	vld.idx.msk [tilespmem:v3+s2+$0x0], $0xffff;
	v37 =	vsel vm11, $0x2E, v35;
	vm3 =	vgt.f32 v28, v4;
	v5 =	vsel vm13, $0x2E, v5  }
0x369: {  	v42 =	vld [tilespmem:$0x1FB10];
	v7 =	vsel vm3, v4, v7;
	v4 =	vsel vm3, v28, v4;
	v5 =	vsel vm11, v35, v5  }
0x36a: {  	vm13 =	vgt.f32 v32, v7;
	vm11 =	vnez.u8 v38;
	vm2 =	vgt.f32 v32, v4  }
0x36b: {  	[tilespmem:$0x1FB30] =	vst v12;
	v44 =	vld [tilespmem:$0x1FB20];
	v5 =	vsel vm11, $0x2F, v5;
	v39 =	vsel vm13, v32, v7;
	vm11 =	vnez.u8 v40  }
0x36c: {  	v45 =	vld [tilespmem:$0x1FB30];
	vm0 =	vnez.u8 v41;
	[tilespmem:$0x1FC00] =	vst v6;
	v5 =	vsel vm11, v37, v5;
	v6 =	vsel vm2, v4, v39  }
0x36d: {  	[tilespmem:$0x1FB50] =	vst v11;
	v46 =	vld [tilespmem:$0x1FB40];
	v7 =	vsel vm11, $0x2F, v37;
	v4 =	vsel vm2, v32, v4;
	vm11 =	vgt.f32 v3, v6  }
0x36e: {  	v47 =	vld [tilespmem:$0x1FB50];
	v5 =	vsel vm0, $0x30, v5;
	vm1 =	vgt.f32 v3, v4;
	vm0 =	vnez.u8 v42  }
0x36f: {  	v48 =	vld [tilespmem:$0x1FB60];
	v6 =	vsel vm11, v3, v6;
	v5 =	vsel vm0, v7, v5;
	v3 =	vsel vm1, v3, v4  }
0x370: {  	v43 =	vsel vm0, $0x30, v7;
	vm0 =	vnez.u8 v44;
	v6 =	vsel vm1, v4, v6  }
0x371: {  	v49 =	vld [tilespmem:$0x1FB70];
	v5 =	vsel vm0, $0x31, v5;
	vm0 =	vnez.u8 v45;
	v3 =	vsub.f32 v6, v3  }
0x372: {  	v5 =	vsel vm0, v43, v5;
	v4 =	vsel vm0, $0x31, v43;
	vm0 =	vnez.u8 v46  }
0x373: {  	v50 =	vld [tilespmem:$0x1FB80];
	v5 =	vsel vm0, $0x32, v5;
	vm0 =	vnez.u8 v47;
	v3 =	vmul.f32 $1.442695020e+00, v3  }
0x374: {  	v5 =	vsel vm0, v4, v5;
	v4 =	vsel vm0, $0x32, v4;
	vm0 =	vnez.u8 v48  }
0x375: {  	v51 =	vld [tilespmem:$0x1FB90];
	v5 =	vsel vm0, $0x33, v5;
	(erf) = vpow2.f32 v3  }
0x376: {  	v3 =	vsel vm15, v4, v5;
	v4 =	vsel vm15, $0x33, v4;
	vm15 =	vnez.u8 v49  }
0x377: {  	v52 =	vld [tilespmem:$0x1FBA0];
	v3 =	vsel vm15, $0x34, v3  }
0x378: {  	vm15 =	vnez.u8 v50;
	v3 =	vsel vm14, v4, v3  }
0x379: {  	v54 =	vld [tilespmem:$0x1FBB0];
	v4 =	vsel vm14, $0x34, v4;
	v3 =	vsel vm15, $0x35, v3  }
0x37a: {  	v3 =	vsel vm12, v4, v3;
	v4 =	vsel vm12, $0x35, v4;
	vm12 =	vnez.u8 v51  }
0x37b: {  	v56 =	vld [tilespmem:$0x1FBC0];
	v3 =	vsel vm12, $0x36, v3  }
0x37c: {  	vm14 =	vnez.u8 v52;
	v3 =	vsel vm10, v4, v3  }
0x37d: {  	v57 =	vld [tilespmem:$0x1FBD0];
	v4 =	vsel vm10, $0x36, v4;
	v3 =	vsel vm14, $0x37, v3  }
0x37e: {  	[tilespmem:$0x1FBE0] =	vst v10;
	vm15 =	vnez.u8 v54;
	v3 =	vsel vm9, v4, v3;
	v53 =	vpop (erf)  }
0x37f: {  	v58 =	vld [tilespmem:$0x1FBE0];
	v4 =	vsel vm9, $0x37, v4;
	v3 =	vsel vm15, $0x38, v3;
	v55 =	vadd.f32 $1.000000000e+00, v53  }
0x380: {  	[tilespmem:$0x1FBF0] =	vst v8;
	vm9 =	vnez.u8 v56;
	v3 =	vsel vm8, v4, v3  }
0x381: {  	v59 =	vld [tilespmem:$0x1FBF0];
	v4 =	vsel vm8, $0x38, v4;
	v3 =	vsel vm9, $0x39, v3;
	(erf) = vrcp.f32 v55  }
0x382: {  	vm10 =	vnez.u8 v57;
	v3 =	vsel vm7, v4, v3  }
0x383: {  	v61 =	vld [tilespmem:$0x1FC00];
	v4 =	vsel vm7, $0x39, v4;
	v3 =	vsel vm10, $0x3A, v3  }
0x384: {  	vm12 =	vnez.u8 v58;
	v3 =	vsel vm6, v4, v3  }
0x385: {  	v4 =	vsel vm6, $0x3A, v4;
	v3 =	vsel vm12, $0x3B, v3  }
0x386: {  	vm14 =	vnez.u8 v59;
	v3 =	vsel vm5, v4, v3  }
0x387: {  	v2 =	vshll.u32 v2, $0x1;
	v4 =	vsel vm5, $0x3B, v4;
	v3 =	vsel vm14, $0x3C, v3  }
0x388: {  	v60 =	vor.u32 $0x1, v2;
	vm15 =	vnez.u8 v61;
	v3 =	vsel vm4, v4, v3  }
0x389: {  	v4 =	vsel vm4, $0x3C, v4;
	v3 =	vsel vm15, $0x3D, v3  }
0x38a: {  	v3 =	vsel vm3, v4, v3;
	v62 =	vpop (erf)  }
0x38b: {  	v4 =	vsel vm3, $0x3D, v4;
	v3 =	vsel vm13, $0x3E, v3;
	v5 =	vmul.f32 v62, v53  }
0x38c: {  	v3 =	vsel vm2, v4, v3;
	v4 =	vsel vm2, $0x3E, v4;
	[tilespmem:v2+s8+$0x0] =	vst.idx.msk $0xffff, v62  }
0x38d: {  	v3 =	vsel vm11, $0x3F, v3;
	v63 =	vsel vm1, $0x3F, v4;
	[tilespmem:v60+s8+$0x0] =	vst.idx.msk $0xffff, v5  }
0x38e: {  	v3 =	vsel vm1, v4, v3;
	[tilespmem:v2+s9+$0x0] =	vst.idx.msk $0xffff, v63  }
0x38f: {  	[tilespmem:v60+s9+$0x0] =	vst.idx.msk $0xffff, v3  }
0x390: {  	[hbm4b:s4+s2] =	stream.linear.scatter [tilespmem:s8], [sflag:$0x1], $0x200, $0x38;
	[tilespmem:$0x4400] =	vst v63  }
0x391: {  	s10 =	sadd.s32 $0x1, s10;
	_ =	swait.ge [sflag:s7], $0x200  }
0x392: {  	p0 =	sne.s32 s10, s6;
	[sflag:s7] =	ssyncset.done $0x0  }
.Ltmp1:
0x393: {  	[sflag:s7] =	ssyncadd.s32 $0xFFFFFE00;
	(pc) =	sbr.rel @p0 .LBB2_1-.Ltmp1, $4  }
0x394: {  	[hbm4b:s5+s2] =	stream.linear.scatter [tilespmem:s9], [sflag:$0x1], $0x200, $0x38;
	[tilespmem:$0x4400] =	vst v63  }
0x395: {  	_ =	swait.ge [sflag:s7], $0x200  }
0x396: {  	[sflag:s7] =	ssyncset.done $0x0  }
0x397: {  	[sflag:s7] =	ssyncadd.s32 $0xFFFFFE00  }
0x398: {  	_ =	sfence.sel $0x180000  }
0x399: {  	[bflag:$0x0] =	sbarrier.arrive $0xFFFF  }
0x39a: {  	p0 =	sne.s32 s1, $0x0;
	_ =	strace $0x90000047  }
0x39b: {  	s0 =	sadd.s32 @!p0 $0x100000, s0;
	[bflag:$0x2] =	sbarrier.arrive $0xFFFF  }
0x39c: {  	[sflag:s0] =	ssyncadd.tile.s32 @!p0 $0x1;
	_ =	shalt  }
.Lfunc_end2:
_tile_overlayer_lowered:
.L_overlay_start_2:
0x39d: {  	(tag) =	ssettag $0x2  }
0x39e: {  	s0 =	rddreg [dreg:$0x0];
	s2 =	stileid.u32  }
0x39f: {  	s1 =	rddreg [dreg:$0x1];
	p0 =	sne.s32 s2, $0x0  }
0x3a0: {  	s3 =	rddreg [dreg:$0x2];
	[bflag:$0x3] =	sbarrier.arrive $0xFFFF;
	s2 =	simm.s32 @!p0 $0x1C01  }
0x3a1: {  	[timem:s3], [sflag:s2] =	dma.local @!p0 [hbm:s0], s1  }
0x3a2: {  	s0 =	simm.s32 @!p0 $0x1  }
0x3a3: {  	_ =	swait.ge @!p0 [sflag:s0], s1  }
0x3a4: {  	s1 =	ssub.s32 @!p0 $0x0, s1;
	[sflag:s0] =	ssyncset.done @!p0 $0x0  }
0x3a5: {  	[sflag:s0] =	ssyncadd.s32 @!p0 s1  }
0x3a6: {  	[bflag:$0x3] =	sbarrier.arrive $0xFFFF  }
0x3a7: {  	_ =	shalt  }

</sc_bundles>
